<compile_context>
chip_gen: v7x
topology: tpu7x:2x2x1
jax: 0.10.2.dev20260603
libtpu: 0.0.44.dev20260713+nightly
codegen_flags: <defaults>
</compile_context>

<pallas_src>
import functools

import jax
import jax.numpy as jnp
from jax import lax
from jax.experimental import pallas as pl
from jax.experimental.pallas import tpu as pltpu
from jax.experimental.pallas import tpu_sc as plsc

_NC = 2
_NS = 16
_NW = _NC * _NS
_CHUNK = 128
_NBUF = 7


@functools.partial(jax.jit, static_argnames=("n_chunks", "d"))
def _sc_gather(table, idx3, n_chunks, d):
    n_rows = _NW * n_chunks * _CHUNK
    nbuf = min(_NBUF, n_chunks)

    @functools.partial(
        pl.kernel,
        out_type=jax.ShapeDtypeStruct((n_rows, d), jnp.float32),
        mesh=plsc.VectorSubcoreMesh(core_axis_name="c", subcore_axis_name="s"),
        scratch_types=[
            pltpu.VMEM((n_chunks, _CHUNK), jnp.int32),
            pltpu.VMEM((nbuf, _CHUNK, d), jnp.float32),
        ]
        + [pltpu.SemaphoreType.DMA] * (2 * nbuf),
    )
    def k(table_hbm, idx_hbm, out_hbm, idx_v, rows_v, *sems):
        sem_g, sem_s = sems[:nbuf], sems[nbuf:]
        wid = lax.axis_index("s") * _NC + lax.axis_index("c")
        pltpu.sync_copy(idx_hbm.at[wid], idx_v)
        base = wid * (n_chunks * _CHUNK)

        def gather(b, j):
            return pltpu.make_async_copy(
                table_hbm.at[idx_v.at[j]], rows_v.at[b], sem_g[b])

        def store(b, j):
            return pltpu.make_async_copy(
                rows_v.at[b], out_hbm.at[pl.ds(base + j * _CHUNK, _CHUNK)],
                sem_s[b])

        for b in range(nbuf):
            gather(b, b).start()
        waited = 0
        for j in range(n_chunks):
            b = j % nbuf
            gather(b, j).wait()
            store(b, j).start()
            p = j - 2
            if p >= 0 and p + nbuf < n_chunks:
                store(p % nbuf, p).wait()
                gather(p % nbuf, p + nbuf).start()
                waited = p + 1
        for j in range(waited, n_chunks):
            store(j % nbuf, j).wait()

    return k(table, idx3)


def kernel(indices, embedding_table):
    b, f = indices.shape
    v, d = embedding_table.shape
    n = b * f
    assert n % (_NW * _CHUNK) == 0
    n_chunks = n // (_NW * _CHUNK)
    idx3 = indices.T.reshape(_NW, n_chunks, _CHUNK).astype(jnp.int32)
    out = _sc_gather(embedding_table, idx3, n_chunks, d)
    return out.reshape(f, b, d).transpose(1, 0, 2)

# --- scband reference (transcript-rebuilt; emitter-appended) ---
"""Pipeline reference for scband-embedding-29472065585502 (READ-ONLY COPY).

The authoritative reference and input builder live on the scoring server;
editing this copy changes nothing except your own understanding.
"""

import jax, jax.numpy as jnp
import numpy as np

INPUT_DIM = 100000
OUTPUT_DIM = 128
BATCH = 4096
FIELDS = 26

def setup_inputs(seed: int = 0) -> dict:
    key = jax.random.key(seed)
    k_idx, k_tab = jax.random.split(key)
    indices = jax.random.randint(k_idx, (BATCH, FIELDS), 0, INPUT_DIM, dtype=jnp.int64 if jax.config.jax_enable_x64 else jnp.int32)
    # EmbeddingInitializer: uniform in [-1/sqrt(input_dim), 1/sqrt(input_dim)]
    maxval = np.sqrt(1.0 / INPUT_DIM)
    embedding_table = jax.random.uniform(k_tab, (INPUT_DIM, OUTPUT_DIM), minval=-maxval, maxval=maxval, dtype=jnp.float32)
    return {"indices": indices, "embedding_table": embedding_table}

def reference(indices, embedding_table):
    # tf.gather(params=embedding_table, indices=indices)
    return jnp.take(embedding_table, indices, axis=0)

if __name__ == "__main__":
    import jax
    _d = setup_inputs()
    print(jax.jit(kernel)(*tuple(_d.values())))

</pallas_src>

<mosaic_0001>
#map = affine_map<(d0, d1) -> (0, 0)>
#map1 = affine_map<(d0, d1) -> (0, 0, 0)>
module attributes {stable_mosaic.version = 14 : i64} {
  func.func @k(%arg0: i32, %arg1: i32, %arg2: memref<100000x128xf32, #tpu.memory_space<hbm>>, %arg3: memref<32x26x128xi32, #tpu.memory_space<hbm>>, %arg4: memref<106496x128xf32, #tpu.memory_space<hbm>>, %arg5: memref<26x128xi32, #tpu.memory_space<vmem>>, %arg6: memref<7x128x128xf32, #tpu.memory_space<vmem>>, %arg7: memref<!tpu.dma_semaphore, #tpu.memory_space<semaphore_mem>>, %arg8: memref<!tpu.dma_semaphore, #tpu.memory_space<semaphore_mem>>, %arg9: memref<!tpu.dma_semaphore, #tpu.memory_space<semaphore_mem>>, %arg10: memref<!tpu.dma_semaphore, #tpu.memory_space<semaphore_mem>>, %arg11: memref<!tpu.dma_semaphore, #tpu.memory_space<semaphore_mem>>, %arg12: memref<!tpu.dma_semaphore, #tpu.memory_space<semaphore_mem>>, %arg13: memref<!tpu.dma_semaphore, #tpu.memory_space<semaphore_mem>>, %arg14: memref<!tpu.dma_semaphore, #tpu.memory_space<semaphore_mem>>, %arg15: memref<!tpu.dma_semaphore, #tpu.memory_space<semaphore_mem>>, %arg16: memref<!tpu.dma_semaphore, #tpu.memory_space<semaphore_mem>>, %arg17: memref<!tpu.dma_semaphore, #tpu.memory_space<semaphore_mem>>, %arg18: memref<!tpu.dma_semaphore, #tpu.memory_space<semaphore_mem>>, %arg19: memref<!tpu.dma_semaphore, #tpu.memory_space<semaphore_mem>>, %arg20: memref<!tpu.dma_semaphore, #tpu.memory_space<semaphore_mem>>) attributes {dimension_semantics = [#tpu.dimension_semantics<core_parallel>, #tpu.dimension_semantics<subcore_parallel>], iteration_bounds = array<i64: 2, 16>, scalar_prefetch = 0 : i64, scratch_operands = 16 : i64, tpu.core_type = #tpu.core_type<sc_vector_subcore>, window_params = [{transform_indices = #map}, {transform_indices = #map1}, {transform_indices = #map}]} {
    %mul3A = arith.constant 2 : i32
    %mul3A_0 = arith.muli %arg1, %mul3A : i32
    %add3A = arith.addi %mul3A_0, %arg0 : i32
    "tpu.region"() ({
      %run_scoped3A = tpu.sem_alloc : memref<!tpu.dma_semaphore, #tpu.memory_space<semaphore_mem>>
      %dma_start3A_1405 = arith.constant 0 : i32
      %dma_start3A_1406 = arith.constant 0 : i32
      %dma_start3A_1407 = tpu.memref_slice %arg3[%add3A, %dma_start3A_1405, %dma_start3A_1406] : memref<32x26x128xi32, #tpu.memory_space<hbm>> -> memref<1x26x128xi32, #tpu.memory_space<hbm>>
      %dma_start3A_1408 = tpu.memref_squeeze %dma_start3A_1407 : memref<1x26x128xi32, #tpu.memory_space<hbm>> -> memref<26x128xi32, #tpu.memory_space<hbm>>
      %dma_start3A_1409 = arith.constant 0 : i32
      %dma_start3A_1410 = arith.constant 0 : i32
      %dma_start3A_1411 = tpu.memref_slice %arg3[%add3A, %dma_start3A_1409, %dma_start3A_1410] : memref<32x26x128xi32, #tpu.memory_space<hbm>> -> memref<1x26x128xi32, #tpu.memory_space<hbm>>
      %dma_start3A_1412 = tpu.memref_squeeze %dma_start3A_1411 : memref<1x26x128xi32, #tpu.memory_space<hbm>> -> memref<26x128xi32, #tpu.memory_space<hbm>>
      tpu.enqueue_dma source(%dma_start3A_1412 : memref<26x128xi32, #tpu.memory_space<hbm>>) target(%arg5 : memref<26x128xi32, #tpu.memory_space<vmem>>) target_semaphore(%run_scoped3A : memref<!tpu.dma_semaphore, #tpu.memory_space<semaphore_mem>>)
      %dma_wait3A_1413 = arith.constant 0 : i32
      %dma_wait3A_1414 = arith.constant 0 : i32
      %dma_wait3A_1415 = tpu.memref_slice %arg3[%add3A, %dma_wait3A_1413, %dma_wait3A_1414] : memref<32x26x128xi32, #tpu.memory_space<hbm>> -> memref<1x26x128xi32, #tpu.memory_space<hbm>>
      %dma_wait3A_1416 = tpu.memref_squeeze %dma_wait3A_1415 : memref<1x26x128xi32, #tpu.memory_space<hbm>> -> memref<26x128xi32, #tpu.memory_space<hbm>>
      %dma_wait3A_1417 = arith.constant 0 : i32
      %dma_wait3A_1418 = arith.constant 0 : i32
      %dma_wait3A_1419 = tpu.memref_slice %arg3[%add3A, %dma_wait3A_1417, %dma_wait3A_1418] : memref<32x26x128xi32, #tpu.memory_space<hbm>> -> memref<1x26x128xi32, #tpu.memory_space<hbm>>
      %dma_wait3A_1420 = tpu.memref_squeeze %dma_wait3A_1419 : memref<1x26x128xi32, #tpu.memory_space<hbm>> -> memref<26x128xi32, #tpu.memory_space<hbm>>
      tpu.wait_dma2 semaphore(%run_scoped3A : memref<!tpu.dma_semaphore, #tpu.memory_space<semaphore_mem>>) src(%dma_wait3A_1420 : memref<26x128xi32, #tpu.memory_space<hbm>>) dst(%arg5 : memref<26x128xi32, #tpu.memory_space<vmem>>)
      tpu.yield
    }) : () -> ()
    %mul3A_1 = arith.constant 3328 : i32
    %mul3A_2 = arith.muli %add3A, %mul3A_1 : i32
    %dma_start3A = arith.constant 0 : i32
    %dma_start3A_3 = arith.constant 0 : i32
    %dma_start3A_4 = arith.constant 0 : i32
    %dma_start3A_5 = arith.constant 0 : i32
    %dma_start3A_6 = tpu.memref_slice %arg6[%dma_start3A_3, %dma_start3A_4, %dma_start3A_5] : memref<7x128x128xf32, #tpu.memory_space<vmem>> -> memref<1x128x128xf32, #tpu.memory_space<vmem>>
    %dma_start3A_7 = tpu.memref_squeeze %dma_start3A_6 : memref<1x128x128xf32, #tpu.memory_space<vmem>> -> memref<128x128xf32, #tpu.memory_space<vmem>>
    %dma_start3A_8 = arith.constant 0 : i32
    %dma_start3A_9 = tpu.memref_slice %arg5[%dma_start3A, %dma_start3A_8] : memref<26x128xi32, #tpu.memory_space<vmem>> -> memref<1x128xi32, #tpu.memory_space<vmem>>
    %dma_start3A_10 = tpu.memref_squeeze %dma_start3A_9 : memref<1x128xi32, #tpu.memory_space<vmem>> -> memref<128xi32, #tpu.memory_space<vmem>>
    %dma_start3A_11 = arith.constant 0 : i32
    %dma_start3A_12 = arith.constant 0 : i32
    %dma_start3A_13 = tpu.memref_slice %arg2[%dma_start3A_11, %dma_start3A_12] : memref<100000x128xf32, #tpu.memory_space<hbm>> -> memref<100000x128xf32, #tpu.memory_space<hbm>>
    tpu.enqueue_indirect_dma source(%dma_start3A_13 : memref<100000x128xf32, #tpu.memory_space<hbm>>) target(%dma_start3A_7 : memref<128x128xf32, #tpu.memory_space<vmem>>) offsets(%dma_start3A_10 : memref<128xi32, #tpu.memory_space<vmem>>) semaphore(%arg7 : memref<!tpu.dma_semaphore, #tpu.memory_space<semaphore_mem>>)
    %dma_start3A_14 = arith.constant 1 : i32
    %dma_start3A_15 = arith.constant 1 : i32
    %dma_start3A_16 = arith.constant 0 : i32
    %dma_start3A_17 = arith.constant 0 : i32
    %dma_start3A_18 = tpu.memref_slice %arg6[%dma_start3A_15, %dma_start3A_16, %dma_start3A_17] : memref<7x128x128xf32, #tpu.memory_space<vmem>> -> memref<1x128x128xf32, #tpu.memory_space<vmem>>
    %dma_start3A_19 = tpu.memref_squeeze %dma_start3A_18 : memref<1x128x128xf32, #tpu.memory_space<vmem>> -> memref<128x128xf32, #tpu.memory_space<vmem>>
    %dma_start3A_20 = arith.constant 0 : i32
    %dma_start3A_21 = tpu.memref_slice %arg5[%dma_start3A_14, %dma_start3A_20] : memref<26x128xi32, #tpu.memory_space<vmem>> -> memref<1x128xi32, #tpu.memory_space<vmem>>
    %dma_start3A_22 = tpu.memref_squeeze %dma_start3A_21 : memref<1x128xi32, #tpu.memory_space<vmem>> -> memref<128xi32, #tpu.memory_space<vmem>>
    %dma_start3A_23 = arith.constant 0 : i32
    %dma_start3A_24 = arith.constant 0 : i32
    %dma_start3A_25 = tpu.memref_slice %arg2[%dma_start3A_23, %dma_start3A_24] : memref<100000x128xf32, #tpu.memory_space<hbm>> -> memref<100000x128xf32, #tpu.memory_space<hbm>>
    tpu.enqueue_indirect_dma source(%dma_start3A_25 : memref<100000x128xf32, #tpu.memory_space<hbm>>) target(%dma_start3A_19 : memref<128x128xf32, #tpu.memory_space<vmem>>) offsets(%dma_start3A_22 : memref<128xi32, #tpu.memory_space<vmem>>) semaphore(%arg8 : memref<!tpu.dma_semaphore, #tpu.memory_space<semaphore_mem>>)
    %dma_start3A_26 = arith.constant 2 : i32
    %dma_start3A_27 = arith.constant 2 : i32
    %dma_start3A_28 = arith.constant 0 : i32
    %dma_start3A_29 = arith.constant 0 : i32
    %dma_start3A_30 = tpu.memref_slice %arg6[%dma_start3A_27, %dma_start3A_28, %dma_start3A_29] : memref<7x128x128xf32, #tpu.memory_space<vmem>> -> memref<1x128x128xf32, #tpu.memory_space<vmem>>
    %dma_start3A_31 = tpu.memref_squeeze %dma_start3A_30 : memref<1x128x128xf32, #tpu.memory_space<vmem>> -> memref<128x128xf32, #tpu.memory_space<vmem>>
    %dma_start3A_32 = arith.constant 0 : i32
    %dma_start3A_33 = tpu.memref_slice %arg5[%dma_start3A_26, %dma_start3A_32] : memref<26x128xi32, #tpu.memory_space<vmem>> -> memref<1x128xi32, #tpu.memory_space<vmem>>
    %dma_start3A_34 = tpu.memref_squeeze %dma_start3A_33 : memref<1x128xi32, #tpu.memory_space<vmem>> -> memref<128xi32, #tpu.memory_space<vmem>>
    %dma_start3A_35 = arith.constant 0 : i32
    %dma_start3A_36 = arith.constant 0 : i32
    %dma_start3A_37 = tpu.memref_slice %arg2[%dma_start3A_35, %dma_start3A_36] : memref<100000x128xf32, #tpu.memory_space<hbm>> -> memref<100000x128xf32, #tpu.memory_space<hbm>>
    tpu.enqueue_indirect_dma source(%dma_start3A_37 : memref<100000x128xf32, #tpu.memory_space<hbm>>) target(%dma_start3A_31 : memref<128x128xf32, #tpu.memory_space<vmem>>) offsets(%dma_start3A_34 : memref<128xi32, #tpu.memory_space<vmem>>) semaphore(%arg9 : memref<!tpu.dma_semaphore, #tpu.memory_space<semaphore_mem>>)
    %dma_start3A_38 = arith.constant 3 : i32
    %dma_start3A_39 = arith.constant 3 : i32
    %dma_start3A_40 = arith.constant 0 : i32
    %dma_start3A_41 = arith.constant 0 : i32
    %dma_start3A_42 = tpu.memref_slice %arg6[%dma_start3A_39, %dma_start3A_40, %dma_start3A_41] : memref<7x128x128xf32, #tpu.memory_space<vmem>> -> memref<1x128x128xf32, #tpu.memory_space<vmem>>
    %dma_start3A_43 = tpu.memref_squeeze %dma_start3A_42 : memref<1x128x128xf32, #tpu.memory_space<vmem>> -> memref<128x128xf32, #tpu.memory_space<vmem>>
    %dma_start3A_44 = arith.constant 0 : i32
    %dma_start3A_45 = tpu.memref_slice %arg5[%dma_start3A_38, %dma_start3A_44] : memref<26x128xi32, #tpu.memory_space<vmem>> -> memref<1x128xi32, #tpu.memory_space<vmem>>
    %dma_start3A_46 = tpu.memref_squeeze %dma_start3A_45 : memref<1x128xi32, #tpu.memory_space<vmem>> -> memref<128xi32, #tpu.memory_space<vmem>>
    %dma_start3A_47 = arith.constant 0 : i32
    %dma_start3A_48 = arith.constant 0 : i32
    %dma_start3A_49 = tpu.memref_slice %arg2[%dma_start3A_47, %dma_start3A_48] : memref<100000x128xf32, #tpu.memory_space<hbm>> -> memref<100000x128xf32, #tpu.memory_space<hbm>>
    tpu.enqueue_indirect_dma source(%dma_start3A_49 : memref<100000x128xf32, #tpu.memory_space<hbm>>) target(%dma_start3A_43 : memref<128x128xf32, #tpu.memory_space<vmem>>) offsets(%dma_start3A_46 : memref<128xi32, #tpu.memory_space<vmem>>) semaphore(%arg10 : memref<!tpu.dma_semaphore, #tpu.memory_space<semaphore_mem>>)
    %dma_start3A_50 = arith.constant 4 : i32
    %dma_start3A_51 = arith.constant 4 : i32
    %dma_start3A_52 = arith.constant 0 : i32
    %dma_start3A_53 = arith.constant 0 : i32
    %dma_start3A_54 = tpu.memref_slice %arg6[%dma_start3A_51, %dma_start3A_52, %dma_start3A_53] : memref<7x128x128xf32, #tpu.memory_space<vmem>> -> memref<1x128x128xf32, #tpu.memory_space<vmem>>
    %dma_start3A_55 = tpu.memref_squeeze %dma_start3A_54 : memref<1x128x128xf32, #tpu.memory_space<vmem>> -> memref<128x128xf32, #tpu.memory_space<vmem>>
    %dma_start3A_56 = arith.constant 0 : i32
    %dma_start3A_57 = tpu.memref_slice %arg5[%dma_start3A_50, %dma_start3A_56] : memref<26x128xi32, #tpu.memory_space<vmem>> -> memref<1x128xi32, #tpu.memory_space<vmem>>
    %dma_start3A_58 = tpu.memref_squeeze %dma_start3A_57 : memref<1x128xi32, #tpu.memory_space<vmem>> -> memref<128xi32, #tpu.memory_space<vmem>>
    %dma_start3A_59 = arith.constant 0 : i32
    %dma_start3A_60 = arith.constant 0 : i32
    %dma_start3A_61 = tpu.memref_slice %arg2[%dma_start3A_59, %dma_start3A_60] : memref<100000x128xf32, #tpu.memory_space<hbm>> -> memref<100000x128xf32, #tpu.memory_space<hbm>>
    tpu.enqueue_indirect_dma source(%dma_start3A_61 : memref<100000x128xf32, #tpu.memory_space<hbm>>) target(%dma_start3A_55 : memref<128x128xf32, #tpu.memory_space<vmem>>) offsets(%dma_start3A_58 : memref<128xi32, #tpu.memory_space<vmem>>) semaphore(%arg11 : memref<!tpu.dma_semaphore, #tpu.memory_space<semaphore_mem>>)
    %dma_start3A_62 = arith.constant 5 : i32
    %dma_start3A_63 = arith.constant 5 : i32
    %dma_start3A_64 = arith.constant 0 : i32
    %dma_start3A_65 = arith.constant 0 : i32
    %dma_start3A_66 = tpu.memref_slice %arg6[%dma_start3A_63, %dma_start3A_64, %dma_start3A_65] : memref<7x128x128xf32, #tpu.memory_space<vmem>> -> memref<1x128x128xf32, #tpu.memory_space<vmem>>
    %dma_start3A_67 = tpu.memref_squeeze %dma_start3A_66 : memref<1x128x128xf32, #tpu.memory_space<vmem>> -> memref<128x128xf32, #tpu.memory_space<vmem>>
    %dma_start3A_68 = arith.constant 0 : i32
    %dma_start3A_69 = tpu.memref_slice %arg5[%dma_start3A_62, %dma_start3A_68] : memref<26x128xi32, #tpu.memory_space<vmem>> -> memref<1x128xi32, #tpu.memory_space<vmem>>
    %dma_start3A_70 = tpu.memref_squeeze %dma_start3A_69 : memref<1x128xi32, #tpu.memory_space<vmem>> -> memref<128xi32, #tpu.memory_space<vmem>>
    %dma_start3A_71 = arith.constant 0 : i32
    %dma_start3A_72 = arith.constant 0 : i32
    %dma_start3A_73 = tpu.memref_slice %arg2[%dma_start3A_71, %dma_start3A_72] : memref<100000x128xf32, #tpu.memory_space<hbm>> -> memref<100000x128xf32, #tpu.memory_space<hbm>>
    tpu.enqueue_indirect_dma source(%dma_start3A_73 : memref<100000x128xf32, #tpu.memory_space<hbm>>) target(%dma_start3A_67 : memref<128x128xf32, #tpu.memory_space<vmem>>) offsets(%dma_start3A_70 : memref<128xi32, #tpu.memory_space<vmem>>) semaphore(%arg12 : memref<!tpu.dma_semaphore, #tpu.memory_space<semaphore_mem>>)
    %dma_start3A_74 = arith.constant 6 : i32
    %dma_start3A_75 = arith.constant 6 : i32
    %dma_start3A_76 = arith.constant 0 : i32
    %dma_start3A_77 = arith.constant 0 : i32
    %dma_start3A_78 = tpu.memref_slice %arg6[%dma_start3A_75, %dma_start3A_76, %dma_start3A_77] : memref<7x128x128xf32, #tpu.memory_space<vmem>> -> memref<1x128x128xf32, #tpu.memory_space<vmem>>
    %dma_start3A_79 = tpu.memref_squeeze %dma_start3A_78 : memref<1x128x128xf32, #tpu.memory_space<vmem>> -> memref<128x128xf32, #tpu.memory_space<vmem>>
    %dma_start3A_80 = arith.constant 0 : i32
    %dma_start3A_81 = tpu.memref_slice %arg5[%dma_start3A_74, %dma_start3A_80] : memref<26x128xi32, #tpu.memory_space<vmem>> -> memref<1x128xi32, #tpu.memory_space<vmem>>
    %dma_start3A_82 = tpu.memref_squeeze %dma_start3A_81 : memref<1x128xi32, #tpu.memory_space<vmem>> -> memref<128xi32, #tpu.memory_space<vmem>>
    %dma_start3A_83 = arith.constant 0 : i32
    %dma_start3A_84 = arith.constant 0 : i32
    %dma_start3A_85 = tpu.memref_slice %arg2[%dma_start3A_83, %dma_start3A_84] : memref<100000x128xf32, #tpu.memory_space<hbm>> -> memref<100000x128xf32, #tpu.memory_space<hbm>>
    tpu.enqueue_indirect_dma source(%dma_start3A_85 : memref<100000x128xf32, #tpu.memory_space<hbm>>) target(%dma_start3A_79 : memref<128x128xf32, #tpu.memory_space<vmem>>) offsets(%dma_start3A_82 : memref<128xi32, #tpu.memory_space<vmem>>) semaphore(%arg13 : memref<!tpu.dma_semaphore, #tpu.memory_space<semaphore_mem>>)
    %dma_wait3A = arith.constant 0 : i32
    %dma_wait3A_86 = arith.constant 0 : i32
    %dma_wait3A_87 = arith.constant 0 : i32
    %dma_wait3A_88 = arith.constant 0 : i32
    %dma_wait3A_89 = tpu.memref_slice %arg6[%dma_wait3A_86, %dma_wait3A_87, %dma_wait3A_88] : memref<7x128x128xf32, #tpu.memory_space<vmem>> -> memref<1x128x128xf32, #tpu.memory_space<vmem>>
    %dma_wait3A_90 = tpu.memref_squeeze %dma_wait3A_89 : memref<1x128x128xf32, #tpu.memory_space<vmem>> -> memref<128x128xf32, #tpu.memory_space<vmem>>
    %dma_wait3A_91 = arith.constant 0 : i32
    %dma_wait3A_92 = tpu.memref_slice %arg5[%dma_wait3A, %dma_wait3A_91] : memref<26x128xi32, #tpu.memory_space<vmem>> -> memref<1x128xi32, #tpu.memory_space<vmem>>
    %dma_wait3A_93 = tpu.memref_squeeze %dma_wait3A_92 : memref<1x128xi32, #tpu.memory_space<vmem>> -> memref<128xi32, #tpu.memory_space<vmem>>
    %dma_wait3A_94 = arith.constant 0 : i32
    %dma_wait3A_95 = arith.constant 0 : i32
    %dma_wait3A_96 = tpu.memref_slice %arg2[%dma_wait3A_94, %dma_wait3A_95] : memref<100000x128xf32, #tpu.memory_space<hbm>> -> memref<100000x128xf32, #tpu.memory_space<hbm>>
    tpu.wait_indirect_dma semaphore(%arg7 : memref<!tpu.dma_semaphore, #tpu.memory_space<semaphore_mem>>) src(%dma_wait3A_96 : memref<100000x128xf32, #tpu.memory_space<hbm>>) dst(%dma_wait3A_90 : memref<128x128xf32, #tpu.memory_space<vmem>>)
    %add3A_97 = arith.constant 0 : i32
    %add3A_98 = arith.addi %mul3A_2, %add3A_97 : i32
    %dma_start3A_99 = arith.constant 0 : i32
    %dma_start3A_100 = arith.constant 0 : i32
    %dma_start3A_101 = arith.constant 0 : i32
    %dma_start3A_102 = tpu.memref_slice %arg6[%dma_start3A_99, %dma_start3A_100, %dma_start3A_101] : memref<7x128x128xf32, #tpu.memory_space<vmem>> -> memref<1x128x128xf32, #tpu.memory_space<vmem>>
    %dma_start3A_103 = tpu.memref_squeeze %dma_start3A_102 : memref<1x128x128xf32, #tpu.memory_space<vmem>> -> memref<128x128xf32, #tpu.memory_space<vmem>>
    %dma_start3A_104 = arith.constant 0 : i32
    %dma_start3A_105 = tpu.memref_slice %arg4[%add3A_98, %dma_start3A_104] : memref<106496x128xf32, #tpu.memory_space<hbm>> -> memref<128x128xf32, #tpu.memory_space<hbm>>
    %dma_start3A_106 = arith.constant 0 : i32
    %dma_start3A_107 = tpu.memref_slice %arg4[%add3A_98, %dma_start3A_106] : memref<106496x128xf32, #tpu.memory_space<hbm>> -> memref<128x128xf32, #tpu.memory_space<hbm>>
    %dma_start3A_108 = arith.constant 0 : i32
    %dma_start3A_109 = arith.constant 0 : i32
    %dma_start3A_110 = tpu.memref_slice %arg6[%dma_start3A_99, %dma_start3A_108, %dma_start3A_109] : memref<7x128x128xf32, #tpu.memory_space<vmem>> -> memref<1x128x128xf32, #tpu.memory_space<vmem>>
    %dma_start3A_111 = tpu.memref_squeeze %dma_start3A_110 : memref<1x128x128xf32, #tpu.memory_space<vmem>> -> memref<128x128xf32, #tpu.memory_space<vmem>>
    tpu.enqueue_dma source(%dma_start3A_111 : memref<128x128xf32, #tpu.memory_space<vmem>>) target(%dma_start3A_107 : memref<128x128xf32, #tpu.memory_space<hbm>>) target_semaphore(%arg14 : memref<!tpu.dma_semaphore, #tpu.memory_space<semaphore_mem>>)
    %dma_wait3A_112 = arith.constant 1 : i32
    %dma_wait3A_113 = arith.constant 1 : i32
    %dma_wait3A_114 = arith.constant 0 : i32
    %dma_wait3A_115 = arith.constant 0 : i32
    %dma_wait3A_116 = tpu.memref_slice %arg6[%dma_wait3A_113, %dma_wait3A_114, %dma_wait3A_115] : memref<7x128x128xf32, #tpu.memory_space<vmem>> -> memref<1x128x128xf32, #tpu.memory_space<vmem>>
    %dma_wait3A_117 = tpu.memref_squeeze %dma_wait3A_116 : memref<1x128x128xf32, #tpu.memory_space<vmem>> -> memref<128x128xf32, #tpu.memory_space<vmem>>
    %dma_wait3A_118 = arith.constant 0 : i32
    %dma_wait3A_119 = tpu.memref_slice %arg5[%dma_wait3A_112, %dma_wait3A_118] : memref<26x128xi32, #tpu.memory_space<vmem>> -> memref<1x128xi32, #tpu.memory_space<vmem>>
    %dma_wait3A_120 = tpu.memref_squeeze %dma_wait3A_119 : memref<1x128xi32, #tpu.memory_space<vmem>> -> memref<128xi32, #tpu.memory_space<vmem>>
    %dma_wait3A_121 = arith.constant 0 : i32
    %dma_wait3A_122 = arith.constant 0 : i32
    %dma_wait3A_123 = tpu.memref_slice %arg2[%dma_wait3A_121, %dma_wait3A_122] : memref<100000x128xf32, #tpu.memory_space<hbm>> -> memref<100000x128xf32, #tpu.memory_space<hbm>>
    tpu.wait_indirect_dma semaphore(%arg8 : memref<!tpu.dma_semaphore, #tpu.memory_space<semaphore_mem>>) src(%dma_wait3A_123 : memref<100000x128xf32, #tpu.memory_space<hbm>>) dst(%dma_wait3A_117 : memref<128x128xf32, #tpu.memory_space<vmem>>)
    %add3A_124 = arith.constant 128 : i32
    %add3A_125 = arith.addi %mul3A_2, %add3A_124 : i32
    %dma_start3A_126 = arith.constant 1 : i32
    %dma_start3A_127 = arith.constant 0 : i32
    %dma_start3A_128 = arith.constant 0 : i32
    %dma_start3A_129 = tpu.memref_slice %arg6[%dma_start3A_126, %dma_start3A_127, %dma_start3A_128] : memref<7x128x128xf32, #tpu.memory_space<vmem>> -> memref<1x128x128xf32, #tpu.memory_space<vmem>>
    %dma_start3A_130 = tpu.memref_squeeze %dma_start3A_129 : memref<1x128x128xf32, #tpu.memory_space<vmem>> -> memref<128x128xf32, #tpu.memory_space<vmem>>
    %dma_start3A_131 = arith.constant 0 : i32
    %dma_start3A_132 = tpu.memref_slice %arg4[%add3A_125, %dma_start3A_131] : memref<106496x128xf32, #tpu.memory_space<hbm>> -> memref<128x128xf32, #tpu.memory_space<hbm>>
    %dma_start3A_133 = arith.constant 0 : i32
    %dma_start3A_134 = tpu.memref_slice %arg4[%add3A_125, %dma_start3A_133] : memref<106496x128xf32, #tpu.memory_space<hbm>> -> memref<128x128xf32, #tpu.memory_space<hbm>>
    %dma_start3A_135 = arith.constant 0 : i32
    %dma_start3A_136 = arith.constant 0 : i32
    %dma_start3A_137 = tpu.memref_slice %arg6[%dma_start3A_126, %dma_start3A_135, %dma_start3A_136] : memref<7x128x128xf32, #tpu.memory_space<vmem>> -> memref<1x128x128xf32, #tpu.memory_space<vmem>>
    %dma_start3A_138 = tpu.memref_squeeze %dma_start3A_137 : memref<1x128x128xf32, #tpu.memory_space<vmem>> -> memref<128x128xf32, #tpu.memory_space<vmem>>
    tpu.enqueue_dma source(%dma_start3A_138 : memref<128x128xf32, #tpu.memory_space<vmem>>) target(%dma_start3A_134 : memref<128x128xf32, #tpu.memory_space<hbm>>) target_semaphore(%arg15 : memref<!tpu.dma_semaphore, #tpu.memory_space<semaphore_mem>>)
    %dma_wait3A_139 = arith.constant 2 : i32
    %dma_wait3A_140 = arith.constant 2 : i32
    %dma_wait3A_141 = arith.constant 0 : i32
    %dma_wait3A_142 = arith.constant 0 : i32
    %dma_wait3A_143 = tpu.memref_slice %arg6[%dma_wait3A_140, %dma_wait3A_141, %dma_wait3A_142] : memref<7x128x128xf32, #tpu.memory_space<vmem>> -> memref<1x128x128xf32, #tpu.memory_space<vmem>>
    %dma_wait3A_144 = tpu.memref_squeeze %dma_wait3A_143 : memref<1x128x128xf32, #tpu.memory_space<vmem>> -> memref<128x128xf32, #tpu.memory_space<vmem>>
    %dma_wait3A_145 = arith.constant 0 : i32
    %dma_wait3A_146 = tpu.memref_slice %arg5[%dma_wait3A_139, %dma_wait3A_145] : memref<26x128xi32, #tpu.memory_space<vmem>> -> memref<1x128xi32, #tpu.memory_space<vmem>>
    %dma_wait3A_147 = tpu.memref_squeeze %dma_wait3A_146 : memref<1x128xi32, #tpu.memory_space<vmem>> -> memref<128xi32, #tpu.memory_space<vmem>>
    %dma_wait3A_148 = arith.constant 0 : i32
    %dma_wait3A_149 = arith.constant 0 : i32
    %dma_wait3A_150 = tpu.memref_slice %arg2[%dma_wait3A_148, %dma_wait3A_149] : memref<100000x128xf32, #tpu.memory_space<hbm>> -> memref<100000x128xf32, #tpu.memory_space<hbm>>
    tpu.wait_indirect_dma semaphore(%arg9 : memref<!tpu.dma_semaphore, #tpu.memory_space<semaphore_mem>>) src(%dma_wait3A_150 : memref<100000x128xf32, #tpu.memory_space<hbm>>) dst(%dma_wait3A_144 : memref<128x128xf32, #tpu.memory_space<vmem>>)
    %add3A_151 = arith.constant 256 : i32
    %add3A_152 = arith.addi %mul3A_2, %add3A_151 : i32
    %dma_start3A_153 = arith.constant 2 : i32
    %dma_start3A_154 = arith.constant 0 : i32
    %dma_start3A_155 = arith.constant 0 : i32
    %dma_start3A_156 = tpu.memref_slice %arg6[%dma_start3A_153, %dma_start3A_154, %dma_start3A_155] : memref<7x128x128xf32, #tpu.memory_space<vmem>> -> memref<1x128x128xf32, #tpu.memory_space<vmem>>
    %dma_start3A_157 = tpu.memref_squeeze %dma_start3A_156 : memref<1x128x128xf32, #tpu.memory_space<vmem>> -> memref<128x128xf32, #tpu.memory_space<vmem>>
    %dma_start3A_158 = arith.constant 0 : i32
    %dma_start3A_159 = tpu.memref_slice %arg4[%add3A_152, %dma_start3A_158] : memref<106496x128xf32, #tpu.memory_space<hbm>> -> memref<128x128xf32, #tpu.memory_space<hbm>>
    %dma_start3A_160 = arith.constant 0 : i32
    %dma_start3A_161 = tpu.memref_slice %arg4[%add3A_152, %dma_start3A_160] : memref<106496x128xf32, #tpu.memory_space<hbm>> -> memref<128x128xf32, #tpu.memory_space<hbm>>
    %dma_start3A_162 = arith.constant 0 : i32
    %dma_start3A_163 = arith.constant 0 : i32
    %dma_start3A_164 = tpu.memref_slice %arg6[%dma_start3A_153, %dma_start3A_162, %dma_start3A_163] : memref<7x128x128xf32, #tpu.memory_space<vmem>> -> memref<1x128x128xf32, #tpu.memory_space<vmem>>
    %dma_start3A_165 = tpu.memref_squeeze %dma_start3A_164 : memref<1x128x128xf32, #tpu.memory_space<vmem>> -> memref<128x128xf32, #tpu.memory_space<vmem>>
    tpu.enqueue_dma source(%dma_start3A_165 : memref<128x128xf32, #tpu.memory_space<vmem>>) target(%dma_start3A_161 : memref<128x128xf32, #tpu.memory_space<hbm>>) target_semaphore(%arg16 : memref<!tpu.dma_semaphore, #tpu.memory_space<semaphore_mem>>)
    %add3A_166 = arith.constant 0 : i32
    %add3A_167 = arith.addi %mul3A_2, %add3A_166 : i32
    %dma_wait3A_168 = arith.constant 0 : i32
    %dma_wait3A_169 = arith.constant 0 : i32
    %dma_wait3A_170 = arith.constant 0 : i32
    %dma_wait3A_171 = tpu.memref_slice %arg6[%dma_wait3A_168, %dma_wait3A_169, %dma_wait3A_170] : memref<7x128x128xf32, #tpu.memory_space<vmem>> -> memref<1x128x128xf32, #tpu.memory_space<vmem>>
    %dma_wait3A_172 = tpu.memref_squeeze %dma_wait3A_171 : memref<1x128x128xf32, #tpu.memory_space<vmem>> -> memref<128x128xf32, #tpu.memory_space<vmem>>
    %dma_wait3A_173 = arith.constant 0 : i32
    %dma_wait3A_174 = tpu.memref_slice %arg4[%add3A_167, %dma_wait3A_173] : memref<106496x128xf32, #tpu.memory_space<hbm>> -> memref<128x128xf32, #tpu.memory_space<hbm>>
    %dma_wait3A_175 = arith.constant 0 : i32
    %dma_wait3A_176 = tpu.memref_slice %arg4[%add3A_167, %dma_wait3A_175] : memref<106496x128xf32, #tpu.memory_space<hbm>> -> memref<128x128xf32, #tpu.memory_space<hbm>>
    %dma_wait3A_177 = arith.constant 0 : i32
    %dma_wait3A_178 = arith.constant 0 : i32
    %dma_wait3A_179 = tpu.memref_slice %arg6[%dma_wait3A_168, %dma_wait3A_177, %dma_wait3A_178] : memref<7x128x128xf32, #tpu.memory_space<vmem>> -> memref<1x128x128xf32, #tpu.memory_space<vmem>>
    %dma_wait3A_180 = tpu.memref_squeeze %dma_wait3A_179 : memref<1x128x128xf32, #tpu.memory_space<vmem>> -> memref<128x128xf32, #tpu.memory_space<vmem>>
    tpu.wait_dma2 semaphore(%arg14 : memref<!tpu.dma_semaphore, #tpu.memory_space<semaphore_mem>>) src(%dma_wait3A_180 : memref<128x128xf32, #tpu.memory_space<vmem>>) dst(%dma_wait3A_176 : memref<128x128xf32, #tpu.memory_space<hbm>>)
    %dma_start3A_181 = arith.constant 7 : i32
    %dma_start3A_182 = arith.constant 0 : i32
    %dma_start3A_183 = arith.constant 0 : i32
    %dma_start3A_184 = arith.constant 0 : i32
    %dma_start3A_185 = tpu.memref_slice %arg6[%dma_start3A_182, %dma_start3A_183, %dma_start3A_184] : memref<7x128x128xf32, #tpu.memory_space<vmem>> -> memref<1x128x128xf32, #tpu.memory_space<vmem>>
    %dma_start3A_186 = tpu.memref_squeeze %dma_start3A_185 : memref<1x128x128xf32, #tpu.memory_space<vmem>> -> memref<128x128xf32, #tpu.memory_space<vmem>>
    %dma_start3A_187 = arith.constant 0 : i32
    %dma_start3A_188 = tpu.memref_slice %arg5[%dma_start3A_181, %dma_start3A_187] : memref<26x128xi32, #tpu.memory_space<vmem>> -> memref<1x128xi32, #tpu.memory_space<vmem>>
    %dma_start3A_189 = tpu.memref_squeeze %dma_start3A_188 : memref<1x128xi32, #tpu.memory_space<vmem>> -> memref<128xi32, #tpu.memory_space<vmem>>
    %dma_start3A_190 = arith.constant 0 : i32
    %dma_start3A_191 = arith.constant 0 : i32
    %dma_start3A_192 = tpu.memref_slice %arg2[%dma_start3A_190, %dma_start3A_191] : memref<100000x128xf32, #tpu.memory_space<hbm>> -> memref<100000x128xf32, #tpu.memory_space<hbm>>
    tpu.enqueue_indirect_dma source(%dma_start3A_192 : memref<100000x128xf32, #tpu.memory_space<hbm>>) target(%dma_start3A_186 : memref<128x128xf32, #tpu.memory_space<vmem>>) offsets(%dma_start3A_189 : memref<128xi32, #tpu.memory_space<vmem>>) semaphore(%arg7 : memref<!tpu.dma_semaphore, #tpu.memory_space<semaphore_mem>>)
    %dma_wait3A_193 = arith.constant 3 : i32
    %dma_wait3A_194 = arith.constant 3 : i32
    %dma_wait3A_195 = arith.constant 0 : i32
    %dma_wait3A_196 = arith.constant 0 : i32
    %dma_wait3A_197 = tpu.memref_slice %arg6[%dma_wait3A_194, %dma_wait3A_195, %dma_wait3A_196] : memref<7x128x128xf32, #tpu.memory_space<vmem>> -> memref<1x128x128xf32, #tpu.memory_space<vmem>>
    %dma_wait3A_198 = tpu.memref_squeeze %dma_wait3A_197 : memref<1x128x128xf32, #tpu.memory_space<vmem>> -> memref<128x128xf32, #tpu.memory_space<vmem>>
    %dma_wait3A_199 = arith.constant 0 : i32
    %dma_wait3A_200 = tpu.memref_slice %arg5[%dma_wait3A_193, %dma_wait3A_199] : memref<26x128xi32, #tpu.memory_space<vmem>> -> memref<1x128xi32, #tpu.memory_space<vmem>>
    %dma_wait3A_201 = tpu.memref_squeeze %dma_wait3A_200 : memref<1x128xi32, #tpu.memory_space<vmem>> -> memref<128xi32, #tpu.memory_space<vmem>>
    %dma_wait3A_202 = arith.constant 0 : i32
    %dma_wait3A_203 = arith.constant 0 : i32
    %dma_wait3A_204 = tpu.memref_slice %arg2[%dma_wait3A_202, %dma_wait3A_203] : memref<100000x128xf32, #tpu.memory_space<hbm>> -> memref<100000x128xf32, #tpu.memory_space<hbm>>
    tpu.wait_indirect_dma semaphore(%arg10 : memref<!tpu.dma_semaphore, #tpu.memory_space<semaphore_mem>>) src(%dma_wait3A_204 : memref<100000x128xf32, #tpu.memory_space<hbm>>) dst(%dma_wait3A_198 : memref<128x128xf32, #tpu.memory_space<vmem>>)
    %add3A_205 = arith.constant 384 : i32
    %add3A_206 = arith.addi %mul3A_2, %add3A_205 : i32
    %dma_start3A_207 = arith.constant 3 : i32
    %dma_start3A_208 = arith.constant 0 : i32
    %dma_start3A_209 = arith.constant 0 : i32
    %dma_start3A_210 = tpu.memref_slice %arg6[%dma_start3A_207, %dma_start3A_208, %dma_start3A_209] : memref<7x128x128xf32, #tpu.memory_space<vmem>> -> memref<1x128x128xf32, #tpu.memory_space<vmem>>
    %dma_start3A_211 = tpu.memref_squeeze %dma_start3A_210 : memref<1x128x128xf32, #tpu.memory_space<vmem>> -> memref<128x128xf32, #tpu.memory_space<vmem>>
    %dma_start3A_212 = arith.constant 0 : i32
    %dma_start3A_213 = tpu.memref_slice %arg4[%add3A_206, %dma_start3A_212] : memref<106496x128xf32, #tpu.memory_space<hbm>> -> memref<128x128xf32, #tpu.memory_space<hbm>>
    %dma_start3A_214 = arith.constant 0 : i32
    %dma_start3A_215 = tpu.memref_slice %arg4[%add3A_206, %dma_start3A_214] : memref<106496x128xf32, #tpu.memory_space<hbm>> -> memref<128x128xf32, #tpu.memory_space<hbm>>
    %dma_start3A_216 = arith.constant 0 : i32
    %dma_start3A_217 = arith.constant 0 : i32
    %dma_start3A_218 = tpu.memref_slice %arg6[%dma_start3A_207, %dma_start3A_216, %dma_start3A_217] : memref<7x128x128xf32, #tpu.memory_space<vmem>> -> memref<1x128x128xf32, #tpu.memory_space<vmem>>
    %dma_start3A_219 = tpu.memref_squeeze %dma_start3A_218 : memref<1x128x128xf32, #tpu.memory_space<vmem>> -> memref<128x128xf32, #tpu.memory_space<vmem>>
    tpu.enqueue_dma source(%dma_start3A_219 : memref<128x128xf32, #tpu.memory_space<vmem>>) target(%dma_start3A_215 : memref<128x128xf32, #tpu.memory_space<hbm>>) target_semaphore(%arg17 : memref<!tpu.dma_semaphore, #tpu.memory_space<semaphore_mem>>)
    %add3A_220 = arith.constant 128 : i32
    %add3A_221 = arith.addi %mul3A_2, %add3A_220 : i32
    %dma_wait3A_222 = arith.constant 1 : i32
    %dma_wait3A_223 = arith.constant 0 : i32
    %dma_wait3A_224 = arith.constant 0 : i32
    %dma_wait3A_225 = tpu.memref_slice %arg6[%dma_wait3A_222, %dma_wait3A_223, %dma_wait3A_224] : memref<7x128x128xf32, #tpu.memory_space<vmem>> -> memref<1x128x128xf32, #tpu.memory_space<vmem>>
    %dma_wait3A_226 = tpu.memref_squeeze %dma_wait3A_225 : memref<1x128x128xf32, #tpu.memory_space<vmem>> -> memref<128x128xf32, #tpu.memory_space<vmem>>
    %dma_wait3A_227 = arith.constant 0 : i32
    %dma_wait3A_228 = tpu.memref_slice %arg4[%add3A_221, %dma_wait3A_227] : memref<106496x128xf32, #tpu.memory_space<hbm>> -> memref<128x128xf32, #tpu.memory_space<hbm>>
    %dma_wait3A_229 = arith.constant 0 : i32
    %dma_wait3A_230 = tpu.memref_slice %arg4[%add3A_221, %dma_wait3A_229] : memref<106496x128xf32, #tpu.memory_space<hbm>> -> memref<128x128xf32, #tpu.memory_space<hbm>>
    %dma_wait3A_231 = arith.constant 0 : i32
    %dma_wait3A_232 = arith.constant 0 : i32
    %dma_wait3A_233 = tpu.memref_slice %arg6[%dma_wait3A_222, %dma_wait3A_231, %dma_wait3A_232] : memref<7x128x128xf32, #tpu.memory_space<vmem>> -> memref<1x128x128xf32, #tpu.memory_space<vmem>>
    %dma_wait3A_234 = tpu.memref_squeeze %dma_wait3A_233 : memref<1x128x128xf32, #tpu.memory_space<vmem>> -> memref<128x128xf32, #tpu.memory_space<vmem>>
    tpu.wait_dma2 semaphore(%arg15 : memref<!tpu.dma_semaphore, #tpu.memory_space<semaphore_mem>>) src(%dma_wait3A_234 : memref<128x128xf32, #tpu.memory_space<vmem>>) dst(%dma_wait3A_230 : memref<128x128xf32, #tpu.memory_space<hbm>>)
    %dma_start3A_235 = arith.constant 8 : i32
    %dma_start3A_236 = arith.constant 1 : i32
    %dma_start3A_237 = arith.constant 0 : i32
    %dma_start3A_238 = arith.constant 0 : i32
    %dma_start3A_239 = tpu.memref_slice %arg6[%dma_start3A_236, %dma_start3A_237, %dma_start3A_238] : memref<7x128x128xf32, #tpu.memory_space<vmem>> -> memref<1x128x128xf32, #tpu.memory_space<vmem>>
    %dma_start3A_240 = tpu.memref_squeeze %dma_start3A_239 : memref<1x128x128xf32, #tpu.memory_space<vmem>> -> memref<128x128xf32, #tpu.memory_space<vmem>>
    %dma_start3A_241 = arith.constant 0 : i32
    %dma_start3A_242 = tpu.memref_slice %arg5[%dma_start3A_235, %dma_start3A_241] : memref<26x128xi32, #tpu.memory_space<vmem>> -> memref<1x128xi32, #tpu.memory_space<vmem>>
    %dma_start3A_243 = tpu.memref_squeeze %dma_start3A_242 : memref<1x128xi32, #tpu.memory_space<vmem>> -> memref<128xi32, #tpu.memory_space<vmem>>
    %dma_start3A_244 = arith.constant 0 : i32
    %dma_start3A_245 = arith.constant 0 : i32
    %dma_start3A_246 = tpu.memref_slice %arg2[%dma_start3A_244, %dma_start3A_245] : memref<100000x128xf32, #tpu.memory_space<hbm>> -> memref<100000x128xf32, #tpu.memory_space<hbm>>
    tpu.enqueue_indirect_dma source(%dma_start3A_246 : memref<100000x128xf32, #tpu.memory_space<hbm>>) target(%dma_start3A_240 : memref<128x128xf32, #tpu.memory_space<vmem>>) offsets(%dma_start3A_243 : memref<128xi32, #tpu.memory_space<vmem>>) semaphore(%arg8 : memref<!tpu.dma_semaphore, #tpu.memory_space<semaphore_mem>>)
    %dma_wait3A_247 = arith.constant 4 : i32
    %dma_wait3A_248 = arith.constant 4 : i32
    %dma_wait3A_249 = arith.constant 0 : i32
    %dma_wait3A_250 = arith.constant 0 : i32
    %dma_wait3A_251 = tpu.memref_slice %arg6[%dma_wait3A_248, %dma_wait3A_249, %dma_wait3A_250] : memref<7x128x128xf32, #tpu.memory_space<vmem>> -> memref<1x128x128xf32, #tpu.memory_space<vmem>>
    %dma_wait3A_252 = tpu.memref_squeeze %dma_wait3A_251 : memref<1x128x128xf32, #tpu.memory_space<vmem>> -> memref<128x128xf32, #tpu.memory_space<vmem>>
    %dma_wait3A_253 = arith.constant 0 : i32
    %dma_wait3A_254 = tpu.memref_slice %arg5[%dma_wait3A_247, %dma_wait3A_253] : memref<26x128xi32, #tpu.memory_space<vmem>> -> memref<1x128xi32, #tpu.memory_space<vmem>>
    %dma_wait3A_255 = tpu.memref_squeeze %dma_wait3A_254 : memref<1x128xi32, #tpu.memory_space<vmem>> -> memref<128xi32, #tpu.memory_space<vmem>>
    %dma_wait3A_256 = arith.constant 0 : i32
    %dma_wait3A_257 = arith.constant 0 : i32
    %dma_wait3A_258 = tpu.memref_slice %arg2[%dma_wait3A_256, %dma_wait3A_257] : memref<100000x128xf32, #tpu.memory_space<hbm>> -> memref<100000x128xf32, #tpu.memory_space<hbm>>
    tpu.wait_indirect_dma semaphore(%arg11 : memref<!tpu.dma_semaphore, #tpu.memory_space<semaphore_mem>>) src(%dma_wait3A_258 : memref<100000x128xf32, #tpu.memory_space<hbm>>) dst(%dma_wait3A_252 : memref<128x128xf32, #tpu.memory_space<vmem>>)
    %add3A_259 = arith.constant 512 : i32
    %add3A_260 = arith.addi %mul3A_2, %add3A_259 : i32
    %dma_start3A_261 = arith.constant 4 : i32
    %dma_start3A_262 = arith.constant 0 : i32
    %dma_start3A_263 = arith.constant 0 : i32
    %dma_start3A_264 = tpu.memref_slice %arg6[%dma_start3A_261, %dma_start3A_262, %dma_start3A_263] : memref<7x128x128xf32, #tpu.memory_space<vmem>> -> memref<1x128x128xf32, #tpu.memory_space<vmem>>
    %dma_start3A_265 = tpu.memref_squeeze %dma_start3A_264 : memref<1x128x128xf32, #tpu.memory_space<vmem>> -> memref<128x128xf32, #tpu.memory_space<vmem>>
    %dma_start3A_266 = arith.constant 0 : i32
    %dma_start3A_267 = tpu.memref_slice %arg4[%add3A_260, %dma_start3A_266] : memref<106496x128xf32, #tpu.memory_space<hbm>> -> memref<128x128xf32, #tpu.memory_space<hbm>>
    %dma_start3A_268 = arith.constant 0 : i32
    %dma_start3A_269 = tpu.memref_slice %arg4[%add3A_260, %dma_start3A_268] : memref<106496x128xf32, #tpu.memory_space<hbm>> -> memref<128x128xf32, #tpu.memory_space<hbm>>
    %dma_start3A_270 = arith.constant 0 : i32
    %dma_start3A_271 = arith.constant 0 : i32
    %dma_start3A_272 = tpu.memref_slice %arg6[%dma_start3A_261, %dma_start3A_270, %dma_start3A_271] : memref<7x128x128xf32, #tpu.memory_space<vmem>> -> memref<1x128x128xf32, #tpu.memory_space<vmem>>
    %dma_start3A_273 = tpu.memref_squeeze %dma_start3A_272 : memref<1x128x128xf32, #tpu.memory_space<vmem>> -> memref<128x128xf32, #tpu.memory_space<vmem>>
    tpu.enqueue_dma source(%dma_start3A_273 : memref<128x128xf32, #tpu.memory_space<vmem>>) target(%dma_start3A_269 : memref<128x128xf32, #tpu.memory_space<hbm>>) target_semaphore(%arg18 : memref<!tpu.dma_semaphore, #tpu.memory_space<semaphore_mem>>)
    %add3A_274 = arith.constant 256 : i32
    %add3A_275 = arith.addi %mul3A_2, %add3A_274 : i32
    %dma_wait3A_276 = arith.constant 2 : i32
    %dma_wait3A_277 = arith.constant 0 : i32
    %dma_wait3A_278 = arith.constant 0 : i32
    %dma_wait3A_279 = tpu.memref_slice %arg6[%dma_wait3A_276, %dma_wait3A_277, %dma_wait3A_278] : memref<7x128x128xf32, #tpu.memory_space<vmem>> -> memref<1x128x128xf32, #tpu.memory_space<vmem>>
    %dma_wait3A_280 = tpu.memref_squeeze %dma_wait3A_279 : memref<1x128x128xf32, #tpu.memory_space<vmem>> -> memref<128x128xf32, #tpu.memory_space<vmem>>
    %dma_wait3A_281 = arith.constant 0 : i32
    %dma_wait3A_282 = tpu.memref_slice %arg4[%add3A_275, %dma_wait3A_281] : memref<106496x128xf32, #tpu.memory_space<hbm>> -> memref<128x128xf32, #tpu.memory_space<hbm>>
    %dma_wait3A_283 = arith.constant 0 : i32
    %dma_wait3A_284 = tpu.memref_slice %arg4[%add3A_275, %dma_wait3A_283] : memref<106496x128xf32, #tpu.memory_space<hbm>> -> memref<128x128xf32, #tpu.memory_space<hbm>>
    %dma_wait3A_285 = arith.constant 0 : i32
    %dma_wait3A_286 = arith.constant 0 : i32
    %dma_wait3A_287 = tpu.memref_slice %arg6[%dma_wait3A_276, %dma_wait3A_285, %dma_wait3A_286] : memref<7x128x128xf32, #tpu.memory_space<vmem>> -> memref<1x128x128xf32, #tpu.memory_space<vmem>>
    %dma_wait3A_288 = tpu.memref_squeeze %dma_wait3A_287 : memref<1x128x128xf32, #tpu.memory_space<vmem>> -> memref<128x128xf32, #tpu.memory_space<vmem>>
    tpu.wait_dma2 semaphore(%arg16 : memref<!tpu.dma_semaphore, #tpu.memory_space<semaphore_mem>>) src(%dma_wait3A_288 : memref<128x128xf32, #tpu.memory_space<vmem>>) dst(%dma_wait3A_284 : memref<128x128xf32, #tpu.memory_space<hbm>>)
    %dma_start3A_289 = arith.constant 9 : i32
    %dma_start3A_290 = arith.constant 2 : i32
    %dma_start3A_291 = arith.constant 0 : i32
    %dma_start3A_292 = arith.constant 0 : i32
    %dma_start3A_293 = tpu.memref_slice %arg6[%dma_start3A_290, %dma_start3A_291, %dma_start3A_292] : memref<7x128x128xf32, #tpu.memory_space<vmem>> -> memref<1x128x128xf32, #tpu.memory_space<vmem>>
    %dma_start3A_294 = tpu.memref_squeeze %dma_start3A_293 : memref<1x128x128xf32, #tpu.memory_space<vmem>> -> memref<128x128xf32, #tpu.memory_space<vmem>>
    %dma_start3A_295 = arith.constant 0 : i32
    %dma_start3A_296 = tpu.memref_slice %arg5[%dma_start3A_289, %dma_start3A_295] : memref<26x128xi32, #tpu.memory_space<vmem>> -> memref<1x128xi32, #tpu.memory_space<vmem>>
    %dma_start3A_297 = tpu.memref_squeeze %dma_start3A_296 : memref<1x128xi32, #tpu.memory_space<vmem>> -> memref<128xi32, #tpu.memory_space<vmem>>
    %dma_start3A_298 = arith.constant 0 : i32
    %dma_start3A_299 = arith.constant 0 : i32
    %dma_start3A_300 = tpu.memref_slice %arg2[%dma_start3A_298, %dma_start3A_299] : memref<100000x128xf32, #tpu.memory_space<hbm>> -> memref<100000x128xf32, #tpu.memory_space<hbm>>
    tpu.enqueue_indirect_dma source(%dma_start3A_300 : memref<100000x128xf32, #tpu.memory_space<hbm>>) target(%dma_start3A_294 : memref<128x128xf32, #tpu.memory_space<vmem>>) offsets(%dma_start3A_297 : memref<128xi32, #tpu.memory_space<vmem>>) semaphore(%arg9 : memref<!tpu.dma_semaphore, #tpu.memory_space<semaphore_mem>>)
    %dma_wait3A_301 = arith.constant 5 : i32
    %dma_wait3A_302 = arith.constant 5 : i32
    %dma_wait3A_303 = arith.constant 0 : i32
    %dma_wait3A_304 = arith.constant 0 : i32
    %dma_wait3A_305 = tpu.memref_slice %arg6[%dma_wait3A_302, %dma_wait3A_303, %dma_wait3A_304] : memref<7x128x128xf32, #tpu.memory_space<vmem>> -> memref<1x128x128xf32, #tpu.memory_space<vmem>>
    %dma_wait3A_306 = tpu.memref_squeeze %dma_wait3A_305 : memref<1x128x128xf32, #tpu.memory_space<vmem>> -> memref<128x128xf32, #tpu.memory_space<vmem>>
    %dma_wait3A_307 = arith.constant 0 : i32
    %dma_wait3A_308 = tpu.memref_slice %arg5[%dma_wait3A_301, %dma_wait3A_307] : memref<26x128xi32, #tpu.memory_space<vmem>> -> memref<1x128xi32, #tpu.memory_space<vmem>>
    %dma_wait3A_309 = tpu.memref_squeeze %dma_wait3A_308 : memref<1x128xi32, #tpu.memory_space<vmem>> -> memref<128xi32, #tpu.memory_space<vmem>>
    %dma_wait3A_310 = arith.constant 0 : i32
    %dma_wait3A_311 = arith.constant 0 : i32
    %dma_wait3A_312 = tpu.memref_slice %arg2[%dma_wait3A_310, %dma_wait3A_311] : memref<100000x128xf32, #tpu.memory_space<hbm>> -> memref<100000x128xf32, #tpu.memory_space<hbm>>
    tpu.wait_indirect_dma semaphore(%arg12 : memref<!tpu.dma_semaphore, #tpu.memory_space<semaphore_mem>>) src(%dma_wait3A_312 : memref<100000x128xf32, #tpu.memory_space<hbm>>) dst(%dma_wait3A_306 : memref<128x128xf32, #tpu.memory_space<vmem>>)
    %add3A_313 = arith.constant 640 : i32
    %add3A_314 = arith.addi %mul3A_2, %add3A_313 : i32
    %dma_start3A_315 = arith.constant 5 : i32
    %dma_start3A_316 = arith.constant 0 : i32
    %dma_start3A_317 = arith.constant 0 : i32
    %dma_start3A_318 = tpu.memref_slice %arg6[%dma_start3A_315, %dma_start3A_316, %dma_start3A_317] : memref<7x128x128xf32, #tpu.memory_space<vmem>> -> memref<1x128x128xf32, #tpu.memory_space<vmem>>
    %dma_start3A_319 = tpu.memref_squeeze %dma_start3A_318 : memref<1x128x128xf32, #tpu.memory_space<vmem>> -> memref<128x128xf32, #tpu.memory_space<vmem>>
    %dma_start3A_320 = arith.constant 0 : i32
    %dma_start3A_321 = tpu.memref_slice %arg4[%add3A_314, %dma_start3A_320] : memref<106496x128xf32, #tpu.memory_space<hbm>> -> memref<128x128xf32, #tpu.memory_space<hbm>>
    %dma_start3A_322 = arith.constant 0 : i32
    %dma_start3A_323 = tpu.memref_slice %arg4[%add3A_314, %dma_start3A_322] : memref<106496x128xf32, #tpu.memory_space<hbm>> -> memref<128x128xf32, #tpu.memory_space<hbm>>
    %dma_start3A_324 = arith.constant 0 : i32
    %dma_start3A_325 = arith.constant 0 : i32
    %dma_start3A_326 = tpu.memref_slice %arg6[%dma_start3A_315, %dma_start3A_324, %dma_start3A_325] : memref<7x128x128xf32, #tpu.memory_space<vmem>> -> memref<1x128x128xf32, #tpu.memory_space<vmem>>
    %dma_start3A_327 = tpu.memref_squeeze %dma_start3A_326 : memref<1x128x128xf32, #tpu.memory_space<vmem>> -> memref<128x128xf32, #tpu.memory_space<vmem>>
    tpu.enqueue_dma source(%dma_start3A_327 : memref<128x128xf32, #tpu.memory_space<vmem>>) target(%dma_start3A_323 : memref<128x128xf32, #tpu.memory_space<hbm>>) target_semaphore(%arg19 : memref<!tpu.dma_semaphore, #tpu.memory_space<semaphore_mem>>)
    %add3A_328 = arith.constant 384 : i32
    %add3A_329 = arith.addi %mul3A_2, %add3A_328 : i32
    %dma_wait3A_330 = arith.constant 3 : i32
    %dma_wait3A_331 = arith.constant 0 : i32
    %dma_wait3A_332 = arith.constant 0 : i32
    %dma_wait3A_333 = tpu.memref_slice %arg6[%dma_wait3A_330, %dma_wait3A_331, %dma_wait3A_332] : memref<7x128x128xf32, #tpu.memory_space<vmem>> -> memref<1x128x128xf32, #tpu.memory_space<vmem>>
    %dma_wait3A_334 = tpu.memref_squeeze %dma_wait3A_333 : memref<1x128x128xf32, #tpu.memory_space<vmem>> -> memref<128x128xf32, #tpu.memory_space<vmem>>
    %dma_wait3A_335 = arith.constant 0 : i32
    %dma_wait3A_336 = tpu.memref_slice %arg4[%add3A_329, %dma_wait3A_335] : memref<106496x128xf32, #tpu.memory_space<hbm>> -> memref<128x128xf32, #tpu.memory_space<hbm>>
    %dma_wait3A_337 = arith.constant 0 : i32
    %dma_wait3A_338 = tpu.memref_slice %arg4[%add3A_329, %dma_wait3A_337] : memref<106496x128xf32, #tpu.memory_space<hbm>> -> memref<128x128xf32, #tpu.memory_space<hbm>>
    %dma_wait3A_339 = arith.constant 0 : i32
    %dma_wait3A_340 = arith.constant 0 : i32
    %dma_wait3A_341 = tpu.memref_slice %arg6[%dma_wait3A_330, %dma_wait3A_339, %dma_wait3A_340] : memref<7x128x128xf32, #tpu.memory_space<vmem>> -> memref<1x128x128xf32, #tpu.memory_space<vmem>>
    %dma_wait3A_342 = tpu.memref_squeeze %dma_wait3A_341 : memref<1x128x128xf32, #tpu.memory_space<vmem>> -> memref<128x128xf32, #tpu.memory_space<vmem>>
    tpu.wait_dma2 semaphore(%arg17 : memref<!tpu.dma_semaphore, #tpu.memory_space<semaphore_mem>>) src(%dma_wait3A_342 : memref<128x128xf32, #tpu.memory_space<vmem>>) dst(%dma_wait3A_338 : memref<128x128xf32, #tpu.memory_space<hbm>>)
    %dma_start3A_343 = arith.constant 10 : i32
    %dma_start3A_344 = arith.constant 3 : i32
    %dma_start3A_345 = arith.constant 0 : i32
    %dma_start3A_346 = arith.constant 0 : i32
    %dma_start3A_347 = tpu.memref_slice %arg6[%dma_start3A_344, %dma_start3A_345, %dma_start3A_346] : memref<7x128x128xf32, #tpu.memory_space<vmem>> -> memref<1x128x128xf32, #tpu.memory_space<vmem>>
    %dma_start3A_348 = tpu.memref_squeeze %dma_start3A_347 : memref<1x128x128xf32, #tpu.memory_space<vmem>> -> memref<128x128xf32, #tpu.memory_space<vmem>>
    %dma_start3A_349 = arith.constant 0 : i32
    %dma_start3A_350 = tpu.memref_slice %arg5[%dma_start3A_343, %dma_start3A_349] : memref<26x128xi32, #tpu.memory_space<vmem>> -> memref<1x128xi32, #tpu.memory_space<vmem>>
    %dma_start3A_351 = tpu.memref_squeeze %dma_start3A_350 : memref<1x128xi32, #tpu.memory_space<vmem>> -> memref<128xi32, #tpu.memory_space<vmem>>
    %dma_start3A_352 = arith.constant 0 : i32
    %dma_start3A_353 = arith.constant 0 : i32
    %dma_start3A_354 = tpu.memref_slice %arg2[%dma_start3A_352, %dma_start3A_353] : memref<100000x128xf32, #tpu.memory_space<hbm>> -> memref<100000x128xf32, #tpu.memory_space<hbm>>
    tpu.enqueue_indirect_dma source(%dma_start3A_354 : memref<100000x128xf32, #tpu.memory_space<hbm>>) target(%dma_start3A_348 : memref<128x128xf32, #tpu.memory_space<vmem>>) offsets(%dma_start3A_351 : memref<128xi32, #tpu.memory_space<vmem>>) semaphore(%arg10 : memref<!tpu.dma_semaphore, #tpu.memory_space<semaphore_mem>>)
    %dma_wait3A_355 = arith.constant 6 : i32
    %dma_wait3A_356 = arith.constant 6 : i32
    %dma_wait3A_357 = arith.constant 0 : i32
    %dma_wait3A_358 = arith.constant 0 : i32
    %dma_wait3A_359 = tpu.memref_slice %arg6[%dma_wait3A_356, %dma_wait3A_357, %dma_wait3A_358] : memref<7x128x128xf32, #tpu.memory_space<vmem>> -> memref<1x128x128xf32, #tpu.memory_space<vmem>>
    %dma_wait3A_360 = tpu.memref_squeeze %dma_wait3A_359 : memref<1x128x128xf32, #tpu.memory_space<vmem>> -> memref<128x128xf32, #tpu.memory_space<vmem>>
    %dma_wait3A_361 = arith.constant 0 : i32
    %dma_wait3A_362 = tpu.memref_slice %arg5[%dma_wait3A_355, %dma_wait3A_361] : memref<26x128xi32, #tpu.memory_space<vmem>> -> memref<1x128xi32, #tpu.memory_space<vmem>>
    %dma_wait3A_363 = tpu.memref_squeeze %dma_wait3A_362 : memref<1x128xi32, #tpu.memory_space<vmem>> -> memref<128xi32, #tpu.memory_space<vmem>>
    %dma_wait3A_364 = arith.constant 0 : i32
    %dma_wait3A_365 = arith.constant 0 : i32
    %dma_wait3A_366 = tpu.memref_slice %arg2[%dma_wait3A_364, %dma_wait3A_365] : memref<100000x128xf32, #tpu.memory_space<hbm>> -> memref<100000x128xf32, #tpu.memory_space<hbm>>
    tpu.wait_indirect_dma semaphore(%arg13 : memref<!tpu.dma_semaphore, #tpu.memory_space<semaphore_mem>>) src(%dma_wait3A_366 : memref<100000x128xf32, #tpu.memory_space<hbm>>) dst(%dma_wait3A_360 : memref<128x128xf32, #tpu.memory_space<vmem>>)
    %add3A_367 = arith.constant 768 : i32
    %add3A_368 = arith.addi %mul3A_2, %add3A_367 : i32
    %dma_start3A_369 = arith.constant 6 : i32
    %dma_start3A_370 = arith.constant 0 : i32
    %dma_start3A_371 = arith.constant 0 : i32
    %dma_start3A_372 = tpu.memref_slice %arg6[%dma_start3A_369, %dma_start3A_370, %dma_start3A_371] : memref<7x128x128xf32, #tpu.memory_space<vmem>> -> memref<1x128x128xf32, #tpu.memory_space<vmem>>
    %dma_start3A_373 = tpu.memref_squeeze %dma_start3A_372 : memref<1x128x128xf32, #tpu.memory_space<vmem>> -> memref<128x128xf32, #tpu.memory_space<vmem>>
    %dma_start3A_374 = arith.constant 0 : i32
    %dma_start3A_375 = tpu.memref_slice %arg4[%add3A_368, %dma_start3A_374] : memref<106496x128xf32, #tpu.memory_space<hbm>> -> memref<128x128xf32, #tpu.memory_space<hbm>>
    %dma_start3A_376 = arith.constant 0 : i32
    %dma_start3A_377 = tpu.memref_slice %arg4[%add3A_368, %dma_start3A_376] : memref<106496x128xf32, #tpu.memory_space<hbm>> -> memref<128x128xf32, #tpu.memory_space<hbm>>
    %dma_start3A_378 = arith.constant 0 : i32
    %dma_start3A_379 = arith.constant 0 : i32
    %dma_start3A_380 = tpu.memref_slice %arg6[%dma_start3A_369, %dma_start3A_378, %dma_start3A_379] : memref<7x128x128xf32, #tpu.memory_space<vmem>> -> memref<1x128x128xf32, #tpu.memory_space<vmem>>
    %dma_start3A_381 = tpu.memref_squeeze %dma_start3A_380 : memref<1x128x128xf32, #tpu.memory_space<vmem>> -> memref<128x128xf32, #tpu.memory_space<vmem>>
    tpu.enqueue_dma source(%dma_start3A_381 : memref<128x128xf32, #tpu.memory_space<vmem>>) target(%dma_start3A_377 : memref<128x128xf32, #tpu.memory_space<hbm>>) target_semaphore(%arg20 : memref<!tpu.dma_semaphore, #tpu.memory_space<semaphore_mem>>)
    %add3A_382 = arith.constant 512 : i32
    %add3A_383 = arith.addi %mul3A_2, %add3A_382 : i32
    %dma_wait3A_384 = arith.constant 4 : i32
    %dma_wait3A_385 = arith.constant 0 : i32
    %dma_wait3A_386 = arith.constant 0 : i32
    %dma_wait3A_387 = tpu.memref_slice %arg6[%dma_wait3A_384, %dma_wait3A_385, %dma_wait3A_386] : memref<7x128x128xf32, #tpu.memory_space<vmem>> -> memref<1x128x128xf32, #tpu.memory_space<vmem>>
    %dma_wait3A_388 = tpu.memref_squeeze %dma_wait3A_387 : memref<1x128x128xf32, #tpu.memory_space<vmem>> -> memref<128x128xf32, #tpu.memory_space<vmem>>
    %dma_wait3A_389 = arith.constant 0 : i32
    %dma_wait3A_390 = tpu.memref_slice %arg4[%add3A_383, %dma_wait3A_389] : memref<106496x128xf32, #tpu.memory_space<hbm>> -> memref<128x128xf32, #tpu.memory_space<hbm>>
    %dma_wait3A_391 = arith.constant 0 : i32
    %dma_wait3A_392 = tpu.memref_slice %arg4[%add3A_383, %dma_wait3A_391] : memref<106496x128xf32, #tpu.memory_space<hbm>> -> memref<128x128xf32, #tpu.memory_space<hbm>>
    %dma_wait3A_393 = arith.constant 0 : i32
    %dma_wait3A_394 = arith.constant 0 : i32
    %dma_wait3A_395 = tpu.memref_slice %arg6[%dma_wait3A_384, %dma_wait3A_393, %dma_wait3A_394] : memref<7x128x128xf32, #tpu.memory_space<vmem>> -> memref<1x128x128xf32, #tpu.memory_space<vmem>>
    %dma_wait3A_396 = tpu.memref_squeeze %dma_wait3A_395 : memref<1x128x128xf32, #tpu.memory_space<vmem>> -> memref<128x128xf32, #tpu.memory_space<vmem>>
    tpu.wait_dma2 semaphore(%arg18 : memref<!tpu.dma_semaphore, #tpu.memory_space<semaphore_mem>>) src(%dma_wait3A_396 : memref<128x128xf32, #tpu.memory_space<vmem>>) dst(%dma_wait3A_392 : memref<128x128xf32, #tpu.memory_space<hbm>>)
    %dma_start3A_397 = arith.constant 11 : i32
    %dma_start3A_398 = arith.constant 4 : i32
    %dma_start3A_399 = arith.constant 0 : i32
    %dma_start3A_400 = arith.constant 0 : i32
    %dma_start3A_401 = tpu.memref_slice %arg6[%dma_start3A_398, %dma_start3A_399, %dma_start3A_400] : memref<7x128x128xf32, #tpu.memory_space<vmem>> -> memref<1x128x128xf32, #tpu.memory_space<vmem>>
    %dma_start3A_402 = tpu.memref_squeeze %dma_start3A_401 : memref<1x128x128xf32, #tpu.memory_space<vmem>> -> memref<128x128xf32, #tpu.memory_space<vmem>>
    %dma_start3A_403 = arith.constant 0 : i32
    %dma_start3A_404 = tpu.memref_slice %arg5[%dma_start3A_397, %dma_start3A_403] : memref<26x128xi32, #tpu.memory_space<vmem>> -> memref<1x128xi32, #tpu.memory_space<vmem>>
    %dma_start3A_405 = tpu.memref_squeeze %dma_start3A_404 : memref<1x128xi32, #tpu.memory_space<vmem>> -> memref<128xi32, #tpu.memory_space<vmem>>
    %dma_start3A_406 = arith.constant 0 : i32
    %dma_start3A_407 = arith.constant 0 : i32
    %dma_start3A_408 = tpu.memref_slice %arg2[%dma_start3A_406, %dma_start3A_407] : memref<100000x128xf32, #tpu.memory_space<hbm>> -> memref<100000x128xf32, #tpu.memory_space<hbm>>
    tpu.enqueue_indirect_dma source(%dma_start3A_408 : memref<100000x128xf32, #tpu.memory_space<hbm>>) target(%dma_start3A_402 : memref<128x128xf32, #tpu.memory_space<vmem>>) offsets(%dma_start3A_405 : memref<128xi32, #tpu.memory_space<vmem>>) semaphore(%arg11 : memref<!tpu.dma_semaphore, #tpu.memory_space<semaphore_mem>>)
    %dma_wait3A_409 = arith.constant 7 : i32
    %dma_wait3A_410 = arith.constant 0 : i32
    %dma_wait3A_411 = arith.constant 0 : i32
    %dma_wait3A_412 = arith.constant 0 : i32
    %dma_wait3A_413 = tpu.memref_slice %arg6[%dma_wait3A_410, %dma_wait3A_411, %dma_wait3A_412] : memref<7x128x128xf32, #tpu.memory_space<vmem>> -> memref<1x128x128xf32, #tpu.memory_space<vmem>>
    %dma_wait3A_414 = tpu.memref_squeeze %dma_wait3A_413 : memref<1x128x128xf32, #tpu.memory_space<vmem>> -> memref<128x128xf32, #tpu.memory_space<vmem>>
    %dma_wait3A_415 = arith.constant 0 : i32
    %dma_wait3A_416 = tpu.memref_slice %arg5[%dma_wait3A_409, %dma_wait3A_415] : memref<26x128xi32, #tpu.memory_space<vmem>> -> memref<1x128xi32, #tpu.memory_space<vmem>>
    %dma_wait3A_417 = tpu.memref_squeeze %dma_wait3A_416 : memref<1x128xi32, #tpu.memory_space<vmem>> -> memref<128xi32, #tpu.memory_space<vmem>>
    %dma_wait3A_418 = arith.constant 0 : i32
    %dma_wait3A_419 = arith.constant 0 : i32
    %dma_wait3A_420 = tpu.memref_slice %arg2[%dma_wait3A_418, %dma_wait3A_419] : memref<100000x128xf32, #tpu.memory_space<hbm>> -> memref<100000x128xf32, #tpu.memory_space<hbm>>
    tpu.wait_indirect_dma semaphore(%arg7 : memref<!tpu.dma_semaphore, #tpu.memory_space<semaphore_mem>>) src(%dma_wait3A_420 : memref<100000x128xf32, #tpu.memory_space<hbm>>) dst(%dma_wait3A_414 : memref<128x128xf32, #tpu.memory_space<vmem>>)
    %add3A_421 = arith.constant 896 : i32
    %add3A_422 = arith.addi %mul3A_2, %add3A_421 : i32
    %dma_start3A_423 = arith.constant 0 : i32
    %dma_start3A_424 = arith.constant 0 : i32
    %dma_start3A_425 = arith.constant 0 : i32
    %dma_start3A_426 = tpu.memref_slice %arg6[%dma_start3A_423, %dma_start3A_424, %dma_start3A_425] : memref<7x128x128xf32, #tpu.memory_space<vmem>> -> memref<1x128x128xf32, #tpu.memory_space<vmem>>
    %dma_start3A_427 = tpu.memref_squeeze %dma_start3A_426 : memref<1x128x128xf32, #tpu.memory_space<vmem>> -> memref<128x128xf32, #tpu.memory_space<vmem>>
    %dma_start3A_428 = arith.constant 0 : i32
    %dma_start3A_429 = tpu.memref_slice %arg4[%add3A_422, %dma_start3A_428] : memref<106496x128xf32, #tpu.memory_space<hbm>> -> memref<128x128xf32, #tpu.memory_space<hbm>>
    %dma_start3A_430 = arith.constant 0 : i32
    %dma_start3A_431 = tpu.memref_slice %arg4[%add3A_422, %dma_start3A_430] : memref<106496x128xf32, #tpu.memory_space<hbm>> -> memref<128x128xf32, #tpu.memory_space<hbm>>
    %dma_start3A_432 = arith.constant 0 : i32
    %dma_start3A_433 = arith.constant 0 : i32
    %dma_start3A_434 = tpu.memref_slice %arg6[%dma_start3A_423, %dma_start3A_432, %dma_start3A_433] : memref<7x128x128xf32, #tpu.memory_space<vmem>> -> memref<1x128x128xf32, #tpu.memory_space<vmem>>
    %dma_start3A_435 = tpu.memref_squeeze %dma_start3A_434 : memref<1x128x128xf32, #tpu.memory_space<vmem>> -> memref<128x128xf32, #tpu.memory_space<vmem>>
    tpu.enqueue_dma source(%dma_start3A_435 : memref<128x128xf32, #tpu.memory_space<vmem>>) target(%dma_start3A_431 : memref<128x128xf32, #tpu.memory_space<hbm>>) target_semaphore(%arg14 : memref<!tpu.dma_semaphore, #tpu.memory_space<semaphore_mem>>)
    %add3A_436 = arith.constant 640 : i32
    %add3A_437 = arith.addi %mul3A_2, %add3A_436 : i32
    %dma_wait3A_438 = arith.constant 5 : i32
    %dma_wait3A_439 = arith.constant 0 : i32
    %dma_wait3A_440 = arith.constant 0 : i32
    %dma_wait3A_441 = tpu.memref_slice %arg6[%dma_wait3A_438, %dma_wait3A_439, %dma_wait3A_440] : memref<7x128x128xf32, #tpu.memory_space<vmem>> -> memref<1x128x128xf32, #tpu.memory_space<vmem>>
    %dma_wait3A_442 = tpu.memref_squeeze %dma_wait3A_441 : memref<1x128x128xf32, #tpu.memory_space<vmem>> -> memref<128x128xf32, #tpu.memory_space<vmem>>
    %dma_wait3A_443 = arith.constant 0 : i32
    %dma_wait3A_444 = tpu.memref_slice %arg4[%add3A_437, %dma_wait3A_443] : memref<106496x128xf32, #tpu.memory_space<hbm>> -> memref<128x128xf32, #tpu.memory_space<hbm>>
    %dma_wait3A_445 = arith.constant 0 : i32
    %dma_wait3A_446 = tpu.memref_slice %arg4[%add3A_437, %dma_wait3A_445] : memref<106496x128xf32, #tpu.memory_space<hbm>> -> memref<128x128xf32, #tpu.memory_space<hbm>>
    %dma_wait3A_447 = arith.constant 0 : i32
    %dma_wait3A_448 = arith.constant 0 : i32
    %dma_wait3A_449 = tpu.memref_slice %arg6[%dma_wait3A_438, %dma_wait3A_447, %dma_wait3A_448] : memref<7x128x128xf32, #tpu.memory_space<vmem>> -> memref<1x128x128xf32, #tpu.memory_space<vmem>>
    %dma_wait3A_450 = tpu.memref_squeeze %dma_wait3A_449 : memref<1x128x128xf32, #tpu.memory_space<vmem>> -> memref<128x128xf32, #tpu.memory_space<vmem>>
    tpu.wait_dma2 semaphore(%arg19 : memref<!tpu.dma_semaphore, #tpu.memory_space<semaphore_mem>>) src(%dma_wait3A_450 : memref<128x128xf32, #tpu.memory_space<vmem>>) dst(%dma_wait3A_446 : memref<128x128xf32, #tpu.memory_space<hbm>>)
    %dma_start3A_451 = arith.constant 12 : i32
    %dma_start3A_452 = arith.constant 5 : i32
    %dma_start3A_453 = arith.constant 0 : i32
    %dma_start3A_454 = arith.constant 0 : i32
    %dma_start3A_455 = tpu.memref_slice %arg6[%dma_start3A_452, %dma_start3A_453, %dma_start3A_454] : memref<7x128x128xf32, #tpu.memory_space<vmem>> -> memref<1x128x128xf32, #tpu.memory_space<vmem>>
    %dma_start3A_456 = tpu.memref_squeeze %dma_start3A_455 : memref<1x128x128xf32, #tpu.memory_space<vmem>> -> memref<128x128xf32, #tpu.memory_space<vmem>>
    %dma_start3A_457 = arith.constant 0 : i32
    %dma_start3A_458 = tpu.memref_slice %arg5[%dma_start3A_451, %dma_start3A_457] : memref<26x128xi32, #tpu.memory_space<vmem>> -> memref<1x128xi32, #tpu.memory_space<vmem>>
    %dma_start3A_459 = tpu.memref_squeeze %dma_start3A_458 : memref<1x128xi32, #tpu.memory_space<vmem>> -> memref<128xi32, #tpu.memory_space<vmem>>
    %dma_start3A_460 = arith.constant 0 : i32
    %dma_start3A_461 = arith.constant 0 : i32
    %dma_start3A_462 = tpu.memref_slice %arg2[%dma_start3A_460, %dma_start3A_461] : memref<100000x128xf32, #tpu.memory_space<hbm>> -> memref<100000x128xf32, #tpu.memory_space<hbm>>
    tpu.enqueue_indirect_dma source(%dma_start3A_462 : memref<100000x128xf32, #tpu.memory_space<hbm>>) target(%dma_start3A_456 : memref<128x128xf32, #tpu.memory_space<vmem>>) offsets(%dma_start3A_459 : memref<128xi32, #tpu.memory_space<vmem>>) semaphore(%arg12 : memref<!tpu.dma_semaphore, #tpu.memory_space<semaphore_mem>>)
    %dma_wait3A_463 = arith.constant 8 : i32
    %dma_wait3A_464 = arith.constant 1 : i32
    %dma_wait3A_465 = arith.constant 0 : i32
    %dma_wait3A_466 = arith.constant 0 : i32
    %dma_wait3A_467 = tpu.memref_slice %arg6[%dma_wait3A_464, %dma_wait3A_465, %dma_wait3A_466] : memref<7x128x128xf32, #tpu.memory_space<vmem>> -> memref<1x128x128xf32, #tpu.memory_space<vmem>>
    %dma_wait3A_468 = tpu.memref_squeeze %dma_wait3A_467 : memref<1x128x128xf32, #tpu.memory_space<vmem>> -> memref<128x128xf32, #tpu.memory_space<vmem>>
    %dma_wait3A_469 = arith.constant 0 : i32
    %dma_wait3A_470 = tpu.memref_slice %arg5[%dma_wait3A_463, %dma_wait3A_469] : memref<26x128xi32, #tpu.memory_space<vmem>> -> memref<1x128xi32, #tpu.memory_space<vmem>>
    %dma_wait3A_471 = tpu.memref_squeeze %dma_wait3A_470 : memref<1x128xi32, #tpu.memory_space<vmem>> -> memref<128xi32, #tpu.memory_space<vmem>>
    %dma_wait3A_472 = arith.constant 0 : i32
    %dma_wait3A_473 = arith.constant 0 : i32
    %dma_wait3A_474 = tpu.memref_slice %arg2[%dma_wait3A_472, %dma_wait3A_473] : memref<100000x128xf32, #tpu.memory_space<hbm>> -> memref<100000x128xf32, #tpu.memory_space<hbm>>
    tpu.wait_indirect_dma semaphore(%arg8 : memref<!tpu.dma_semaphore, #tpu.memory_space<semaphore_mem>>) src(%dma_wait3A_474 : memref<100000x128xf32, #tpu.memory_space<hbm>>) dst(%dma_wait3A_468 : memref<128x128xf32, #tpu.memory_space<vmem>>)
    %add3A_475 = arith.constant 1024 : i32
    %add3A_476 = arith.addi %mul3A_2, %add3A_475 : i32
    %dma_start3A_477 = arith.constant 1 : i32
    %dma_start3A_478 = arith.constant 0 : i32
    %dma_start3A_479 = arith.constant 0 : i32
    %dma_start3A_480 = tpu.memref_slice %arg6[%dma_start3A_477, %dma_start3A_478, %dma_start3A_479] : memref<7x128x128xf32, #tpu.memory_space<vmem>> -> memref<1x128x128xf32, #tpu.memory_space<vmem>>
    %dma_start3A_481 = tpu.memref_squeeze %dma_start3A_480 : memref<1x128x128xf32, #tpu.memory_space<vmem>> -> memref<128x128xf32, #tpu.memory_space<vmem>>
    %dma_start3A_482 = arith.constant 0 : i32
    %dma_start3A_483 = tpu.memref_slice %arg4[%add3A_476, %dma_start3A_482] : memref<106496x128xf32, #tpu.memory_space<hbm>> -> memref<128x128xf32, #tpu.memory_space<hbm>>
    %dma_start3A_484 = arith.constant 0 : i32
    %dma_start3A_485 = tpu.memref_slice %arg4[%add3A_476, %dma_start3A_484] : memref<106496x128xf32, #tpu.memory_space<hbm>> -> memref<128x128xf32, #tpu.memory_space<hbm>>
    %dma_start3A_486 = arith.constant 0 : i32
    %dma_start3A_487 = arith.constant 0 : i32
    %dma_start3A_488 = tpu.memref_slice %arg6[%dma_start3A_477, %dma_start3A_486, %dma_start3A_487] : memref<7x128x128xf32, #tpu.memory_space<vmem>> -> memref<1x128x128xf32, #tpu.memory_space<vmem>>
    %dma_start3A_489 = tpu.memref_squeeze %dma_start3A_488 : memref<1x128x128xf32, #tpu.memory_space<vmem>> -> memref<128x128xf32, #tpu.memory_space<vmem>>
    tpu.enqueue_dma source(%dma_start3A_489 : memref<128x128xf32, #tpu.memory_space<vmem>>) target(%dma_start3A_485 : memref<128x128xf32, #tpu.memory_space<hbm>>) target_semaphore(%arg15 : memref<!tpu.dma_semaphore, #tpu.memory_space<semaphore_mem>>)
    %add3A_490 = arith.constant 768 : i32
    %add3A_491 = arith.addi %mul3A_2, %add3A_490 : i32
    %dma_wait3A_492 = arith.constant 6 : i32
    %dma_wait3A_493 = arith.constant 0 : i32
    %dma_wait3A_494 = arith.constant 0 : i32
    %dma_wait3A_495 = tpu.memref_slice %arg6[%dma_wait3A_492, %dma_wait3A_493, %dma_wait3A_494] : memref<7x128x128xf32, #tpu.memory_space<vmem>> -> memref<1x128x128xf32, #tpu.memory_space<vmem>>
    %dma_wait3A_496 = tpu.memref_squeeze %dma_wait3A_495 : memref<1x128x128xf32, #tpu.memory_space<vmem>> -> memref<128x128xf32, #tpu.memory_space<vmem>>
    %dma_wait3A_497 = arith.constant 0 : i32
    %dma_wait3A_498 = tpu.memref_slice %arg4[%add3A_491, %dma_wait3A_497] : memref<106496x128xf32, #tpu.memory_space<hbm>> -> memref<128x128xf32, #tpu.memory_space<hbm>>
    %dma_wait3A_499 = arith.constant 0 : i32
    %dma_wait3A_500 = tpu.memref_slice %arg4[%add3A_491, %dma_wait3A_499] : memref<106496x128xf32, #tpu.memory_space<hbm>> -> memref<128x128xf32, #tpu.memory_space<hbm>>
    %dma_wait3A_501 = arith.constant 0 : i32
    %dma_wait3A_502 = arith.constant 0 : i32
    %dma_wait3A_503 = tpu.memref_slice %arg6[%dma_wait3A_492, %dma_wait3A_501, %dma_wait3A_502] : memref<7x128x128xf32, #tpu.memory_space<vmem>> -> memref<1x128x128xf32, #tpu.memory_space<vmem>>
    %dma_wait3A_504 = tpu.memref_squeeze %dma_wait3A_503 : memref<1x128x128xf32, #tpu.memory_space<vmem>> -> memref<128x128xf32, #tpu.memory_space<vmem>>
    tpu.wait_dma2 semaphore(%arg20 : memref<!tpu.dma_semaphore, #tpu.memory_space<semaphore_mem>>) src(%dma_wait3A_504 : memref<128x128xf32, #tpu.memory_space<vmem>>) dst(%dma_wait3A_500 : memref<128x128xf32, #tpu.memory_space<hbm>>)
    %dma_start3A_505 = arith.constant 13 : i32
    %dma_start3A_506 = arith.constant 6 : i32
    %dma_start3A_507 = arith.constant 0 : i32
    %dma_start3A_508 = arith.constant 0 : i32
    %dma_start3A_509 = tpu.memref_slice %arg6[%dma_start3A_506, %dma_start3A_507, %dma_start3A_508] : memref<7x128x128xf32, #tpu.memory_space<vmem>> -> memref<1x128x128xf32, #tpu.memory_space<vmem>>
    %dma_start3A_510 = tpu.memref_squeeze %dma_start3A_509 : memref<1x128x128xf32, #tpu.memory_space<vmem>> -> memref<128x128xf32, #tpu.memory_space<vmem>>
    %dma_start3A_511 = arith.constant 0 : i32
    %dma_start3A_512 = tpu.memref_slice %arg5[%dma_start3A_505, %dma_start3A_511] : memref<26x128xi32, #tpu.memory_space<vmem>> -> memref<1x128xi32, #tpu.memory_space<vmem>>
    %dma_start3A_513 = tpu.memref_squeeze %dma_start3A_512 : memref<1x128xi32, #tpu.memory_space<vmem>> -> memref<128xi32, #tpu.memory_space<vmem>>
    %dma_start3A_514 = arith.constant 0 : i32
    %dma_start3A_515 = arith.constant 0 : i32
    %dma_start3A_516 = tpu.memref_slice %arg2[%dma_start3A_514, %dma_start3A_515] : memref<100000x128xf32, #tpu.memory_space<hbm>> -> memref<100000x128xf32, #tpu.memory_space<hbm>>
    tpu.enqueue_indirect_dma source(%dma_start3A_516 : memref<100000x128xf32, #tpu.memory_space<hbm>>) target(%dma_start3A_510 : memref<128x128xf32, #tpu.memory_space<vmem>>) offsets(%dma_start3A_513 : memref<128xi32, #tpu.memory_space<vmem>>) semaphore(%arg13 : memref<!tpu.dma_semaphore, #tpu.memory_space<semaphore_mem>>)
    %dma_wait3A_517 = arith.constant 9 : i32
    %dma_wait3A_518 = arith.constant 2 : i32
    %dma_wait3A_519 = arith.constant 0 : i32
    %dma_wait3A_520 = arith.constant 0 : i32
    %dma_wait3A_521 = tpu.memref_slice %arg6[%dma_wait3A_518, %dma_wait3A_519, %dma_wait3A_520] : memref<7x128x128xf32, #tpu.memory_space<vmem>> -> memref<1x128x128xf32, #tpu.memory_space<vmem>>
    %dma_wait3A_522 = tpu.memref_squeeze %dma_wait3A_521 : memref<1x128x128xf32, #tpu.memory_space<vmem>> -> memref<128x128xf32, #tpu.memory_space<vmem>>
    %dma_wait3A_523 = arith.constant 0 : i32
    %dma_wait3A_524 = tpu.memref_slice %arg5[%dma_wait3A_517, %dma_wait3A_523] : memref<26x128xi32, #tpu.memory_space<vmem>> -> memref<1x128xi32, #tpu.memory_space<vmem>>
    %dma_wait3A_525 = tpu.memref_squeeze %dma_wait3A_524 : memref<1x128xi32, #tpu.memory_space<vmem>> -> memref<128xi32, #tpu.memory_space<vmem>>
    %dma_wait3A_526 = arith.constant 0 : i32
    %dma_wait3A_527 = arith.constant 0 : i32
    %dma_wait3A_528 = tpu.memref_slice %arg2[%dma_wait3A_526, %dma_wait3A_527] : memref<100000x128xf32, #tpu.memory_space<hbm>> -> memref<100000x128xf32, #tpu.memory_space<hbm>>
    tpu.wait_indirect_dma semaphore(%arg9 : memref<!tpu.dma_semaphore, #tpu.memory_space<semaphore_mem>>) src(%dma_wait3A_528 : memref<100000x128xf32, #tpu.memory_space<hbm>>) dst(%dma_wait3A_522 : memref<128x128xf32, #tpu.memory_space<vmem>>)
    %add3A_529 = arith.constant 1152 : i32
    %add3A_530 = arith.addi %mul3A_2, %add3A_529 : i32
    %dma_start3A_531 = arith.constant 2 : i32
    %dma_start3A_532 = arith.constant 0 : i32
    %dma_start3A_533 = arith.constant 0 : i32
    %dma_start3A_534 = tpu.memref_slice %arg6[%dma_start3A_531, %dma_start3A_532, %dma_start3A_533] : memref<7x128x128xf32, #tpu.memory_space<vmem>> -> memref<1x128x128xf32, #tpu.memory_space<vmem>>
    %dma_start3A_535 = tpu.memref_squeeze %dma_start3A_534 : memref<1x128x128xf32, #tpu.memory_space<vmem>> -> memref<128x128xf32, #tpu.memory_space<vmem>>
    %dma_start3A_536 = arith.constant 0 : i32
    %dma_start3A_537 = tpu.memref_slice %arg4[%add3A_530, %dma_start3A_536] : memref<106496x128xf32, #tpu.memory_space<hbm>> -> memref<128x128xf32, #tpu.memory_space<hbm>>
    %dma_start3A_538 = arith.constant 0 : i32
    %dma_start3A_539 = tpu.memref_slice %arg4[%add3A_530, %dma_start3A_538] : memref<106496x128xf32, #tpu.memory_space<hbm>> -> memref<128x128xf32, #tpu.memory_space<hbm>>
    %dma_start3A_540 = arith.constant 0 : i32
    %dma_start3A_541 = arith.constant 0 : i32
    %dma_start3A_542 = tpu.memref_slice %arg6[%dma_start3A_531, %dma_start3A_540, %dma_start3A_541] : memref<7x128x128xf32, #tpu.memory_space<vmem>> -> memref<1x128x128xf32, #tpu.memory_space<vmem>>
    %dma_start3A_543 = tpu.memref_squeeze %dma_start3A_542 : memref<1x128x128xf32, #tpu.memory_space<vmem>> -> memref<128x128xf32, #tpu.memory_space<vmem>>
    tpu.enqueue_dma source(%dma_start3A_543 : memref<128x128xf32, #tpu.memory_space<vmem>>) target(%dma_start3A_539 : memref<128x128xf32, #tpu.memory_space<hbm>>) target_semaphore(%arg16 : memref<!tpu.dma_semaphore, #tpu.memory_space<semaphore_mem>>)
    %add3A_544 = arith.constant 896 : i32
    %add3A_545 = arith.addi %mul3A_2, %add3A_544 : i32
    %dma_wait3A_546 = arith.constant 0 : i32
    %dma_wait3A_547 = arith.constant 0 : i32
    %dma_wait3A_548 = arith.constant 0 : i32
    %dma_wait3A_549 = tpu.memref_slice %arg6[%dma_wait3A_546, %dma_wait3A_547, %dma_wait3A_548] : memref<7x128x128xf32, #tpu.memory_space<vmem>> -> memref<1x128x128xf32, #tpu.memory_space<vmem>>
    %dma_wait3A_550 = tpu.memref_squeeze %dma_wait3A_549 : memref<1x128x128xf32, #tpu.memory_space<vmem>> -> memref<128x128xf32, #tpu.memory_space<vmem>>
    %dma_wait3A_551 = arith.constant 0 : i32
    %dma_wait3A_552 = tpu.memref_slice %arg4[%add3A_545, %dma_wait3A_551] : memref<106496x128xf32, #tpu.memory_space<hbm>> -> memref<128x128xf32, #tpu.memory_space<hbm>>
    %dma_wait3A_553 = arith.constant 0 : i32
    %dma_wait3A_554 = tpu.memref_slice %arg4[%add3A_545, %dma_wait3A_553] : memref<106496x128xf32, #tpu.memory_space<hbm>> -> memref<128x128xf32, #tpu.memory_space<hbm>>
    %dma_wait3A_555 = arith.constant 0 : i32
    %dma_wait3A_556 = arith.constant 0 : i32
    %dma_wait3A_557 = tpu.memref_slice %arg6[%dma_wait3A_546, %dma_wait3A_555, %dma_wait3A_556] : memref<7x128x128xf32, #tpu.memory_space<vmem>> -> memref<1x128x128xf32, #tpu.memory_space<vmem>>
    %dma_wait3A_558 = tpu.memref_squeeze %dma_wait3A_557 : memref<1x128x128xf32, #tpu.memory_space<vmem>> -> memref<128x128xf32, #tpu.memory_space<vmem>>
    tpu.wait_dma2 semaphore(%arg14 : memref<!tpu.dma_semaphore, #tpu.memory_space<semaphore_mem>>) src(%dma_wait3A_558 : memref<128x128xf32, #tpu.memory_space<vmem>>) dst(%dma_wait3A_554 : memref<128x128xf32, #tpu.memory_space<hbm>>)
    %dma_start3A_559 = arith.constant 14 : i32
    %dma_start3A_560 = arith.constant 0 : i32
    %dma_start3A_561 = arith.constant 0 : i32
    %dma_start3A_562 = arith.constant 0 : i32
    %dma_start3A_563 = tpu.memref_slice %arg6[%dma_start3A_560, %dma_start3A_561, %dma_start3A_562] : memref<7x128x128xf32, #tpu.memory_space<vmem>> -> memref<1x128x128xf32, #tpu.memory_space<vmem>>
    %dma_start3A_564 = tpu.memref_squeeze %dma_start3A_563 : memref<1x128x128xf32, #tpu.memory_space<vmem>> -> memref<128x128xf32, #tpu.memory_space<vmem>>
    %dma_start3A_565 = arith.constant 0 : i32
    %dma_start3A_566 = tpu.memref_slice %arg5[%dma_start3A_559, %dma_start3A_565] : memref<26x128xi32, #tpu.memory_space<vmem>> -> memref<1x128xi32, #tpu.memory_space<vmem>>
    %dma_start3A_567 = tpu.memref_squeeze %dma_start3A_566 : memref<1x128xi32, #tpu.memory_space<vmem>> -> memref<128xi32, #tpu.memory_space<vmem>>
    %dma_start3A_568 = arith.constant 0 : i32
    %dma_start3A_569 = arith.constant 0 : i32
    %dma_start3A_570 = tpu.memref_slice %arg2[%dma_start3A_568, %dma_start3A_569] : memref<100000x128xf32, #tpu.memory_space<hbm>> -> memref<100000x128xf32, #tpu.memory_space<hbm>>
    tpu.enqueue_indirect_dma source(%dma_start3A_570 : memref<100000x128xf32, #tpu.memory_space<hbm>>) target(%dma_start3A_564 : memref<128x128xf32, #tpu.memory_space<vmem>>) offsets(%dma_start3A_567 : memref<128xi32, #tpu.memory_space<vmem>>) semaphore(%arg7 : memref<!tpu.dma_semaphore, #tpu.memory_space<semaphore_mem>>)
    %dma_wait3A_571 = arith.constant 10 : i32
    %dma_wait3A_572 = arith.constant 3 : i32
    %dma_wait3A_573 = arith.constant 0 : i32
    %dma_wait3A_574 = arith.constant 0 : i32
    %dma_wait3A_575 = tpu.memref_slice %arg6[%dma_wait3A_572, %dma_wait3A_573, %dma_wait3A_574] : memref<7x128x128xf32, #tpu.memory_space<vmem>> -> memref<1x128x128xf32, #tpu.memory_space<vmem>>
    %dma_wait3A_576 = tpu.memref_squeeze %dma_wait3A_575 : memref<1x128x128xf32, #tpu.memory_space<vmem>> -> memref<128x128xf32, #tpu.memory_space<vmem>>
    %dma_wait3A_577 = arith.constant 0 : i32
    %dma_wait3A_578 = tpu.memref_slice %arg5[%dma_wait3A_571, %dma_wait3A_577] : memref<26x128xi32, #tpu.memory_space<vmem>> -> memref<1x128xi32, #tpu.memory_space<vmem>>
    %dma_wait3A_579 = tpu.memref_squeeze %dma_wait3A_578 : memref<1x128xi32, #tpu.memory_space<vmem>> -> memref<128xi32, #tpu.memory_space<vmem>>
    %dma_wait3A_580 = arith.constant 0 : i32
    %dma_wait3A_581 = arith.constant 0 : i32
    %dma_wait3A_582 = tpu.memref_slice %arg2[%dma_wait3A_580, %dma_wait3A_581] : memref<100000x128xf32, #tpu.memory_space<hbm>> -> memref<100000x128xf32, #tpu.memory_space<hbm>>
    tpu.wait_indirect_dma semaphore(%arg10 : memref<!tpu.dma_semaphore, #tpu.memory_space<semaphore_mem>>) src(%dma_wait3A_582 : memref<100000x128xf32, #tpu.memory_space<hbm>>) dst(%dma_wait3A_576 : memref<128x128xf32, #tpu.memory_space<vmem>>)
    %add3A_583 = arith.constant 1280 : i32
    %add3A_584 = arith.addi %mul3A_2, %add3A_583 : i32
    %dma_start3A_585 = arith.constant 3 : i32
    %dma_start3A_586 = arith.constant 0 : i32
    %dma_start3A_587 = arith.constant 0 : i32
    %dma_start3A_588 = tpu.memref_slice %arg6[%dma_start3A_585, %dma_start3A_586, %dma_start3A_587] : memref<7x128x128xf32, #tpu.memory_space<vmem>> -> memref<1x128x128xf32, #tpu.memory_space<vmem>>
    %dma_start3A_589 = tpu.memref_squeeze %dma_start3A_588 : memref<1x128x128xf32, #tpu.memory_space<vmem>> -> memref<128x128xf32, #tpu.memory_space<vmem>>
    %dma_start3A_590 = arith.constant 0 : i32
    %dma_start3A_591 = tpu.memref_slice %arg4[%add3A_584, %dma_start3A_590] : memref<106496x128xf32, #tpu.memory_space<hbm>> -> memref<128x128xf32, #tpu.memory_space<hbm>>
    %dma_start3A_592 = arith.constant 0 : i32
    %dma_start3A_593 = tpu.memref_slice %arg4[%add3A_584, %dma_start3A_592] : memref<106496x128xf32, #tpu.memory_space<hbm>> -> memref<128x128xf32, #tpu.memory_space<hbm>>
    %dma_start3A_594 = arith.constant 0 : i32
    %dma_start3A_595 = arith.constant 0 : i32
    %dma_start3A_596 = tpu.memref_slice %arg6[%dma_start3A_585, %dma_start3A_594, %dma_start3A_595] : memref<7x128x128xf32, #tpu.memory_space<vmem>> -> memref<1x128x128xf32, #tpu.memory_space<vmem>>
    %dma_start3A_597 = tpu.memref_squeeze %dma_start3A_596 : memref<1x128x128xf32, #tpu.memory_space<vmem>> -> memref<128x128xf32, #tpu.memory_space<vmem>>
    tpu.enqueue_dma source(%dma_start3A_597 : memref<128x128xf32, #tpu.memory_space<vmem>>) target(%dma_start3A_593 : memref<128x128xf32, #tpu.memory_space<hbm>>) target_semaphore(%arg17 : memref<!tpu.dma_semaphore, #tpu.memory_space<semaphore_mem>>)
    %add3A_598 = arith.constant 1024 : i32
    %add3A_599 = arith.addi %mul3A_2, %add3A_598 : i32
    %dma_wait3A_600 = arith.constant 1 : i32
    %dma_wait3A_601 = arith.constant 0 : i32
    %dma_wait3A_602 = arith.constant 0 : i32
    %dma_wait3A_603 = tpu.memref_slice %arg6[%dma_wait3A_600, %dma_wait3A_601, %dma_wait3A_602] : memref<7x128x128xf32, #tpu.memory_space<vmem>> -> memref<1x128x128xf32, #tpu.memory_space<vmem>>
    %dma_wait3A_604 = tpu.memref_squeeze %dma_wait3A_603 : memref<1x128x128xf32, #tpu.memory_space<vmem>> -> memref<128x128xf32, #tpu.memory_space<vmem>>
    %dma_wait3A_605 = arith.constant 0 : i32
    %dma_wait3A_606 = tpu.memref_slice %arg4[%add3A_599, %dma_wait3A_605] : memref<106496x128xf32, #tpu.memory_space<hbm>> -> memref<128x128xf32, #tpu.memory_space<hbm>>
    %dma_wait3A_607 = arith.constant 0 : i32
    %dma_wait3A_608 = tpu.memref_slice %arg4[%add3A_599, %dma_wait3A_607] : memref<106496x128xf32, #tpu.memory_space<hbm>> -> memref<128x128xf32, #tpu.memory_space<hbm>>
    %dma_wait3A_609 = arith.constant 0 : i32
    %dma_wait3A_610 = arith.constant 0 : i32
    %dma_wait3A_611 = tpu.memref_slice %arg6[%dma_wait3A_600, %dma_wait3A_609, %dma_wait3A_610] : memref<7x128x128xf32, #tpu.memory_space<vmem>> -> memref<1x128x128xf32, #tpu.memory_space<vmem>>
    %dma_wait3A_612 = tpu.memref_squeeze %dma_wait3A_611 : memref<1x128x128xf32, #tpu.memory_space<vmem>> -> memref<128x128xf32, #tpu.memory_space<vmem>>
    tpu.wait_dma2 semaphore(%arg15 : memref<!tpu.dma_semaphore, #tpu.memory_space<semaphore_mem>>) src(%dma_wait3A_612 : memref<128x128xf32, #tpu.memory_space<vmem>>) dst(%dma_wait3A_608 : memref<128x128xf32, #tpu.memory_space<hbm>>)
    %dma_start3A_613 = arith.constant 15 : i32
    %dma_start3A_614 = arith.constant 1 : i32
    %dma_start3A_615 = arith.constant 0 : i32
    %dma_start3A_616 = arith.constant 0 : i32
    %dma_start3A_617 = tpu.memref_slice %arg6[%dma_start3A_614, %dma_start3A_615, %dma_start3A_616] : memref<7x128x128xf32, #tpu.memory_space<vmem>> -> memref<1x128x128xf32, #tpu.memory_space<vmem>>
    %dma_start3A_618 = tpu.memref_squeeze %dma_start3A_617 : memref<1x128x128xf32, #tpu.memory_space<vmem>> -> memref<128x128xf32, #tpu.memory_space<vmem>>
    %dma_start3A_619 = arith.constant 0 : i32
    %dma_start3A_620 = tpu.memref_slice %arg5[%dma_start3A_613, %dma_start3A_619] : memref<26x128xi32, #tpu.memory_space<vmem>> -> memref<1x128xi32, #tpu.memory_space<vmem>>
    %dma_start3A_621 = tpu.memref_squeeze %dma_start3A_620 : memref<1x128xi32, #tpu.memory_space<vmem>> -> memref<128xi32, #tpu.memory_space<vmem>>
    %dma_start3A_622 = arith.constant 0 : i32
    %dma_start3A_623 = arith.constant 0 : i32
    %dma_start3A_624 = tpu.memref_slice %arg2[%dma_start3A_622, %dma_start3A_623] : memref<100000x128xf32, #tpu.memory_space<hbm>> -> memref<100000x128xf32, #tpu.memory_space<hbm>>
    tpu.enqueue_indirect_dma source(%dma_start3A_624 : memref<100000x128xf32, #tpu.memory_space<hbm>>) target(%dma_start3A_618 : memref<128x128xf32, #tpu.memory_space<vmem>>) offsets(%dma_start3A_621 : memref<128xi32, #tpu.memory_space<vmem>>) semaphore(%arg8 : memref<!tpu.dma_semaphore, #tpu.memory_space<semaphore_mem>>)
    %dma_wait3A_625 = arith.constant 11 : i32
    %dma_wait3A_626 = arith.constant 4 : i32
    %dma_wait3A_627 = arith.constant 0 : i32
    %dma_wait3A_628 = arith.constant 0 : i32
    %dma_wait3A_629 = tpu.memref_slice %arg6[%dma_wait3A_626, %dma_wait3A_627, %dma_wait3A_628] : memref<7x128x128xf32, #tpu.memory_space<vmem>> -> memref<1x128x128xf32, #tpu.memory_space<vmem>>
    %dma_wait3A_630 = tpu.memref_squeeze %dma_wait3A_629 : memref<1x128x128xf32, #tpu.memory_space<vmem>> -> memref<128x128xf32, #tpu.memory_space<vmem>>
    %dma_wait3A_631 = arith.constant 0 : i32
    %dma_wait3A_632 = tpu.memref_slice %arg5[%dma_wait3A_625, %dma_wait3A_631] : memref<26x128xi32, #tpu.memory_space<vmem>> -> memref<1x128xi32, #tpu.memory_space<vmem>>
    %dma_wait3A_633 = tpu.memref_squeeze %dma_wait3A_632 : memref<1x128xi32, #tpu.memory_space<vmem>> -> memref<128xi32, #tpu.memory_space<vmem>>
    %dma_wait3A_634 = arith.constant 0 : i32
    %dma_wait3A_635 = arith.constant 0 : i32
    %dma_wait3A_636 = tpu.memref_slice %arg2[%dma_wait3A_634, %dma_wait3A_635] : memref<100000x128xf32, #tpu.memory_space<hbm>> -> memref<100000x128xf32, #tpu.memory_space<hbm>>
    tpu.wait_indirect_dma semaphore(%arg11 : memref<!tpu.dma_semaphore, #tpu.memory_space<semaphore_mem>>) src(%dma_wait3A_636 : memref<100000x128xf32, #tpu.memory_space<hbm>>) dst(%dma_wait3A_630 : memref<128x128xf32, #tpu.memory_space<vmem>>)
    %add3A_637 = arith.constant 1408 : i32
    %add3A_638 = arith.addi %mul3A_2, %add3A_637 : i32
    %dma_start3A_639 = arith.constant 4 : i32
    %dma_start3A_640 = arith.constant 0 : i32
    %dma_start3A_641 = arith.constant 0 : i32
    %dma_start3A_642 = tpu.memref_slice %arg6[%dma_start3A_639, %dma_start3A_640, %dma_start3A_641] : memref<7x128x128xf32, #tpu.memory_space<vmem>> -> memref<1x128x128xf32, #tpu.memory_space<vmem>>
    %dma_start3A_643 = tpu.memref_squeeze %dma_start3A_642 : memref<1x128x128xf32, #tpu.memory_space<vmem>> -> memref<128x128xf32, #tpu.memory_space<vmem>>
    %dma_start3A_644 = arith.constant 0 : i32
    %dma_start3A_645 = tpu.memref_slice %arg4[%add3A_638, %dma_start3A_644] : memref<106496x128xf32, #tpu.memory_space<hbm>> -> memref<128x128xf32, #tpu.memory_space<hbm>>
    %dma_start3A_646 = arith.constant 0 : i32
    %dma_start3A_647 = tpu.memref_slice %arg4[%add3A_638, %dma_start3A_646] : memref<106496x128xf32, #tpu.memory_space<hbm>> -> memref<128x128xf32, #tpu.memory_space<hbm>>
    %dma_start3A_648 = arith.constant 0 : i32
    %dma_start3A_649 = arith.constant 0 : i32
    %dma_start3A_650 = tpu.memref_slice %arg6[%dma_start3A_639, %dma_start3A_648, %dma_start3A_649] : memref<7x128x128xf32, #tpu.memory_space<vmem>> -> memref<1x128x128xf32, #tpu.memory_space<vmem>>
    %dma_start3A_651 = tpu.memref_squeeze %dma_start3A_650 : memref<1x128x128xf32, #tpu.memory_space<vmem>> -> memref<128x128xf32, #tpu.memory_space<vmem>>
    tpu.enqueue_dma source(%dma_start3A_651 : memref<128x128xf32, #tpu.memory_space<vmem>>) target(%dma_start3A_647 : memref<128x128xf32, #tpu.memory_space<hbm>>) target_semaphore(%arg18 : memref<!tpu.dma_semaphore, #tpu.memory_space<semaphore_mem>>)
    %add3A_652 = arith.constant 1152 : i32
    %add3A_653 = arith.addi %mul3A_2, %add3A_652 : i32
    %dma_wait3A_654 = arith.constant 2 : i32
    %dma_wait3A_655 = arith.constant 0 : i32
    %dma_wait3A_656 = arith.constant 0 : i32
    %dma_wait3A_657 = tpu.memref_slice %arg6[%dma_wait3A_654, %dma_wait3A_655, %dma_wait3A_656] : memref<7x128x128xf32, #tpu.memory_space<vmem>> -> memref<1x128x128xf32, #tpu.memory_space<vmem>>
    %dma_wait3A_658 = tpu.memref_squeeze %dma_wait3A_657 : memref<1x128x128xf32, #tpu.memory_space<vmem>> -> memref<128x128xf32, #tpu.memory_space<vmem>>
    %dma_wait3A_659 = arith.constant 0 : i32
    %dma_wait3A_660 = tpu.memref_slice %arg4[%add3A_653, %dma_wait3A_659] : memref<106496x128xf32, #tpu.memory_space<hbm>> -> memref<128x128xf32, #tpu.memory_space<hbm>>
    %dma_wait3A_661 = arith.constant 0 : i32
    %dma_wait3A_662 = tpu.memref_slice %arg4[%add3A_653, %dma_wait3A_661] : memref<106496x128xf32, #tpu.memory_space<hbm>> -> memref<128x128xf32, #tpu.memory_space<hbm>>
    %dma_wait3A_663 = arith.constant 0 : i32
    %dma_wait3A_664 = arith.constant 0 : i32
    %dma_wait3A_665 = tpu.memref_slice %arg6[%dma_wait3A_654, %dma_wait3A_663, %dma_wait3A_664] : memref<7x128x128xf32, #tpu.memory_space<vmem>> -> memref<1x128x128xf32, #tpu.memory_space<vmem>>
    %dma_wait3A_666 = tpu.memref_squeeze %dma_wait3A_665 : memref<1x128x128xf32, #tpu.memory_space<vmem>> -> memref<128x128xf32, #tpu.memory_space<vmem>>
    tpu.wait_dma2 semaphore(%arg16 : memref<!tpu.dma_semaphore, #tpu.memory_space<semaphore_mem>>) src(%dma_wait3A_666 : memref<128x128xf32, #tpu.memory_space<vmem>>) dst(%dma_wait3A_662 : memref<128x128xf32, #tpu.memory_space<hbm>>)
    %dma_start3A_667 = arith.constant 16 : i32
    %dma_start3A_668 = arith.constant 2 : i32
    %dma_start3A_669 = arith.constant 0 : i32
    %dma_start3A_670 = arith.constant 0 : i32
    %dma_start3A_671 = tpu.memref_slice %arg6[%dma_start3A_668, %dma_start3A_669, %dma_start3A_670] : memref<7x128x128xf32, #tpu.memory_space<vmem>> -> memref<1x128x128xf32, #tpu.memory_space<vmem>>
    %dma_start3A_672 = tpu.memref_squeeze %dma_start3A_671 : memref<1x128x128xf32, #tpu.memory_space<vmem>> -> memref<128x128xf32, #tpu.memory_space<vmem>>
    %dma_start3A_673 = arith.constant 0 : i32
    %dma_start3A_674 = tpu.memref_slice %arg5[%dma_start3A_667, %dma_start3A_673] : memref<26x128xi32, #tpu.memory_space<vmem>> -> memref<1x128xi32, #tpu.memory_space<vmem>>
    %dma_start3A_675 = tpu.memref_squeeze %dma_start3A_674 : memref<1x128xi32, #tpu.memory_space<vmem>> -> memref<128xi32, #tpu.memory_space<vmem>>
    %dma_start3A_676 = arith.constant 0 : i32
    %dma_start3A_677 = arith.constant 0 : i32
    %dma_start3A_678 = tpu.memref_slice %arg2[%dma_start3A_676, %dma_start3A_677] : memref<100000x128xf32, #tpu.memory_space<hbm>> -> memref<100000x128xf32, #tpu.memory_space<hbm>>
    tpu.enqueue_indirect_dma source(%dma_start3A_678 : memref<100000x128xf32, #tpu.memory_space<hbm>>) target(%dma_start3A_672 : memref<128x128xf32, #tpu.memory_space<vmem>>) offsets(%dma_start3A_675 : memref<128xi32, #tpu.memory_space<vmem>>) semaphore(%arg9 : memref<!tpu.dma_semaphore, #tpu.memory_space<semaphore_mem>>)
    %dma_wait3A_679 = arith.constant 12 : i32
    %dma_wait3A_680 = arith.constant 5 : i32
    %dma_wait3A_681 = arith.constant 0 : i32
    %dma_wait3A_682 = arith.constant 0 : i32
    %dma_wait3A_683 = tpu.memref_slice %arg6[%dma_wait3A_680, %dma_wait3A_681, %dma_wait3A_682] : memref<7x128x128xf32, #tpu.memory_space<vmem>> -> memref<1x128x128xf32, #tpu.memory_space<vmem>>
    %dma_wait3A_684 = tpu.memref_squeeze %dma_wait3A_683 : memref<1x128x128xf32, #tpu.memory_space<vmem>> -> memref<128x128xf32, #tpu.memory_space<vmem>>
    %dma_wait3A_685 = arith.constant 0 : i32
    %dma_wait3A_686 = tpu.memref_slice %arg5[%dma_wait3A_679, %dma_wait3A_685] : memref<26x128xi32, #tpu.memory_space<vmem>> -> memref<1x128xi32, #tpu.memory_space<vmem>>
    %dma_wait3A_687 = tpu.memref_squeeze %dma_wait3A_686 : memref<1x128xi32, #tpu.memory_space<vmem>> -> memref<128xi32, #tpu.memory_space<vmem>>
    %dma_wait3A_688 = arith.constant 0 : i32
    %dma_wait3A_689 = arith.constant 0 : i32
    %dma_wait3A_690 = tpu.memref_slice %arg2[%dma_wait3A_688, %dma_wait3A_689] : memref<100000x128xf32, #tpu.memory_space<hbm>> -> memref<100000x128xf32, #tpu.memory_space<hbm>>
    tpu.wait_indirect_dma semaphore(%arg12 : memref<!tpu.dma_semaphore, #tpu.memory_space<semaphore_mem>>) src(%dma_wait3A_690 : memref<100000x128xf32, #tpu.memory_space<hbm>>) dst(%dma_wait3A_684 : memref<128x128xf32, #tpu.memory_space<vmem>>)
    %add3A_691 = arith.constant 1536 : i32
    %add3A_692 = arith.addi %mul3A_2, %add3A_691 : i32
    %dma_start3A_693 = arith.constant 5 : i32
    %dma_start3A_694 = arith.constant 0 : i32
    %dma_start3A_695 = arith.constant 0 : i32
    %dma_start3A_696 = tpu.memref_slice %arg6[%dma_start3A_693, %dma_start3A_694, %dma_start3A_695] : memref<7x128x128xf32, #tpu.memory_space<vmem>> -> memref<1x128x128xf32, #tpu.memory_space<vmem>>
    %dma_start3A_697 = tpu.memref_squeeze %dma_start3A_696 : memref<1x128x128xf32, #tpu.memory_space<vmem>> -> memref<128x128xf32, #tpu.memory_space<vmem>>
    %dma_start3A_698 = arith.constant 0 : i32
    %dma_start3A_699 = tpu.memref_slice %arg4[%add3A_692, %dma_start3A_698] : memref<106496x128xf32, #tpu.memory_space<hbm>> -> memref<128x128xf32, #tpu.memory_space<hbm>>
    %dma_start3A_700 = arith.constant 0 : i32
    %dma_start3A_701 = tpu.memref_slice %arg4[%add3A_692, %dma_start3A_700] : memref<106496x128xf32, #tpu.memory_space<hbm>> -> memref<128x128xf32, #tpu.memory_space<hbm>>
    %dma_start3A_702 = arith.constant 0 : i32
    %dma_start3A_703 = arith.constant 0 : i32
    %dma_start3A_704 = tpu.memref_slice %arg6[%dma_start3A_693, %dma_start3A_702, %dma_start3A_703] : memref<7x128x128xf32, #tpu.memory_space<vmem>> -> memref<1x128x128xf32, #tpu.memory_space<vmem>>
    %dma_start3A_705 = tpu.memref_squeeze %dma_start3A_704 : memref<1x128x128xf32, #tpu.memory_space<vmem>> -> memref<128x128xf32, #tpu.memory_space<vmem>>
    tpu.enqueue_dma source(%dma_start3A_705 : memref<128x128xf32, #tpu.memory_space<vmem>>) target(%dma_start3A_701 : memref<128x128xf32, #tpu.memory_space<hbm>>) target_semaphore(%arg19 : memref<!tpu.dma_semaphore, #tpu.memory_space<semaphore_mem>>)
    %add3A_706 = arith.constant 1280 : i32
    %add3A_707 = arith.addi %mul3A_2, %add3A_706 : i32
    %dma_wait3A_708 = arith.constant 3 : i32
    %dma_wait3A_709 = arith.constant 0 : i32
    %dma_wait3A_710 = arith.constant 0 : i32
    %dma_wait3A_711 = tpu.memref_slice %arg6[%dma_wait3A_708, %dma_wait3A_709, %dma_wait3A_710] : memref<7x128x128xf32, #tpu.memory_space<vmem>> -> memref<1x128x128xf32, #tpu.memory_space<vmem>>
    %dma_wait3A_712 = tpu.memref_squeeze %dma_wait3A_711 : memref<1x128x128xf32, #tpu.memory_space<vmem>> -> memref<128x128xf32, #tpu.memory_space<vmem>>
    %dma_wait3A_713 = arith.constant 0 : i32
    %dma_wait3A_714 = tpu.memref_slice %arg4[%add3A_707, %dma_wait3A_713] : memref<106496x128xf32, #tpu.memory_space<hbm>> -> memref<128x128xf32, #tpu.memory_space<hbm>>
    %dma_wait3A_715 = arith.constant 0 : i32
    %dma_wait3A_716 = tpu.memref_slice %arg4[%add3A_707, %dma_wait3A_715] : memref<106496x128xf32, #tpu.memory_space<hbm>> -> memref<128x128xf32, #tpu.memory_space<hbm>>
    %dma_wait3A_717 = arith.constant 0 : i32
    %dma_wait3A_718 = arith.constant 0 : i32
    %dma_wait3A_719 = tpu.memref_slice %arg6[%dma_wait3A_708, %dma_wait3A_717, %dma_wait3A_718] : memref<7x128x128xf32, #tpu.memory_space<vmem>> -> memref<1x128x128xf32, #tpu.memory_space<vmem>>
    %dma_wait3A_720 = tpu.memref_squeeze %dma_wait3A_719 : memref<1x128x128xf32, #tpu.memory_space<vmem>> -> memref<128x128xf32, #tpu.memory_space<vmem>>
    tpu.wait_dma2 semaphore(%arg17 : memref<!tpu.dma_semaphore, #tpu.memory_space<semaphore_mem>>) src(%dma_wait3A_720 : memref<128x128xf32, #tpu.memory_space<vmem>>) dst(%dma_wait3A_716 : memref<128x128xf32, #tpu.memory_space<hbm>>)
    %dma_start3A_721 = arith.constant 17 : i32
    %dma_start3A_722 = arith.constant 3 : i32
    %dma_start3A_723 = arith.constant 0 : i32
    %dma_start3A_724 = arith.constant 0 : i32
    %dma_start3A_725 = tpu.memref_slice %arg6[%dma_start3A_722, %dma_start3A_723, %dma_start3A_724] : memref<7x128x128xf32, #tpu.memory_space<vmem>> -> memref<1x128x128xf32, #tpu.memory_space<vmem>>
    %dma_start3A_726 = tpu.memref_squeeze %dma_start3A_725 : memref<1x128x128xf32, #tpu.memory_space<vmem>> -> memref<128x128xf32, #tpu.memory_space<vmem>>
    %dma_start3A_727 = arith.constant 0 : i32
    %dma_start3A_728 = tpu.memref_slice %arg5[%dma_start3A_721, %dma_start3A_727] : memref<26x128xi32, #tpu.memory_space<vmem>> -> memref<1x128xi32, #tpu.memory_space<vmem>>
    %dma_start3A_729 = tpu.memref_squeeze %dma_start3A_728 : memref<1x128xi32, #tpu.memory_space<vmem>> -> memref<128xi32, #tpu.memory_space<vmem>>
    %dma_start3A_730 = arith.constant 0 : i32
    %dma_start3A_731 = arith.constant 0 : i32
    %dma_start3A_732 = tpu.memref_slice %arg2[%dma_start3A_730, %dma_start3A_731] : memref<100000x128xf32, #tpu.memory_space<hbm>> -> memref<100000x128xf32, #tpu.memory_space<hbm>>
    tpu.enqueue_indirect_dma source(%dma_start3A_732 : memref<100000x128xf32, #tpu.memory_space<hbm>>) target(%dma_start3A_726 : memref<128x128xf32, #tpu.memory_space<vmem>>) offsets(%dma_start3A_729 : memref<128xi32, #tpu.memory_space<vmem>>) semaphore(%arg10 : memref<!tpu.dma_semaphore, #tpu.memory_space<semaphore_mem>>)
    %dma_wait3A_733 = arith.constant 13 : i32
    %dma_wait3A_734 = arith.constant 6 : i32
    %dma_wait3A_735 = arith.constant 0 : i32
    %dma_wait3A_736 = arith.constant 0 : i32
    %dma_wait3A_737 = tpu.memref_slice %arg6[%dma_wait3A_734, %dma_wait3A_735, %dma_wait3A_736] : memref<7x128x128xf32, #tpu.memory_space<vmem>> -> memref<1x128x128xf32, #tpu.memory_space<vmem>>
    %dma_wait3A_738 = tpu.memref_squeeze %dma_wait3A_737 : memref<1x128x128xf32, #tpu.memory_space<vmem>> -> memref<128x128xf32, #tpu.memory_space<vmem>>
    %dma_wait3A_739 = arith.constant 0 : i32
    %dma_wait3A_740 = tpu.memref_slice %arg5[%dma_wait3A_733, %dma_wait3A_739] : memref<26x128xi32, #tpu.memory_space<vmem>> -> memref<1x128xi32, #tpu.memory_space<vmem>>
    %dma_wait3A_741 = tpu.memref_squeeze %dma_wait3A_740 : memref<1x128xi32, #tpu.memory_space<vmem>> -> memref<128xi32, #tpu.memory_space<vmem>>
    %dma_wait3A_742 = arith.constant 0 : i32
    %dma_wait3A_743 = arith.constant 0 : i32
    %dma_wait3A_744 = tpu.memref_slice %arg2[%dma_wait3A_742, %dma_wait3A_743] : memref<100000x128xf32, #tpu.memory_space<hbm>> -> memref<100000x128xf32, #tpu.memory_space<hbm>>
    tpu.wait_indirect_dma semaphore(%arg13 : memref<!tpu.dma_semaphore, #tpu.memory_space<semaphore_mem>>) src(%dma_wait3A_744 : memref<100000x128xf32, #tpu.memory_space<hbm>>) dst(%dma_wait3A_738 : memref<128x128xf32, #tpu.memory_space<vmem>>)
    %add3A_745 = arith.constant 1664 : i32
    %add3A_746 = arith.addi %mul3A_2, %add3A_745 : i32
    %dma_start3A_747 = arith.constant 6 : i32
    %dma_start3A_748 = arith.constant 0 : i32
    %dma_start3A_749 = arith.constant 0 : i32
    %dma_start3A_750 = tpu.memref_slice %arg6[%dma_start3A_747, %dma_start3A_748, %dma_start3A_749] : memref<7x128x128xf32, #tpu.memory_space<vmem>> -> memref<1x128x128xf32, #tpu.memory_space<vmem>>
    %dma_start3A_751 = tpu.memref_squeeze %dma_start3A_750 : memref<1x128x128xf32, #tpu.memory_space<vmem>> -> memref<128x128xf32, #tpu.memory_space<vmem>>
    %dma_start3A_752 = arith.constant 0 : i32
    %dma_start3A_753 = tpu.memref_slice %arg4[%add3A_746, %dma_start3A_752] : memref<106496x128xf32, #tpu.memory_space<hbm>> -> memref<128x128xf32, #tpu.memory_space<hbm>>
    %dma_start3A_754 = arith.constant 0 : i32
    %dma_start3A_755 = tpu.memref_slice %arg4[%add3A_746, %dma_start3A_754] : memref<106496x128xf32, #tpu.memory_space<hbm>> -> memref<128x128xf32, #tpu.memory_space<hbm>>
    %dma_start3A_756 = arith.constant 0 : i32
    %dma_start3A_757 = arith.constant 0 : i32
    %dma_start3A_758 = tpu.memref_slice %arg6[%dma_start3A_747, %dma_start3A_756, %dma_start3A_757] : memref<7x128x128xf32, #tpu.memory_space<vmem>> -> memref<1x128x128xf32, #tpu.memory_space<vmem>>
    %dma_start3A_759 = tpu.memref_squeeze %dma_start3A_758 : memref<1x128x128xf32, #tpu.memory_space<vmem>> -> memref<128x128xf32, #tpu.memory_space<vmem>>
    tpu.enqueue_dma source(%dma_start3A_759 : memref<128x128xf32, #tpu.memory_space<vmem>>) target(%dma_start3A_755 : memref<128x128xf32, #tpu.memory_space<hbm>>) target_semaphore(%arg20 : memref<!tpu.dma_semaphore, #tpu.memory_space<semaphore_mem>>)
    %add3A_760 = arith.constant 1408 : i32
    %add3A_761 = arith.addi %mul3A_2, %add3A_760 : i32
    %dma_wait3A_762 = arith.constant 4 : i32
    %dma_wait3A_763 = arith.constant 0 : i32
    %dma_wait3A_764 = arith.constant 0 : i32
    %dma_wait3A_765 = tpu.memref_slice %arg6[%dma_wait3A_762, %dma_wait3A_763, %dma_wait3A_764] : memref<7x128x128xf32, #tpu.memory_space<vmem>> -> memref<1x128x128xf32, #tpu.memory_space<vmem>>
    %dma_wait3A_766 = tpu.memref_squeeze %dma_wait3A_765 : memref<1x128x128xf32, #tpu.memory_space<vmem>> -> memref<128x128xf32, #tpu.memory_space<vmem>>
    %dma_wait3A_767 = arith.constant 0 : i32
    %dma_wait3A_768 = tpu.memref_slice %arg4[%add3A_761, %dma_wait3A_767] : memref<106496x128xf32, #tpu.memory_space<hbm>> -> memref<128x128xf32, #tpu.memory_space<hbm>>
    %dma_wait3A_769 = arith.constant 0 : i32
    %dma_wait3A_770 = tpu.memref_slice %arg4[%add3A_761, %dma_wait3A_769] : memref<106496x128xf32, #tpu.memory_space<hbm>> -> memref<128x128xf32, #tpu.memory_space<hbm>>
    %dma_wait3A_771 = arith.constant 0 : i32
    %dma_wait3A_772 = arith.constant 0 : i32
    %dma_wait3A_773 = tpu.memref_slice %arg6[%dma_wait3A_762, %dma_wait3A_771, %dma_wait3A_772] : memref<7x128x128xf32, #tpu.memory_space<vmem>> -> memref<1x128x128xf32, #tpu.memory_space<vmem>>
    %dma_wait3A_774 = tpu.memref_squeeze %dma_wait3A_773 : memref<1x128x128xf32, #tpu.memory_space<vmem>> -> memref<128x128xf32, #tpu.memory_space<vmem>>
    tpu.wait_dma2 semaphore(%arg18 : memref<!tpu.dma_semaphore, #tpu.memory_space<semaphore_mem>>) src(%dma_wait3A_774 : memref<128x128xf32, #tpu.memory_space<vmem>>) dst(%dma_wait3A_770 : memref<128x128xf32, #tpu.memory_space<hbm>>)
    %dma_start3A_775 = arith.constant 18 : i32
    %dma_start3A_776 = arith.constant 4 : i32
    %dma_start3A_777 = arith.constant 0 : i32
    %dma_start3A_778 = arith.constant 0 : i32
    %dma_start3A_779 = tpu.memref_slice %arg6[%dma_start3A_776, %dma_start3A_777, %dma_start3A_778] : memref<7x128x128xf32, #tpu.memory_space<vmem>> -> memref<1x128x128xf32, #tpu.memory_space<vmem>>
    %dma_start3A_780 = tpu.memref_squeeze %dma_start3A_779 : memref<1x128x128xf32, #tpu.memory_space<vmem>> -> memref<128x128xf32, #tpu.memory_space<vmem>>
    %dma_start3A_781 = arith.constant 0 : i32
    %dma_start3A_782 = tpu.memref_slice %arg5[%dma_start3A_775, %dma_start3A_781] : memref<26x128xi32, #tpu.memory_space<vmem>> -> memref<1x128xi32, #tpu.memory_space<vmem>>
    %dma_start3A_783 = tpu.memref_squeeze %dma_start3A_782 : memref<1x128xi32, #tpu.memory_space<vmem>> -> memref<128xi32, #tpu.memory_space<vmem>>
    %dma_start3A_784 = arith.constant 0 : i32
    %dma_start3A_785 = arith.constant 0 : i32
    %dma_start3A_786 = tpu.memref_slice %arg2[%dma_start3A_784, %dma_start3A_785] : memref<100000x128xf32, #tpu.memory_space<hbm>> -> memref<100000x128xf32, #tpu.memory_space<hbm>>
    tpu.enqueue_indirect_dma source(%dma_start3A_786 : memref<100000x128xf32, #tpu.memory_space<hbm>>) target(%dma_start3A_780 : memref<128x128xf32, #tpu.memory_space<vmem>>) offsets(%dma_start3A_783 : memref<128xi32, #tpu.memory_space<vmem>>) semaphore(%arg11 : memref<!tpu.dma_semaphore, #tpu.memory_space<semaphore_mem>>)
    %dma_wait3A_787 = arith.constant 14 : i32
    %dma_wait3A_788 = arith.constant 0 : i32
    %dma_wait3A_789 = arith.constant 0 : i32
    %dma_wait3A_790 = arith.constant 0 : i32
    %dma_wait3A_791 = tpu.memref_slice %arg6[%dma_wait3A_788, %dma_wait3A_789, %dma_wait3A_790] : memref<7x128x128xf32, #tpu.memory_space<vmem>> -> memref<1x128x128xf32, #tpu.memory_space<vmem>>
    %dma_wait3A_792 = tpu.memref_squeeze %dma_wait3A_791 : memref<1x128x128xf32, #tpu.memory_space<vmem>> -> memref<128x128xf32, #tpu.memory_space<vmem>>
    %dma_wait3A_793 = arith.constant 0 : i32
    %dma_wait3A_794 = tpu.memref_slice %arg5[%dma_wait3A_787, %dma_wait3A_793] : memref<26x128xi32, #tpu.memory_space<vmem>> -> memref<1x128xi32, #tpu.memory_space<vmem>>
    %dma_wait3A_795 = tpu.memref_squeeze %dma_wait3A_794 : memref<1x128xi32, #tpu.memory_space<vmem>> -> memref<128xi32, #tpu.memory_space<vmem>>
    %dma_wait3A_796 = arith.constant 0 : i32
    %dma_wait3A_797 = arith.constant 0 : i32
    %dma_wait3A_798 = tpu.memref_slice %arg2[%dma_wait3A_796, %dma_wait3A_797] : memref<100000x128xf32, #tpu.memory_space<hbm>> -> memref<100000x128xf32, #tpu.memory_space<hbm>>
    tpu.wait_indirect_dma semaphore(%arg7 : memref<!tpu.dma_semaphore, #tpu.memory_space<semaphore_mem>>) src(%dma_wait3A_798 : memref<100000x128xf32, #tpu.memory_space<hbm>>) dst(%dma_wait3A_792 : memref<128x128xf32, #tpu.memory_space<vmem>>)
    %add3A_799 = arith.constant 1792 : i32
    %add3A_800 = arith.addi %mul3A_2, %add3A_799 : i32
    %dma_start3A_801 = arith.constant 0 : i32
    %dma_start3A_802 = arith.constant 0 : i32
    %dma_start3A_803 = arith.constant 0 : i32
    %dma_start3A_804 = tpu.memref_slice %arg6[%dma_start3A_801, %dma_start3A_802, %dma_start3A_803] : memref<7x128x128xf32, #tpu.memory_space<vmem>> -> memref<1x128x128xf32, #tpu.memory_space<vmem>>
    %dma_start3A_805 = tpu.memref_squeeze %dma_start3A_804 : memref<1x128x128xf32, #tpu.memory_space<vmem>> -> memref<128x128xf32, #tpu.memory_space<vmem>>
    %dma_start3A_806 = arith.constant 0 : i32
    %dma_start3A_807 = tpu.memref_slice %arg4[%add3A_800, %dma_start3A_806] : memref<106496x128xf32, #tpu.memory_space<hbm>> -> memref<128x128xf32, #tpu.memory_space<hbm>>
    %dma_start3A_808 = arith.constant 0 : i32
    %dma_start3A_809 = tpu.memref_slice %arg4[%add3A_800, %dma_start3A_808] : memref<106496x128xf32, #tpu.memory_space<hbm>> -> memref<128x128xf32, #tpu.memory_space<hbm>>
    %dma_start3A_810 = arith.constant 0 : i32
    %dma_start3A_811 = arith.constant 0 : i32
    %dma_start3A_812 = tpu.memref_slice %arg6[%dma_start3A_801, %dma_start3A_810, %dma_start3A_811] : memref<7x128x128xf32, #tpu.memory_space<vmem>> -> memref<1x128x128xf32, #tpu.memory_space<vmem>>
    %dma_start3A_813 = tpu.memref_squeeze %dma_start3A_812 : memref<1x128x128xf32, #tpu.memory_space<vmem>> -> memref<128x128xf32, #tpu.memory_space<vmem>>
    tpu.enqueue_dma source(%dma_start3A_813 : memref<128x128xf32, #tpu.memory_space<vmem>>) target(%dma_start3A_809 : memref<128x128xf32, #tpu.memory_space<hbm>>) target_semaphore(%arg14 : memref<!tpu.dma_semaphore, #tpu.memory_space<semaphore_mem>>)
    %add3A_814 = arith.constant 1536 : i32
    %add3A_815 = arith.addi %mul3A_2, %add3A_814 : i32
    %dma_wait3A_816 = arith.constant 5 : i32
    %dma_wait3A_817 = arith.constant 0 : i32
    %dma_wait3A_818 = arith.constant 0 : i32
    %dma_wait3A_819 = tpu.memref_slice %arg6[%dma_wait3A_816, %dma_wait3A_817, %dma_wait3A_818] : memref<7x128x128xf32, #tpu.memory_space<vmem>> -> memref<1x128x128xf32, #tpu.memory_space<vmem>>
    %dma_wait3A_820 = tpu.memref_squeeze %dma_wait3A_819 : memref<1x128x128xf32, #tpu.memory_space<vmem>> -> memref<128x128xf32, #tpu.memory_space<vmem>>
    %dma_wait3A_821 = arith.constant 0 : i32
    %dma_wait3A_822 = tpu.memref_slice %arg4[%add3A_815, %dma_wait3A_821] : memref<106496x128xf32, #tpu.memory_space<hbm>> -> memref<128x128xf32, #tpu.memory_space<hbm>>
    %dma_wait3A_823 = arith.constant 0 : i32
    %dma_wait3A_824 = tpu.memref_slice %arg4[%add3A_815, %dma_wait3A_823] : memref<106496x128xf32, #tpu.memory_space<hbm>> -> memref<128x128xf32, #tpu.memory_space<hbm>>
    %dma_wait3A_825 = arith.constant 0 : i32
    %dma_wait3A_826 = arith.constant 0 : i32
    %dma_wait3A_827 = tpu.memref_slice %arg6[%dma_wait3A_816, %dma_wait3A_825, %dma_wait3A_826] : memref<7x128x128xf32, #tpu.memory_space<vmem>> -> memref<1x128x128xf32, #tpu.memory_space<vmem>>
    %dma_wait3A_828 = tpu.memref_squeeze %dma_wait3A_827 : memref<1x128x128xf32, #tpu.memory_space<vmem>> -> memref<128x128xf32, #tpu.memory_space<vmem>>
    tpu.wait_dma2 semaphore(%arg19 : memref<!tpu.dma_semaphore, #tpu.memory_space<semaphore_mem>>) src(%dma_wait3A_828 : memref<128x128xf32, #tpu.memory_space<vmem>>) dst(%dma_wait3A_824 : memref<128x128xf32, #tpu.memory_space<hbm>>)
    %dma_start3A_829 = arith.constant 19 : i32
    %dma_start3A_830 = arith.constant 5 : i32
    %dma_start3A_831 = arith.constant 0 : i32
    %dma_start3A_832 = arith.constant 0 : i32
    %dma_start3A_833 = tpu.memref_slice %arg6[%dma_start3A_830, %dma_start3A_831, %dma_start3A_832] : memref<7x128x128xf32, #tpu.memory_space<vmem>> -> memref<1x128x128xf32, #tpu.memory_space<vmem>>
    %dma_start3A_834 = tpu.memref_squeeze %dma_start3A_833 : memref<1x128x128xf32, #tpu.memory_space<vmem>> -> memref<128x128xf32, #tpu.memory_space<vmem>>
    %dma_start3A_835 = arith.constant 0 : i32
    %dma_start3A_836 = tpu.memref_slice %arg5[%dma_start3A_829, %dma_start3A_835] : memref<26x128xi32, #tpu.memory_space<vmem>> -> memref<1x128xi32, #tpu.memory_space<vmem>>
    %dma_start3A_837 = tpu.memref_squeeze %dma_start3A_836 : memref<1x128xi32, #tpu.memory_space<vmem>> -> memref<128xi32, #tpu.memory_space<vmem>>
    %dma_start3A_838 = arith.constant 0 : i32
    %dma_start3A_839 = arith.constant 0 : i32
    %dma_start3A_840 = tpu.memref_slice %arg2[%dma_start3A_838, %dma_start3A_839] : memref<100000x128xf32, #tpu.memory_space<hbm>> -> memref<100000x128xf32, #tpu.memory_space<hbm>>
    tpu.enqueue_indirect_dma source(%dma_start3A_840 : memref<100000x128xf32, #tpu.memory_space<hbm>>) target(%dma_start3A_834 : memref<128x128xf32, #tpu.memory_space<vmem>>) offsets(%dma_start3A_837 : memref<128xi32, #tpu.memory_space<vmem>>) semaphore(%arg12 : memref<!tpu.dma_semaphore, #tpu.memory_space<semaphore_mem>>)
    %dma_wait3A_841 = arith.constant 15 : i32
    %dma_wait3A_842 = arith.constant 1 : i32
    %dma_wait3A_843 = arith.constant 0 : i32
    %dma_wait3A_844 = arith.constant 0 : i32
    %dma_wait3A_845 = tpu.memref_slice %arg6[%dma_wait3A_842, %dma_wait3A_843, %dma_wait3A_844] : memref<7x128x128xf32, #tpu.memory_space<vmem>> -> memref<1x128x128xf32, #tpu.memory_space<vmem>>
    %dma_wait3A_846 = tpu.memref_squeeze %dma_wait3A_845 : memref<1x128x128xf32, #tpu.memory_space<vmem>> -> memref<128x128xf32, #tpu.memory_space<vmem>>
    %dma_wait3A_847 = arith.constant 0 : i32
    %dma_wait3A_848 = tpu.memref_slice %arg5[%dma_wait3A_841, %dma_wait3A_847] : memref<26x128xi32, #tpu.memory_space<vmem>> -> memref<1x128xi32, #tpu.memory_space<vmem>>
    %dma_wait3A_849 = tpu.memref_squeeze %dma_wait3A_848 : memref<1x128xi32, #tpu.memory_space<vmem>> -> memref<128xi32, #tpu.memory_space<vmem>>
    %dma_wait3A_850 = arith.constant 0 : i32
    %dma_wait3A_851 = arith.constant 0 : i32
    %dma_wait3A_852 = tpu.memref_slice %arg2[%dma_wait3A_850, %dma_wait3A_851] : memref<100000x128xf32, #tpu.memory_space<hbm>> -> memref<100000x128xf32, #tpu.memory_space<hbm>>
    tpu.wait_indirect_dma semaphore(%arg8 : memref<!tpu.dma_semaphore, #tpu.memory_space<semaphore_mem>>) src(%dma_wait3A_852 : memref<100000x128xf32, #tpu.memory_space<hbm>>) dst(%dma_wait3A_846 : memref<128x128xf32, #tpu.memory_space<vmem>>)
    %add3A_853 = arith.constant 1920 : i32
    %add3A_854 = arith.addi %mul3A_2, %add3A_853 : i32
    %dma_start3A_855 = arith.constant 1 : i32
    %dma_start3A_856 = arith.constant 0 : i32
    %dma_start3A_857 = arith.constant 0 : i32
    %dma_start3A_858 = tpu.memref_slice %arg6[%dma_start3A_855, %dma_start3A_856, %dma_start3A_857] : memref<7x128x128xf32, #tpu.memory_space<vmem>> -> memref<1x128x128xf32, #tpu.memory_space<vmem>>
    %dma_start3A_859 = tpu.memref_squeeze %dma_start3A_858 : memref<1x128x128xf32, #tpu.memory_space<vmem>> -> memref<128x128xf32, #tpu.memory_space<vmem>>
    %dma_start3A_860 = arith.constant 0 : i32
    %dma_start3A_861 = tpu.memref_slice %arg4[%add3A_854, %dma_start3A_860] : memref<106496x128xf32, #tpu.memory_space<hbm>> -> memref<128x128xf32, #tpu.memory_space<hbm>>
    %dma_start3A_862 = arith.constant 0 : i32
    %dma_start3A_863 = tpu.memref_slice %arg4[%add3A_854, %dma_start3A_862] : memref<106496x128xf32, #tpu.memory_space<hbm>> -> memref<128x128xf32, #tpu.memory_space<hbm>>
    %dma_start3A_864 = arith.constant 0 : i32
    %dma_start3A_865 = arith.constant 0 : i32
    %dma_start3A_866 = tpu.memref_slice %arg6[%dma_start3A_855, %dma_start3A_864, %dma_start3A_865] : memref<7x128x128xf32, #tpu.memory_space<vmem>> -> memref<1x128x128xf32, #tpu.memory_space<vmem>>
    %dma_start3A_867 = tpu.memref_squeeze %dma_start3A_866 : memref<1x128x128xf32, #tpu.memory_space<vmem>> -> memref<128x128xf32, #tpu.memory_space<vmem>>
    tpu.enqueue_dma source(%dma_start3A_867 : memref<128x128xf32, #tpu.memory_space<vmem>>) target(%dma_start3A_863 : memref<128x128xf32, #tpu.memory_space<hbm>>) target_semaphore(%arg15 : memref<!tpu.dma_semaphore, #tpu.memory_space<semaphore_mem>>)
    %add3A_868 = arith.constant 1664 : i32
    %add3A_869 = arith.addi %mul3A_2, %add3A_868 : i32
    %dma_wait3A_870 = arith.constant 6 : i32
    %dma_wait3A_871 = arith.constant 0 : i32
    %dma_wait3A_872 = arith.constant 0 : i32
    %dma_wait3A_873 = tpu.memref_slice %arg6[%dma_wait3A_870, %dma_wait3A_871, %dma_wait3A_872] : memref<7x128x128xf32, #tpu.memory_space<vmem>> -> memref<1x128x128xf32, #tpu.memory_space<vmem>>
    %dma_wait3A_874 = tpu.memref_squeeze %dma_wait3A_873 : memref<1x128x128xf32, #tpu.memory_space<vmem>> -> memref<128x128xf32, #tpu.memory_space<vmem>>
    %dma_wait3A_875 = arith.constant 0 : i32
    %dma_wait3A_876 = tpu.memref_slice %arg4[%add3A_869, %dma_wait3A_875] : memref<106496x128xf32, #tpu.memory_space<hbm>> -> memref<128x128xf32, #tpu.memory_space<hbm>>
    %dma_wait3A_877 = arith.constant 0 : i32
    %dma_wait3A_878 = tpu.memref_slice %arg4[%add3A_869, %dma_wait3A_877] : memref<106496x128xf32, #tpu.memory_space<hbm>> -> memref<128x128xf32, #tpu.memory_space<hbm>>
    %dma_wait3A_879 = arith.constant 0 : i32
    %dma_wait3A_880 = arith.constant 0 : i32
    %dma_wait3A_881 = tpu.memref_slice %arg6[%dma_wait3A_870, %dma_wait3A_879, %dma_wait3A_880] : memref<7x128x128xf32, #tpu.memory_space<vmem>> -> memref<1x128x128xf32, #tpu.memory_space<vmem>>
    %dma_wait3A_882 = tpu.memref_squeeze %dma_wait3A_881 : memref<1x128x128xf32, #tpu.memory_space<vmem>> -> memref<128x128xf32, #tpu.memory_space<vmem>>
    tpu.wait_dma2 semaphore(%arg20 : memref<!tpu.dma_semaphore, #tpu.memory_space<semaphore_mem>>) src(%dma_wait3A_882 : memref<128x128xf32, #tpu.memory_space<vmem>>) dst(%dma_wait3A_878 : memref<128x128xf32, #tpu.memory_space<hbm>>)
    %dma_start3A_883 = arith.constant 20 : i32
    %dma_start3A_884 = arith.constant 6 : i32
    %dma_start3A_885 = arith.constant 0 : i32
    %dma_start3A_886 = arith.constant 0 : i32
    %dma_start3A_887 = tpu.memref_slice %arg6[%dma_start3A_884, %dma_start3A_885, %dma_start3A_886] : memref<7x128x128xf32, #tpu.memory_space<vmem>> -> memref<1x128x128xf32, #tpu.memory_space<vmem>>
    %dma_start3A_888 = tpu.memref_squeeze %dma_start3A_887 : memref<1x128x128xf32, #tpu.memory_space<vmem>> -> memref<128x128xf32, #tpu.memory_space<vmem>>
    %dma_start3A_889 = arith.constant 0 : i32
    %dma_start3A_890 = tpu.memref_slice %arg5[%dma_start3A_883, %dma_start3A_889] : memref<26x128xi32, #tpu.memory_space<vmem>> -> memref<1x128xi32, #tpu.memory_space<vmem>>
    %dma_start3A_891 = tpu.memref_squeeze %dma_start3A_890 : memref<1x128xi32, #tpu.memory_space<vmem>> -> memref<128xi32, #tpu.memory_space<vmem>>
    %dma_start3A_892 = arith.constant 0 : i32
    %dma_start3A_893 = arith.constant 0 : i32
    %dma_start3A_894 = tpu.memref_slice %arg2[%dma_start3A_892, %dma_start3A_893] : memref<100000x128xf32, #tpu.memory_space<hbm>> -> memref<100000x128xf32, #tpu.memory_space<hbm>>
    tpu.enqueue_indirect_dma source(%dma_start3A_894 : memref<100000x128xf32, #tpu.memory_space<hbm>>) target(%dma_start3A_888 : memref<128x128xf32, #tpu.memory_space<vmem>>) offsets(%dma_start3A_891 : memref<128xi32, #tpu.memory_space<vmem>>) semaphore(%arg13 : memref<!tpu.dma_semaphore, #tpu.memory_space<semaphore_mem>>)
    %dma_wait3A_895 = arith.constant 16 : i32
    %dma_wait3A_896 = arith.constant 2 : i32
    %dma_wait3A_897 = arith.constant 0 : i32
    %dma_wait3A_898 = arith.constant 0 : i32
    %dma_wait3A_899 = tpu.memref_slice %arg6[%dma_wait3A_896, %dma_wait3A_897, %dma_wait3A_898] : memref<7x128x128xf32, #tpu.memory_space<vmem>> -> memref<1x128x128xf32, #tpu.memory_space<vmem>>
    %dma_wait3A_900 = tpu.memref_squeeze %dma_wait3A_899 : memref<1x128x128xf32, #tpu.memory_space<vmem>> -> memref<128x128xf32, #tpu.memory_space<vmem>>
    %dma_wait3A_901 = arith.constant 0 : i32
    %dma_wait3A_902 = tpu.memref_slice %arg5[%dma_wait3A_895, %dma_wait3A_901] : memref<26x128xi32, #tpu.memory_space<vmem>> -> memref<1x128xi32, #tpu.memory_space<vmem>>
    %dma_wait3A_903 = tpu.memref_squeeze %dma_wait3A_902 : memref<1x128xi32, #tpu.memory_space<vmem>> -> memref<128xi32, #tpu.memory_space<vmem>>
    %dma_wait3A_904 = arith.constant 0 : i32
    %dma_wait3A_905 = arith.constant 0 : i32
    %dma_wait3A_906 = tpu.memref_slice %arg2[%dma_wait3A_904, %dma_wait3A_905] : memref<100000x128xf32, #tpu.memory_space<hbm>> -> memref<100000x128xf32, #tpu.memory_space<hbm>>
    tpu.wait_indirect_dma semaphore(%arg9 : memref<!tpu.dma_semaphore, #tpu.memory_space<semaphore_mem>>) src(%dma_wait3A_906 : memref<100000x128xf32, #tpu.memory_space<hbm>>) dst(%dma_wait3A_900 : memref<128x128xf32, #tpu.memory_space<vmem>>)
    %add3A_907 = arith.constant 2048 : i32
    %add3A_908 = arith.addi %mul3A_2, %add3A_907 : i32
    %dma_start3A_909 = arith.constant 2 : i32
    %dma_start3A_910 = arith.constant 0 : i32
    %dma_start3A_911 = arith.constant 0 : i32
    %dma_start3A_912 = tpu.memref_slice %arg6[%dma_start3A_909, %dma_start3A_910, %dma_start3A_911] : memref<7x128x128xf32, #tpu.memory_space<vmem>> -> memref<1x128x128xf32, #tpu.memory_space<vmem>>
    %dma_start3A_913 = tpu.memref_squeeze %dma_start3A_912 : memref<1x128x128xf32, #tpu.memory_space<vmem>> -> memref<128x128xf32, #tpu.memory_space<vmem>>
    %dma_start3A_914 = arith.constant 0 : i32
    %dma_start3A_915 = tpu.memref_slice %arg4[%add3A_908, %dma_start3A_914] : memref<106496x128xf32, #tpu.memory_space<hbm>> -> memref<128x128xf32, #tpu.memory_space<hbm>>
    %dma_start3A_916 = arith.constant 0 : i32
    %dma_start3A_917 = tpu.memref_slice %arg4[%add3A_908, %dma_start3A_916] : memref<106496x128xf32, #tpu.memory_space<hbm>> -> memref<128x128xf32, #tpu.memory_space<hbm>>
    %dma_start3A_918 = arith.constant 0 : i32
    %dma_start3A_919 = arith.constant 0 : i32
    %dma_start3A_920 = tpu.memref_slice %arg6[%dma_start3A_909, %dma_start3A_918, %dma_start3A_919] : memref<7x128x128xf32, #tpu.memory_space<vmem>> -> memref<1x128x128xf32, #tpu.memory_space<vmem>>
    %dma_start3A_921 = tpu.memref_squeeze %dma_start3A_920 : memref<1x128x128xf32, #tpu.memory_space<vmem>> -> memref<128x128xf32, #tpu.memory_space<vmem>>
    tpu.enqueue_dma source(%dma_start3A_921 : memref<128x128xf32, #tpu.memory_space<vmem>>) target(%dma_start3A_917 : memref<128x128xf32, #tpu.memory_space<hbm>>) target_semaphore(%arg16 : memref<!tpu.dma_semaphore, #tpu.memory_space<semaphore_mem>>)
    %add3A_922 = arith.constant 1792 : i32
    %add3A_923 = arith.addi %mul3A_2, %add3A_922 : i32
    %dma_wait3A_924 = arith.constant 0 : i32
    %dma_wait3A_925 = arith.constant 0 : i32
    %dma_wait3A_926 = arith.constant 0 : i32
    %dma_wait3A_927 = tpu.memref_slice %arg6[%dma_wait3A_924, %dma_wait3A_925, %dma_wait3A_926] : memref<7x128x128xf32, #tpu.memory_space<vmem>> -> memref<1x128x128xf32, #tpu.memory_space<vmem>>
    %dma_wait3A_928 = tpu.memref_squeeze %dma_wait3A_927 : memref<1x128x128xf32, #tpu.memory_space<vmem>> -> memref<128x128xf32, #tpu.memory_space<vmem>>
    %dma_wait3A_929 = arith.constant 0 : i32
    %dma_wait3A_930 = tpu.memref_slice %arg4[%add3A_923, %dma_wait3A_929] : memref<106496x128xf32, #tpu.memory_space<hbm>> -> memref<128x128xf32, #tpu.memory_space<hbm>>
    %dma_wait3A_931 = arith.constant 0 : i32
    %dma_wait3A_932 = tpu.memref_slice %arg4[%add3A_923, %dma_wait3A_931] : memref<106496x128xf32, #tpu.memory_space<hbm>> -> memref<128x128xf32, #tpu.memory_space<hbm>>
    %dma_wait3A_933 = arith.constant 0 : i32
    %dma_wait3A_934 = arith.constant 0 : i32
    %dma_wait3A_935 = tpu.memref_slice %arg6[%dma_wait3A_924, %dma_wait3A_933, %dma_wait3A_934] : memref<7x128x128xf32, #tpu.memory_space<vmem>> -> memref<1x128x128xf32, #tpu.memory_space<vmem>>
    %dma_wait3A_936 = tpu.memref_squeeze %dma_wait3A_935 : memref<1x128x128xf32, #tpu.memory_space<vmem>> -> memref<128x128xf32, #tpu.memory_space<vmem>>
    tpu.wait_dma2 semaphore(%arg14 : memref<!tpu.dma_semaphore, #tpu.memory_space<semaphore_mem>>) src(%dma_wait3A_936 : memref<128x128xf32, #tpu.memory_space<vmem>>) dst(%dma_wait3A_932 : memref<128x128xf32, #tpu.memory_space<hbm>>)
    %dma_start3A_937 = arith.constant 21 : i32
    %dma_start3A_938 = arith.constant 0 : i32
    %dma_start3A_939 = arith.constant 0 : i32
    %dma_start3A_940 = arith.constant 0 : i32
    %dma_start3A_941 = tpu.memref_slice %arg6[%dma_start3A_938, %dma_start3A_939, %dma_start3A_940] : memref<7x128x128xf32, #tpu.memory_space<vmem>> -> memref<1x128x128xf32, #tpu.memory_space<vmem>>
    %dma_start3A_942 = tpu.memref_squeeze %dma_start3A_941 : memref<1x128x128xf32, #tpu.memory_space<vmem>> -> memref<128x128xf32, #tpu.memory_space<vmem>>
    %dma_start3A_943 = arith.constant 0 : i32
    %dma_start3A_944 = tpu.memref_slice %arg5[%dma_start3A_937, %dma_start3A_943] : memref<26x128xi32, #tpu.memory_space<vmem>> -> memref<1x128xi32, #tpu.memory_space<vmem>>
    %dma_start3A_945 = tpu.memref_squeeze %dma_start3A_944 : memref<1x128xi32, #tpu.memory_space<vmem>> -> memref<128xi32, #tpu.memory_space<vmem>>
    %dma_start3A_946 = arith.constant 0 : i32
    %dma_start3A_947 = arith.constant 0 : i32
    %dma_start3A_948 = tpu.memref_slice %arg2[%dma_start3A_946, %dma_start3A_947] : memref<100000x128xf32, #tpu.memory_space<hbm>> -> memref<100000x128xf32, #tpu.memory_space<hbm>>
    tpu.enqueue_indirect_dma source(%dma_start3A_948 : memref<100000x128xf32, #tpu.memory_space<hbm>>) target(%dma_start3A_942 : memref<128x128xf32, #tpu.memory_space<vmem>>) offsets(%dma_start3A_945 : memref<128xi32, #tpu.memory_space<vmem>>) semaphore(%arg7 : memref<!tpu.dma_semaphore, #tpu.memory_space<semaphore_mem>>)
    %dma_wait3A_949 = arith.constant 17 : i32
    %dma_wait3A_950 = arith.constant 3 : i32
    %dma_wait3A_951 = arith.constant 0 : i32
    %dma_wait3A_952 = arith.constant 0 : i32
    %dma_wait3A_953 = tpu.memref_slice %arg6[%dma_wait3A_950, %dma_wait3A_951, %dma_wait3A_952] : memref<7x128x128xf32, #tpu.memory_space<vmem>> -> memref<1x128x128xf32, #tpu.memory_space<vmem>>
    %dma_wait3A_954 = tpu.memref_squeeze %dma_wait3A_953 : memref<1x128x128xf32, #tpu.memory_space<vmem>> -> memref<128x128xf32, #tpu.memory_space<vmem>>
    %dma_wait3A_955 = arith.constant 0 : i32
    %dma_wait3A_956 = tpu.memref_slice %arg5[%dma_wait3A_949, %dma_wait3A_955] : memref<26x128xi32, #tpu.memory_space<vmem>> -> memref<1x128xi32, #tpu.memory_space<vmem>>
    %dma_wait3A_957 = tpu.memref_squeeze %dma_wait3A_956 : memref<1x128xi32, #tpu.memory_space<vmem>> -> memref<128xi32, #tpu.memory_space<vmem>>
    %dma_wait3A_958 = arith.constant 0 : i32
    %dma_wait3A_959 = arith.constant 0 : i32
    %dma_wait3A_960 = tpu.memref_slice %arg2[%dma_wait3A_958, %dma_wait3A_959] : memref<100000x128xf32, #tpu.memory_space<hbm>> -> memref<100000x128xf32, #tpu.memory_space<hbm>>
    tpu.wait_indirect_dma semaphore(%arg10 : memref<!tpu.dma_semaphore, #tpu.memory_space<semaphore_mem>>) src(%dma_wait3A_960 : memref<100000x128xf32, #tpu.memory_space<hbm>>) dst(%dma_wait3A_954 : memref<128x128xf32, #tpu.memory_space<vmem>>)
    %add3A_961 = arith.constant 2176 : i32
    %add3A_962 = arith.addi %mul3A_2, %add3A_961 : i32
    %dma_start3A_963 = arith.constant 3 : i32
    %dma_start3A_964 = arith.constant 0 : i32
    %dma_start3A_965 = arith.constant 0 : i32
    %dma_start3A_966 = tpu.memref_slice %arg6[%dma_start3A_963, %dma_start3A_964, %dma_start3A_965] : memref<7x128x128xf32, #tpu.memory_space<vmem>> -> memref<1x128x128xf32, #tpu.memory_space<vmem>>
    %dma_start3A_967 = tpu.memref_squeeze %dma_start3A_966 : memref<1x128x128xf32, #tpu.memory_space<vmem>> -> memref<128x128xf32, #tpu.memory_space<vmem>>
    %dma_start3A_968 = arith.constant 0 : i32
    %dma_start3A_969 = tpu.memref_slice %arg4[%add3A_962, %dma_start3A_968] : memref<106496x128xf32, #tpu.memory_space<hbm>> -> memref<128x128xf32, #tpu.memory_space<hbm>>
    %dma_start3A_970 = arith.constant 0 : i32
    %dma_start3A_971 = tpu.memref_slice %arg4[%add3A_962, %dma_start3A_970] : memref<106496x128xf32, #tpu.memory_space<hbm>> -> memref<128x128xf32, #tpu.memory_space<hbm>>
    %dma_start3A_972 = arith.constant 0 : i32
    %dma_start3A_973 = arith.constant 0 : i32
    %dma_start3A_974 = tpu.memref_slice %arg6[%dma_start3A_963, %dma_start3A_972, %dma_start3A_973] : memref<7x128x128xf32, #tpu.memory_space<vmem>> -> memref<1x128x128xf32, #tpu.memory_space<vmem>>
    %dma_start3A_975 = tpu.memref_squeeze %dma_start3A_974 : memref<1x128x128xf32, #tpu.memory_space<vmem>> -> memref<128x128xf32, #tpu.memory_space<vmem>>
    tpu.enqueue_dma source(%dma_start3A_975 : memref<128x128xf32, #tpu.memory_space<vmem>>) target(%dma_start3A_971 : memref<128x128xf32, #tpu.memory_space<hbm>>) target_semaphore(%arg17 : memref<!tpu.dma_semaphore, #tpu.memory_space<semaphore_mem>>)
    %add3A_976 = arith.constant 1920 : i32
    %add3A_977 = arith.addi %mul3A_2, %add3A_976 : i32
    %dma_wait3A_978 = arith.constant 1 : i32
    %dma_wait3A_979 = arith.constant 0 : i32
    %dma_wait3A_980 = arith.constant 0 : i32
    %dma_wait3A_981 = tpu.memref_slice %arg6[%dma_wait3A_978, %dma_wait3A_979, %dma_wait3A_980] : memref<7x128x128xf32, #tpu.memory_space<vmem>> -> memref<1x128x128xf32, #tpu.memory_space<vmem>>
    %dma_wait3A_982 = tpu.memref_squeeze %dma_wait3A_981 : memref<1x128x128xf32, #tpu.memory_space<vmem>> -> memref<128x128xf32, #tpu.memory_space<vmem>>
    %dma_wait3A_983 = arith.constant 0 : i32
    %dma_wait3A_984 = tpu.memref_slice %arg4[%add3A_977, %dma_wait3A_983] : memref<106496x128xf32, #tpu.memory_space<hbm>> -> memref<128x128xf32, #tpu.memory_space<hbm>>
    %dma_wait3A_985 = arith.constant 0 : i32
    %dma_wait3A_986 = tpu.memref_slice %arg4[%add3A_977, %dma_wait3A_985] : memref<106496x128xf32, #tpu.memory_space<hbm>> -> memref<128x128xf32, #tpu.memory_space<hbm>>
    %dma_wait3A_987 = arith.constant 0 : i32
    %dma_wait3A_988 = arith.constant 0 : i32
    %dma_wait3A_989 = tpu.memref_slice %arg6[%dma_wait3A_978, %dma_wait3A_987, %dma_wait3A_988] : memref<7x128x128xf32, #tpu.memory_space<vmem>> -> memref<1x128x128xf32, #tpu.memory_space<vmem>>
    %dma_wait3A_990 = tpu.memref_squeeze %dma_wait3A_989 : memref<1x128x128xf32, #tpu.memory_space<vmem>> -> memref<128x128xf32, #tpu.memory_space<vmem>>
    tpu.wait_dma2 semaphore(%arg15 : memref<!tpu.dma_semaphore, #tpu.memory_space<semaphore_mem>>) src(%dma_wait3A_990 : memref<128x128xf32, #tpu.memory_space<vmem>>) dst(%dma_wait3A_986 : memref<128x128xf32, #tpu.memory_space<hbm>>)
    %dma_start3A_991 = arith.constant 22 : i32
    %dma_start3A_992 = arith.constant 1 : i32
    %dma_start3A_993 = arith.constant 0 : i32
    %dma_start3A_994 = arith.constant 0 : i32
    %dma_start3A_995 = tpu.memref_slice %arg6[%dma_start3A_992, %dma_start3A_993, %dma_start3A_994] : memref<7x128x128xf32, #tpu.memory_space<vmem>> -> memref<1x128x128xf32, #tpu.memory_space<vmem>>
    %dma_start3A_996 = tpu.memref_squeeze %dma_start3A_995 : memref<1x128x128xf32, #tpu.memory_space<vmem>> -> memref<128x128xf32, #tpu.memory_space<vmem>>
    %dma_start3A_997 = arith.constant 0 : i32
    %dma_start3A_998 = tpu.memref_slice %arg5[%dma_start3A_991, %dma_start3A_997] : memref<26x128xi32, #tpu.memory_space<vmem>> -> memref<1x128xi32, #tpu.memory_space<vmem>>
    %dma_start3A_999 = tpu.memref_squeeze %dma_start3A_998 : memref<1x128xi32, #tpu.memory_space<vmem>> -> memref<128xi32, #tpu.memory_space<vmem>>
    %dma_start3A_1000 = arith.constant 0 : i32
    %dma_start3A_1001 = arith.constant 0 : i32
    %dma_start3A_1002 = tpu.memref_slice %arg2[%dma_start3A_1000, %dma_start3A_1001] : memref<100000x128xf32, #tpu.memory_space<hbm>> -> memref<100000x128xf32, #tpu.memory_space<hbm>>
    tpu.enqueue_indirect_dma source(%dma_start3A_1002 : memref<100000x128xf32, #tpu.memory_space<hbm>>) target(%dma_start3A_996 : memref<128x128xf32, #tpu.memory_space<vmem>>) offsets(%dma_start3A_999 : memref<128xi32, #tpu.memory_space<vmem>>) semaphore(%arg8 : memref<!tpu.dma_semaphore, #tpu.memory_space<semaphore_mem>>)
    %dma_wait3A_1003 = arith.constant 18 : i32
    %dma_wait3A_1004 = arith.constant 4 : i32
    %dma_wait3A_1005 = arith.constant 0 : i32
    %dma_wait3A_1006 = arith.constant 0 : i32
    %dma_wait3A_1007 = tpu.memref_slice %arg6[%dma_wait3A_1004, %dma_wait3A_1005, %dma_wait3A_1006] : memref<7x128x128xf32, #tpu.memory_space<vmem>> -> memref<1x128x128xf32, #tpu.memory_space<vmem>>
    %dma_wait3A_1008 = tpu.memref_squeeze %dma_wait3A_1007 : memref<1x128x128xf32, #tpu.memory_space<vmem>> -> memref<128x128xf32, #tpu.memory_space<vmem>>
    %dma_wait3A_1009 = arith.constant 0 : i32
    %dma_wait3A_1010 = tpu.memref_slice %arg5[%dma_wait3A_1003, %dma_wait3A_1009] : memref<26x128xi32, #tpu.memory_space<vmem>> -> memref<1x128xi32, #tpu.memory_space<vmem>>
    %dma_wait3A_1011 = tpu.memref_squeeze %dma_wait3A_1010 : memref<1x128xi32, #tpu.memory_space<vmem>> -> memref<128xi32, #tpu.memory_space<vmem>>
    %dma_wait3A_1012 = arith.constant 0 : i32
    %dma_wait3A_1013 = arith.constant 0 : i32
    %dma_wait3A_1014 = tpu.memref_slice %arg2[%dma_wait3A_1012, %dma_wait3A_1013] : memref<100000x128xf32, #tpu.memory_space<hbm>> -> memref<100000x128xf32, #tpu.memory_space<hbm>>
    tpu.wait_indirect_dma semaphore(%arg11 : memref<!tpu.dma_semaphore, #tpu.memory_space<semaphore_mem>>) src(%dma_wait3A_1014 : memref<100000x128xf32, #tpu.memory_space<hbm>>) dst(%dma_wait3A_1008 : memref<128x128xf32, #tpu.memory_space<vmem>>)
    %add3A_1015 = arith.constant 2304 : i32
    %add3A_1016 = arith.addi %mul3A_2, %add3A_1015 : i32
    %dma_start3A_1017 = arith.constant 4 : i32
    %dma_start3A_1018 = arith.constant 0 : i32
    %dma_start3A_1019 = arith.constant 0 : i32
    %dma_start3A_1020 = tpu.memref_slice %arg6[%dma_start3A_1017, %dma_start3A_1018, %dma_start3A_1019] : memref<7x128x128xf32, #tpu.memory_space<vmem>> -> memref<1x128x128xf32, #tpu.memory_space<vmem>>
    %dma_start3A_1021 = tpu.memref_squeeze %dma_start3A_1020 : memref<1x128x128xf32, #tpu.memory_space<vmem>> -> memref<128x128xf32, #tpu.memory_space<vmem>>
    %dma_start3A_1022 = arith.constant 0 : i32
    %dma_start3A_1023 = tpu.memref_slice %arg4[%add3A_1016, %dma_start3A_1022] : memref<106496x128xf32, #tpu.memory_space<hbm>> -> memref<128x128xf32, #tpu.memory_space<hbm>>
    %dma_start3A_1024 = arith.constant 0 : i32
    %dma_start3A_1025 = tpu.memref_slice %arg4[%add3A_1016, %dma_start3A_1024] : memref<106496x128xf32, #tpu.memory_space<hbm>> -> memref<128x128xf32, #tpu.memory_space<hbm>>
    %dma_start3A_1026 = arith.constant 0 : i32
    %dma_start3A_1027 = arith.constant 0 : i32
    %dma_start3A_1028 = tpu.memref_slice %arg6[%dma_start3A_1017, %dma_start3A_1026, %dma_start3A_1027] : memref<7x128x128xf32, #tpu.memory_space<vmem>> -> memref<1x128x128xf32, #tpu.memory_space<vmem>>
    %dma_start3A_1029 = tpu.memref_squeeze %dma_start3A_1028 : memref<1x128x128xf32, #tpu.memory_space<vmem>> -> memref<128x128xf32, #tpu.memory_space<vmem>>
    tpu.enqueue_dma source(%dma_start3A_1029 : memref<128x128xf32, #tpu.memory_space<vmem>>) target(%dma_start3A_1025 : memref<128x128xf32, #tpu.memory_space<hbm>>) target_semaphore(%arg18 : memref<!tpu.dma_semaphore, #tpu.memory_space<semaphore_mem>>)
    %add3A_1030 = arith.constant 2048 : i32
    %add3A_1031 = arith.addi %mul3A_2, %add3A_1030 : i32
    %dma_wait3A_1032 = arith.constant 2 : i32
    %dma_wait3A_1033 = arith.constant 0 : i32
    %dma_wait3A_1034 = arith.constant 0 : i32
    %dma_wait3A_1035 = tpu.memref_slice %arg6[%dma_wait3A_1032, %dma_wait3A_1033, %dma_wait3A_1034] : memref<7x128x128xf32, #tpu.memory_space<vmem>> -> memref<1x128x128xf32, #tpu.memory_space<vmem>>
    %dma_wait3A_1036 = tpu.memref_squeeze %dma_wait3A_1035 : memref<1x128x128xf32, #tpu.memory_space<vmem>> -> memref<128x128xf32, #tpu.memory_space<vmem>>
    %dma_wait3A_1037 = arith.constant 0 : i32
    %dma_wait3A_1038 = tpu.memref_slice %arg4[%add3A_1031, %dma_wait3A_1037] : memref<106496x128xf32, #tpu.memory_space<hbm>> -> memref<128x128xf32, #tpu.memory_space<hbm>>
    %dma_wait3A_1039 = arith.constant 0 : i32
    %dma_wait3A_1040 = tpu.memref_slice %arg4[%add3A_1031, %dma_wait3A_1039] : memref<106496x128xf32, #tpu.memory_space<hbm>> -> memref<128x128xf32, #tpu.memory_space<hbm>>
    %dma_wait3A_1041 = arith.constant 0 : i32
    %dma_wait3A_1042 = arith.constant 0 : i32
    %dma_wait3A_1043 = tpu.memref_slice %arg6[%dma_wait3A_1032, %dma_wait3A_1041, %dma_wait3A_1042] : memref<7x128x128xf32, #tpu.memory_space<vmem>> -> memref<1x128x128xf32, #tpu.memory_space<vmem>>
    %dma_wait3A_1044 = tpu.memref_squeeze %dma_wait3A_1043 : memref<1x128x128xf32, #tpu.memory_space<vmem>> -> memref<128x128xf32, #tpu.memory_space<vmem>>
    tpu.wait_dma2 semaphore(%arg16 : memref<!tpu.dma_semaphore, #tpu.memory_space<semaphore_mem>>) src(%dma_wait3A_1044 : memref<128x128xf32, #tpu.memory_space<vmem>>) dst(%dma_wait3A_1040 : memref<128x128xf32, #tpu.memory_space<hbm>>)
    %dma_start3A_1045 = arith.constant 23 : i32
    %dma_start3A_1046 = arith.constant 2 : i32
    %dma_start3A_1047 = arith.constant 0 : i32
    %dma_start3A_1048 = arith.constant 0 : i32
    %dma_start3A_1049 = tpu.memref_slice %arg6[%dma_start3A_1046, %dma_start3A_1047, %dma_start3A_1048] : memref<7x128x128xf32, #tpu.memory_space<vmem>> -> memref<1x128x128xf32, #tpu.memory_space<vmem>>
    %dma_start3A_1050 = tpu.memref_squeeze %dma_start3A_1049 : memref<1x128x128xf32, #tpu.memory_space<vmem>> -> memref<128x128xf32, #tpu.memory_space<vmem>>
    %dma_start3A_1051 = arith.constant 0 : i32
    %dma_start3A_1052 = tpu.memref_slice %arg5[%dma_start3A_1045, %dma_start3A_1051] : memref<26x128xi32, #tpu.memory_space<vmem>> -> memref<1x128xi32, #tpu.memory_space<vmem>>
    %dma_start3A_1053 = tpu.memref_squeeze %dma_start3A_1052 : memref<1x128xi32, #tpu.memory_space<vmem>> -> memref<128xi32, #tpu.memory_space<vmem>>
    %dma_start3A_1054 = arith.constant 0 : i32
    %dma_start3A_1055 = arith.constant 0 : i32
    %dma_start3A_1056 = tpu.memref_slice %arg2[%dma_start3A_1054, %dma_start3A_1055] : memref<100000x128xf32, #tpu.memory_space<hbm>> -> memref<100000x128xf32, #tpu.memory_space<hbm>>
    tpu.enqueue_indirect_dma source(%dma_start3A_1056 : memref<100000x128xf32, #tpu.memory_space<hbm>>) target(%dma_start3A_1050 : memref<128x128xf32, #tpu.memory_space<vmem>>) offsets(%dma_start3A_1053 : memref<128xi32, #tpu.memory_space<vmem>>) semaphore(%arg9 : memref<!tpu.dma_semaphore, #tpu.memory_space<semaphore_mem>>)
    %dma_wait3A_1057 = arith.constant 19 : i32
    %dma_wait3A_1058 = arith.constant 5 : i32
    %dma_wait3A_1059 = arith.constant 0 : i32
    %dma_wait3A_1060 = arith.constant 0 : i32
    %dma_wait3A_1061 = tpu.memref_slice %arg6[%dma_wait3A_1058, %dma_wait3A_1059, %dma_wait3A_1060] : memref<7x128x128xf32, #tpu.memory_space<vmem>> -> memref<1x128x128xf32, #tpu.memory_space<vmem>>
    %dma_wait3A_1062 = tpu.memref_squeeze %dma_wait3A_1061 : memref<1x128x128xf32, #tpu.memory_space<vmem>> -> memref<128x128xf32, #tpu.memory_space<vmem>>
    %dma_wait3A_1063 = arith.constant 0 : i32
    %dma_wait3A_1064 = tpu.memref_slice %arg5[%dma_wait3A_1057, %dma_wait3A_1063] : memref<26x128xi32, #tpu.memory_space<vmem>> -> memref<1x128xi32, #tpu.memory_space<vmem>>
    %dma_wait3A_1065 = tpu.memref_squeeze %dma_wait3A_1064 : memref<1x128xi32, #tpu.memory_space<vmem>> -> memref<128xi32, #tpu.memory_space<vmem>>
    %dma_wait3A_1066 = arith.constant 0 : i32
    %dma_wait3A_1067 = arith.constant 0 : i32
    %dma_wait3A_1068 = tpu.memref_slice %arg2[%dma_wait3A_1066, %dma_wait3A_1067] : memref<100000x128xf32, #tpu.memory_space<hbm>> -> memref<100000x128xf32, #tpu.memory_space<hbm>>
    tpu.wait_indirect_dma semaphore(%arg12 : memref<!tpu.dma_semaphore, #tpu.memory_space<semaphore_mem>>) src(%dma_wait3A_1068 : memref<100000x128xf32, #tpu.memory_space<hbm>>) dst(%dma_wait3A_1062 : memref<128x128xf32, #tpu.memory_space<vmem>>)
    %add3A_1069 = arith.constant 2432 : i32
    %add3A_1070 = arith.addi %mul3A_2, %add3A_1069 : i32
    %dma_start3A_1071 = arith.constant 5 : i32
    %dma_start3A_1072 = arith.constant 0 : i32
    %dma_start3A_1073 = arith.constant 0 : i32
    %dma_start3A_1074 = tpu.memref_slice %arg6[%dma_start3A_1071, %dma_start3A_1072, %dma_start3A_1073] : memref<7x128x128xf32, #tpu.memory_space<vmem>> -> memref<1x128x128xf32, #tpu.memory_space<vmem>>
    %dma_start3A_1075 = tpu.memref_squeeze %dma_start3A_1074 : memref<1x128x128xf32, #tpu.memory_space<vmem>> -> memref<128x128xf32, #tpu.memory_space<vmem>>
    %dma_start3A_1076 = arith.constant 0 : i32
    %dma_start3A_1077 = tpu.memref_slice %arg4[%add3A_1070, %dma_start3A_1076] : memref<106496x128xf32, #tpu.memory_space<hbm>> -> memref<128x128xf32, #tpu.memory_space<hbm>>
    %dma_start3A_1078 = arith.constant 0 : i32
    %dma_start3A_1079 = tpu.memref_slice %arg4[%add3A_1070, %dma_start3A_1078] : memref<106496x128xf32, #tpu.memory_space<hbm>> -> memref<128x128xf32, #tpu.memory_space<hbm>>
    %dma_start3A_1080 = arith.constant 0 : i32
    %dma_start3A_1081 = arith.constant 0 : i32
    %dma_start3A_1082 = tpu.memref_slice %arg6[%dma_start3A_1071, %dma_start3A_1080, %dma_start3A_1081] : memref<7x128x128xf32, #tpu.memory_space<vmem>> -> memref<1x128x128xf32, #tpu.memory_space<vmem>>
    %dma_start3A_1083 = tpu.memref_squeeze %dma_start3A_1082 : memref<1x128x128xf32, #tpu.memory_space<vmem>> -> memref<128x128xf32, #tpu.memory_space<vmem>>
    tpu.enqueue_dma source(%dma_start3A_1083 : memref<128x128xf32, #tpu.memory_space<vmem>>) target(%dma_start3A_1079 : memref<128x128xf32, #tpu.memory_space<hbm>>) target_semaphore(%arg19 : memref<!tpu.dma_semaphore, #tpu.memory_space<semaphore_mem>>)
    %add3A_1084 = arith.constant 2176 : i32
    %add3A_1085 = arith.addi %mul3A_2, %add3A_1084 : i32
    %dma_wait3A_1086 = arith.constant 3 : i32
    %dma_wait3A_1087 = arith.constant 0 : i32
    %dma_wait3A_1088 = arith.constant 0 : i32
    %dma_wait3A_1089 = tpu.memref_slice %arg6[%dma_wait3A_1086, %dma_wait3A_1087, %dma_wait3A_1088] : memref<7x128x128xf32, #tpu.memory_space<vmem>> -> memref<1x128x128xf32, #tpu.memory_space<vmem>>
    %dma_wait3A_1090 = tpu.memref_squeeze %dma_wait3A_1089 : memref<1x128x128xf32, #tpu.memory_space<vmem>> -> memref<128x128xf32, #tpu.memory_space<vmem>>
    %dma_wait3A_1091 = arith.constant 0 : i32
    %dma_wait3A_1092 = tpu.memref_slice %arg4[%add3A_1085, %dma_wait3A_1091] : memref<106496x128xf32, #tpu.memory_space<hbm>> -> memref<128x128xf32, #tpu.memory_space<hbm>>
    %dma_wait3A_1093 = arith.constant 0 : i32
    %dma_wait3A_1094 = tpu.memref_slice %arg4[%add3A_1085, %dma_wait3A_1093] : memref<106496x128xf32, #tpu.memory_space<hbm>> -> memref<128x128xf32, #tpu.memory_space<hbm>>
    %dma_wait3A_1095 = arith.constant 0 : i32
    %dma_wait3A_1096 = arith.constant 0 : i32
    %dma_wait3A_1097 = tpu.memref_slice %arg6[%dma_wait3A_1086, %dma_wait3A_1095, %dma_wait3A_1096] : memref<7x128x128xf32, #tpu.memory_space<vmem>> -> memref<1x128x128xf32, #tpu.memory_space<vmem>>
    %dma_wait3A_1098 = tpu.memref_squeeze %dma_wait3A_1097 : memref<1x128x128xf32, #tpu.memory_space<vmem>> -> memref<128x128xf32, #tpu.memory_space<vmem>>
    tpu.wait_dma2 semaphore(%arg17 : memref<!tpu.dma_semaphore, #tpu.memory_space<semaphore_mem>>) src(%dma_wait3A_1098 : memref<128x128xf32, #tpu.memory_space<vmem>>) dst(%dma_wait3A_1094 : memref<128x128xf32, #tpu.memory_space<hbm>>)
    %dma_start3A_1099 = arith.constant 24 : i32
    %dma_start3A_1100 = arith.constant 3 : i32
    %dma_start3A_1101 = arith.constant 0 : i32
    %dma_start3A_1102 = arith.constant 0 : i32
    %dma_start3A_1103 = tpu.memref_slice %arg6[%dma_start3A_1100, %dma_start3A_1101, %dma_start3A_1102] : memref<7x128x128xf32, #tpu.memory_space<vmem>> -> memref<1x128x128xf32, #tpu.memory_space<vmem>>
    %dma_start3A_1104 = tpu.memref_squeeze %dma_start3A_1103 : memref<1x128x128xf32, #tpu.memory_space<vmem>> -> memref<128x128xf32, #tpu.memory_space<vmem>>
    %dma_start3A_1105 = arith.constant 0 : i32
    %dma_start3A_1106 = tpu.memref_slice %arg5[%dma_start3A_1099, %dma_start3A_1105] : memref<26x128xi32, #tpu.memory_space<vmem>> -> memref<1x128xi32, #tpu.memory_space<vmem>>
    %dma_start3A_1107 = tpu.memref_squeeze %dma_start3A_1106 : memref<1x128xi32, #tpu.memory_space<vmem>> -> memref<128xi32, #tpu.memory_space<vmem>>
    %dma_start3A_1108 = arith.constant 0 : i32
    %dma_start3A_1109 = arith.constant 0 : i32
    %dma_start3A_1110 = tpu.memref_slice %arg2[%dma_start3A_1108, %dma_start3A_1109] : memref<100000x128xf32, #tpu.memory_space<hbm>> -> memref<100000x128xf32, #tpu.memory_space<hbm>>
    tpu.enqueue_indirect_dma source(%dma_start3A_1110 : memref<100000x128xf32, #tpu.memory_space<hbm>>) target(%dma_start3A_1104 : memref<128x128xf32, #tpu.memory_space<vmem>>) offsets(%dma_start3A_1107 : memref<128xi32, #tpu.memory_space<vmem>>) semaphore(%arg10 : memref<!tpu.dma_semaphore, #tpu.memory_space<semaphore_mem>>)
    %dma_wait3A_1111 = arith.constant 20 : i32
    %dma_wait3A_1112 = arith.constant 6 : i32
    %dma_wait3A_1113 = arith.constant 0 : i32
    %dma_wait3A_1114 = arith.constant 0 : i32
    %dma_wait3A_1115 = tpu.memref_slice %arg6[%dma_wait3A_1112, %dma_wait3A_1113, %dma_wait3A_1114] : memref<7x128x128xf32, #tpu.memory_space<vmem>> -> memref<1x128x128xf32, #tpu.memory_space<vmem>>
    %dma_wait3A_1116 = tpu.memref_squeeze %dma_wait3A_1115 : memref<1x128x128xf32, #tpu.memory_space<vmem>> -> memref<128x128xf32, #tpu.memory_space<vmem>>
    %dma_wait3A_1117 = arith.constant 0 : i32
    %dma_wait3A_1118 = tpu.memref_slice %arg5[%dma_wait3A_1111, %dma_wait3A_1117] : memref<26x128xi32, #tpu.memory_space<vmem>> -> memref<1x128xi32, #tpu.memory_space<vmem>>
    %dma_wait3A_1119 = tpu.memref_squeeze %dma_wait3A_1118 : memref<1x128xi32, #tpu.memory_space<vmem>> -> memref<128xi32, #tpu.memory_space<vmem>>
    %dma_wait3A_1120 = arith.constant 0 : i32
    %dma_wait3A_1121 = arith.constant 0 : i32
    %dma_wait3A_1122 = tpu.memref_slice %arg2[%dma_wait3A_1120, %dma_wait3A_1121] : memref<100000x128xf32, #tpu.memory_space<hbm>> -> memref<100000x128xf32, #tpu.memory_space<hbm>>
    tpu.wait_indirect_dma semaphore(%arg13 : memref<!tpu.dma_semaphore, #tpu.memory_space<semaphore_mem>>) src(%dma_wait3A_1122 : memref<100000x128xf32, #tpu.memory_space<hbm>>) dst(%dma_wait3A_1116 : memref<128x128xf32, #tpu.memory_space<vmem>>)
    %add3A_1123 = arith.constant 2560 : i32
    %add3A_1124 = arith.addi %mul3A_2, %add3A_1123 : i32
    %dma_start3A_1125 = arith.constant 6 : i32
    %dma_start3A_1126 = arith.constant 0 : i32
    %dma_start3A_1127 = arith.constant 0 : i32
    %dma_start3A_1128 = tpu.memref_slice %arg6[%dma_start3A_1125, %dma_start3A_1126, %dma_start3A_1127] : memref<7x128x128xf32, #tpu.memory_space<vmem>> -> memref<1x128x128xf32, #tpu.memory_space<vmem>>
    %dma_start3A_1129 = tpu.memref_squeeze %dma_start3A_1128 : memref<1x128x128xf32, #tpu.memory_space<vmem>> -> memref<128x128xf32, #tpu.memory_space<vmem>>
    %dma_start3A_1130 = arith.constant 0 : i32
    %dma_start3A_1131 = tpu.memref_slice %arg4[%add3A_1124, %dma_start3A_1130] : memref<106496x128xf32, #tpu.memory_space<hbm>> -> memref<128x128xf32, #tpu.memory_space<hbm>>
    %dma_start3A_1132 = arith.constant 0 : i32
    %dma_start3A_1133 = tpu.memref_slice %arg4[%add3A_1124, %dma_start3A_1132] : memref<106496x128xf32, #tpu.memory_space<hbm>> -> memref<128x128xf32, #tpu.memory_space<hbm>>
    %dma_start3A_1134 = arith.constant 0 : i32
    %dma_start3A_1135 = arith.constant 0 : i32
    %dma_start3A_1136 = tpu.memref_slice %arg6[%dma_start3A_1125, %dma_start3A_1134, %dma_start3A_1135] : memref<7x128x128xf32, #tpu.memory_space<vmem>> -> memref<1x128x128xf32, #tpu.memory_space<vmem>>
    %dma_start3A_1137 = tpu.memref_squeeze %dma_start3A_1136 : memref<1x128x128xf32, #tpu.memory_space<vmem>> -> memref<128x128xf32, #tpu.memory_space<vmem>>
    tpu.enqueue_dma source(%dma_start3A_1137 : memref<128x128xf32, #tpu.memory_space<vmem>>) target(%dma_start3A_1133 : memref<128x128xf32, #tpu.memory_space<hbm>>) target_semaphore(%arg20 : memref<!tpu.dma_semaphore, #tpu.memory_space<semaphore_mem>>)
    %add3A_1138 = arith.constant 2304 : i32
    %add3A_1139 = arith.addi %mul3A_2, %add3A_1138 : i32
    %dma_wait3A_1140 = arith.constant 4 : i32
    %dma_wait3A_1141 = arith.constant 0 : i32
    %dma_wait3A_1142 = arith.constant 0 : i32
    %dma_wait3A_1143 = tpu.memref_slice %arg6[%dma_wait3A_1140, %dma_wait3A_1141, %dma_wait3A_1142] : memref<7x128x128xf32, #tpu.memory_space<vmem>> -> memref<1x128x128xf32, #tpu.memory_space<vmem>>
    %dma_wait3A_1144 = tpu.memref_squeeze %dma_wait3A_1143 : memref<1x128x128xf32, #tpu.memory_space<vmem>> -> memref<128x128xf32, #tpu.memory_space<vmem>>
    %dma_wait3A_1145 = arith.constant 0 : i32
    %dma_wait3A_1146 = tpu.memref_slice %arg4[%add3A_1139, %dma_wait3A_1145] : memref<106496x128xf32, #tpu.memory_space<hbm>> -> memref<128x128xf32, #tpu.memory_space<hbm>>
    %dma_wait3A_1147 = arith.constant 0 : i32
    %dma_wait3A_1148 = tpu.memref_slice %arg4[%add3A_1139, %dma_wait3A_1147] : memref<106496x128xf32, #tpu.memory_space<hbm>> -> memref<128x128xf32, #tpu.memory_space<hbm>>
    %dma_wait3A_1149 = arith.constant 0 : i32
    %dma_wait3A_1150 = arith.constant 0 : i32
    %dma_wait3A_1151 = tpu.memref_slice %arg6[%dma_wait3A_1140, %dma_wait3A_1149, %dma_wait3A_1150] : memref<7x128x128xf32, #tpu.memory_space<vmem>> -> memref<1x128x128xf32, #tpu.memory_space<vmem>>
    %dma_wait3A_1152 = tpu.memref_squeeze %dma_wait3A_1151 : memref<1x128x128xf32, #tpu.memory_space<vmem>> -> memref<128x128xf32, #tpu.memory_space<vmem>>
    tpu.wait_dma2 semaphore(%arg18 : memref<!tpu.dma_semaphore, #tpu.memory_space<semaphore_mem>>) src(%dma_wait3A_1152 : memref<128x128xf32, #tpu.memory_space<vmem>>) dst(%dma_wait3A_1148 : memref<128x128xf32, #tpu.memory_space<hbm>>)
    %dma_start3A_1153 = arith.constant 25 : i32
    %dma_start3A_1154 = arith.constant 4 : i32
    %dma_start3A_1155 = arith.constant 0 : i32
    %dma_start3A_1156 = arith.constant 0 : i32
    %dma_start3A_1157 = tpu.memref_slice %arg6[%dma_start3A_1154, %dma_start3A_1155, %dma_start3A_1156] : memref<7x128x128xf32, #tpu.memory_space<vmem>> -> memref<1x128x128xf32, #tpu.memory_space<vmem>>
    %dma_start3A_1158 = tpu.memref_squeeze %dma_start3A_1157 : memref<1x128x128xf32, #tpu.memory_space<vmem>> -> memref<128x128xf32, #tpu.memory_space<vmem>>
    %dma_start3A_1159 = arith.constant 0 : i32
    %dma_start3A_1160 = tpu.memref_slice %arg5[%dma_start3A_1153, %dma_start3A_1159] : memref<26x128xi32, #tpu.memory_space<vmem>> -> memref<1x128xi32, #tpu.memory_space<vmem>>
    %dma_start3A_1161 = tpu.memref_squeeze %dma_start3A_1160 : memref<1x128xi32, #tpu.memory_space<vmem>> -> memref<128xi32, #tpu.memory_space<vmem>>
    %dma_start3A_1162 = arith.constant 0 : i32
    %dma_start3A_1163 = arith.constant 0 : i32
    %dma_start3A_1164 = tpu.memref_slice %arg2[%dma_start3A_1162, %dma_start3A_1163] : memref<100000x128xf32, #tpu.memory_space<hbm>> -> memref<100000x128xf32, #tpu.memory_space<hbm>>
    tpu.enqueue_indirect_dma source(%dma_start3A_1164 : memref<100000x128xf32, #tpu.memory_space<hbm>>) target(%dma_start3A_1158 : memref<128x128xf32, #tpu.memory_space<vmem>>) offsets(%dma_start3A_1161 : memref<128xi32, #tpu.memory_space<vmem>>) semaphore(%arg11 : memref<!tpu.dma_semaphore, #tpu.memory_space<semaphore_mem>>)
    %dma_wait3A_1165 = arith.constant 21 : i32
    %dma_wait3A_1166 = arith.constant 0 : i32
    %dma_wait3A_1167 = arith.constant 0 : i32
    %dma_wait3A_1168 = arith.constant 0 : i32
    %dma_wait3A_1169 = tpu.memref_slice %arg6[%dma_wait3A_1166, %dma_wait3A_1167, %dma_wait3A_1168] : memref<7x128x128xf32, #tpu.memory_space<vmem>> -> memref<1x128x128xf32, #tpu.memory_space<vmem>>
    %dma_wait3A_1170 = tpu.memref_squeeze %dma_wait3A_1169 : memref<1x128x128xf32, #tpu.memory_space<vmem>> -> memref<128x128xf32, #tpu.memory_space<vmem>>
    %dma_wait3A_1171 = arith.constant 0 : i32
    %dma_wait3A_1172 = tpu.memref_slice %arg5[%dma_wait3A_1165, %dma_wait3A_1171] : memref<26x128xi32, #tpu.memory_space<vmem>> -> memref<1x128xi32, #tpu.memory_space<vmem>>
    %dma_wait3A_1173 = tpu.memref_squeeze %dma_wait3A_1172 : memref<1x128xi32, #tpu.memory_space<vmem>> -> memref<128xi32, #tpu.memory_space<vmem>>
    %dma_wait3A_1174 = arith.constant 0 : i32
    %dma_wait3A_1175 = arith.constant 0 : i32
    %dma_wait3A_1176 = tpu.memref_slice %arg2[%dma_wait3A_1174, %dma_wait3A_1175] : memref<100000x128xf32, #tpu.memory_space<hbm>> -> memref<100000x128xf32, #tpu.memory_space<hbm>>
    tpu.wait_indirect_dma semaphore(%arg7 : memref<!tpu.dma_semaphore, #tpu.memory_space<semaphore_mem>>) src(%dma_wait3A_1176 : memref<100000x128xf32, #tpu.memory_space<hbm>>) dst(%dma_wait3A_1170 : memref<128x128xf32, #tpu.memory_space<vmem>>)
    %add3A_1177 = arith.constant 2688 : i32
    %add3A_1178 = arith.addi %mul3A_2, %add3A_1177 : i32
    %dma_start3A_1179 = arith.constant 0 : i32
    %dma_start3A_1180 = arith.constant 0 : i32
    %dma_start3A_1181 = arith.constant 0 : i32
    %dma_start3A_1182 = tpu.memref_slice %arg6[%dma_start3A_1179, %dma_start3A_1180, %dma_start3A_1181] : memref<7x128x128xf32, #tpu.memory_space<vmem>> -> memref<1x128x128xf32, #tpu.memory_space<vmem>>
    %dma_start3A_1183 = tpu.memref_squeeze %dma_start3A_1182 : memref<1x128x128xf32, #tpu.memory_space<vmem>> -> memref<128x128xf32, #tpu.memory_space<vmem>>
    %dma_start3A_1184 = arith.constant 0 : i32
    %dma_start3A_1185 = tpu.memref_slice %arg4[%add3A_1178, %dma_start3A_1184] : memref<106496x128xf32, #tpu.memory_space<hbm>> -> memref<128x128xf32, #tpu.memory_space<hbm>>
    %dma_start3A_1186 = arith.constant 0 : i32
    %dma_start3A_1187 = tpu.memref_slice %arg4[%add3A_1178, %dma_start3A_1186] : memref<106496x128xf32, #tpu.memory_space<hbm>> -> memref<128x128xf32, #tpu.memory_space<hbm>>
    %dma_start3A_1188 = arith.constant 0 : i32
    %dma_start3A_1189 = arith.constant 0 : i32
    %dma_start3A_1190 = tpu.memref_slice %arg6[%dma_start3A_1179, %dma_start3A_1188, %dma_start3A_1189] : memref<7x128x128xf32, #tpu.memory_space<vmem>> -> memref<1x128x128xf32, #tpu.memory_space<vmem>>
    %dma_start3A_1191 = tpu.memref_squeeze %dma_start3A_1190 : memref<1x128x128xf32, #tpu.memory_space<vmem>> -> memref<128x128xf32, #tpu.memory_space<vmem>>
    tpu.enqueue_dma source(%dma_start3A_1191 : memref<128x128xf32, #tpu.memory_space<vmem>>) target(%dma_start3A_1187 : memref<128x128xf32, #tpu.memory_space<hbm>>) target_semaphore(%arg14 : memref<!tpu.dma_semaphore, #tpu.memory_space<semaphore_mem>>)
    %dma_wait3A_1192 = arith.constant 22 : i32
    %dma_wait3A_1193 = arith.constant 1 : i32
    %dma_wait3A_1194 = arith.constant 0 : i32
    %dma_wait3A_1195 = arith.constant 0 : i32
    %dma_wait3A_1196 = tpu.memref_slice %arg6[%dma_wait3A_1193, %dma_wait3A_1194, %dma_wait3A_1195] : memref<7x128x128xf32, #tpu.memory_space<vmem>> -> memref<1x128x128xf32, #tpu.memory_space<vmem>>
    %dma_wait3A_1197 = tpu.memref_squeeze %dma_wait3A_1196 : memref<1x128x128xf32, #tpu.memory_space<vmem>> -> memref<128x128xf32, #tpu.memory_space<vmem>>
    %dma_wait3A_1198 = arith.constant 0 : i32
    %dma_wait3A_1199 = tpu.memref_slice %arg5[%dma_wait3A_1192, %dma_wait3A_1198] : memref<26x128xi32, #tpu.memory_space<vmem>> -> memref<1x128xi32, #tpu.memory_space<vmem>>
    %dma_wait3A_1200 = tpu.memref_squeeze %dma_wait3A_1199 : memref<1x128xi32, #tpu.memory_space<vmem>> -> memref<128xi32, #tpu.memory_space<vmem>>
    %dma_wait3A_1201 = arith.constant 0 : i32
    %dma_wait3A_1202 = arith.constant 0 : i32
    %dma_wait3A_1203 = tpu.memref_slice %arg2[%dma_wait3A_1201, %dma_wait3A_1202] : memref<100000x128xf32, #tpu.memory_space<hbm>> -> memref<100000x128xf32, #tpu.memory_space<hbm>>
    tpu.wait_indirect_dma semaphore(%arg8 : memref<!tpu.dma_semaphore, #tpu.memory_space<semaphore_mem>>) src(%dma_wait3A_1203 : memref<100000x128xf32, #tpu.memory_space<hbm>>) dst(%dma_wait3A_1197 : memref<128x128xf32, #tpu.memory_space<vmem>>)
    %add3A_1204 = arith.constant 2816 : i32
    %add3A_1205 = arith.addi %mul3A_2, %add3A_1204 : i32
    %dma_start3A_1206 = arith.constant 1 : i32
    %dma_start3A_1207 = arith.constant 0 : i32
    %dma_start3A_1208 = arith.constant 0 : i32
    %dma_start3A_1209 = tpu.memref_slice %arg6[%dma_start3A_1206, %dma_start3A_1207, %dma_start3A_1208] : memref<7x128x128xf32, #tpu.memory_space<vmem>> -> memref<1x128x128xf32, #tpu.memory_space<vmem>>
    %dma_start3A_1210 = tpu.memref_squeeze %dma_start3A_1209 : memref<1x128x128xf32, #tpu.memory_space<vmem>> -> memref<128x128xf32, #tpu.memory_space<vmem>>
    %dma_start3A_1211 = arith.constant 0 : i32
    %dma_start3A_1212 = tpu.memref_slice %arg4[%add3A_1205, %dma_start3A_1211] : memref<106496x128xf32, #tpu.memory_space<hbm>> -> memref<128x128xf32, #tpu.memory_space<hbm>>
    %dma_start3A_1213 = arith.constant 0 : i32
    %dma_start3A_1214 = tpu.memref_slice %arg4[%add3A_1205, %dma_start3A_1213] : memref<106496x128xf32, #tpu.memory_space<hbm>> -> memref<128x128xf32, #tpu.memory_space<hbm>>
    %dma_start3A_1215 = arith.constant 0 : i32
    %dma_start3A_1216 = arith.constant 0 : i32
    %dma_start3A_1217 = tpu.memref_slice %arg6[%dma_start3A_1206, %dma_start3A_1215, %dma_start3A_1216] : memref<7x128x128xf32, #tpu.memory_space<vmem>> -> memref<1x128x128xf32, #tpu.memory_space<vmem>>
    %dma_start3A_1218 = tpu.memref_squeeze %dma_start3A_1217 : memref<1x128x128xf32, #tpu.memory_space<vmem>> -> memref<128x128xf32, #tpu.memory_space<vmem>>
    tpu.enqueue_dma source(%dma_start3A_1218 : memref<128x128xf32, #tpu.memory_space<vmem>>) target(%dma_start3A_1214 : memref<128x128xf32, #tpu.memory_space<hbm>>) target_semaphore(%arg15 : memref<!tpu.dma_semaphore, #tpu.memory_space<semaphore_mem>>)
    %dma_wait3A_1219 = arith.constant 23 : i32
    %dma_wait3A_1220 = arith.constant 2 : i32
    %dma_wait3A_1221 = arith.constant 0 : i32
    %dma_wait3A_1222 = arith.constant 0 : i32
    %dma_wait3A_1223 = tpu.memref_slice %arg6[%dma_wait3A_1220, %dma_wait3A_1221, %dma_wait3A_1222] : memref<7x128x128xf32, #tpu.memory_space<vmem>> -> memref<1x128x128xf32, #tpu.memory_space<vmem>>
    %dma_wait3A_1224 = tpu.memref_squeeze %dma_wait3A_1223 : memref<1x128x128xf32, #tpu.memory_space<vmem>> -> memref<128x128xf32, #tpu.memory_space<vmem>>
    %dma_wait3A_1225 = arith.constant 0 : i32
    %dma_wait3A_1226 = tpu.memref_slice %arg5[%dma_wait3A_1219, %dma_wait3A_1225] : memref<26x128xi32, #tpu.memory_space<vmem>> -> memref<1x128xi32, #tpu.memory_space<vmem>>
    %dma_wait3A_1227 = tpu.memref_squeeze %dma_wait3A_1226 : memref<1x128xi32, #tpu.memory_space<vmem>> -> memref<128xi32, #tpu.memory_space<vmem>>
    %dma_wait3A_1228 = arith.constant 0 : i32
    %dma_wait3A_1229 = arith.constant 0 : i32
    %dma_wait3A_1230 = tpu.memref_slice %arg2[%dma_wait3A_1228, %dma_wait3A_1229] : memref<100000x128xf32, #tpu.memory_space<hbm>> -> memref<100000x128xf32, #tpu.memory_space<hbm>>
    tpu.wait_indirect_dma semaphore(%arg9 : memref<!tpu.dma_semaphore, #tpu.memory_space<semaphore_mem>>) src(%dma_wait3A_1230 : memref<100000x128xf32, #tpu.memory_space<hbm>>) dst(%dma_wait3A_1224 : memref<128x128xf32, #tpu.memory_space<vmem>>)
    %add3A_1231 = arith.constant 2944 : i32
    %add3A_1232 = arith.addi %mul3A_2, %add3A_1231 : i32
    %dma_start3A_1233 = arith.constant 2 : i32
    %dma_start3A_1234 = arith.constant 0 : i32
    %dma_start3A_1235 = arith.constant 0 : i32
    %dma_start3A_1236 = tpu.memref_slice %arg6[%dma_start3A_1233, %dma_start3A_1234, %dma_start3A_1235] : memref<7x128x128xf32, #tpu.memory_space<vmem>> -> memref<1x128x128xf32, #tpu.memory_space<vmem>>
    %dma_start3A_1237 = tpu.memref_squeeze %dma_start3A_1236 : memref<1x128x128xf32, #tpu.memory_space<vmem>> -> memref<128x128xf32, #tpu.memory_space<vmem>>
    %dma_start3A_1238 = arith.constant 0 : i32
    %dma_start3A_1239 = tpu.memref_slice %arg4[%add3A_1232, %dma_start3A_1238] : memref<106496x128xf32, #tpu.memory_space<hbm>> -> memref<128x128xf32, #tpu.memory_space<hbm>>
    %dma_start3A_1240 = arith.constant 0 : i32
    %dma_start3A_1241 = tpu.memref_slice %arg4[%add3A_1232, %dma_start3A_1240] : memref<106496x128xf32, #tpu.memory_space<hbm>> -> memref<128x128xf32, #tpu.memory_space<hbm>>
    %dma_start3A_1242 = arith.constant 0 : i32
    %dma_start3A_1243 = arith.constant 0 : i32
    %dma_start3A_1244 = tpu.memref_slice %arg6[%dma_start3A_1233, %dma_start3A_1242, %dma_start3A_1243] : memref<7x128x128xf32, #tpu.memory_space<vmem>> -> memref<1x128x128xf32, #tpu.memory_space<vmem>>
    %dma_start3A_1245 = tpu.memref_squeeze %dma_start3A_1244 : memref<1x128x128xf32, #tpu.memory_space<vmem>> -> memref<128x128xf32, #tpu.memory_space<vmem>>
    tpu.enqueue_dma source(%dma_start3A_1245 : memref<128x128xf32, #tpu.memory_space<vmem>>) target(%dma_start3A_1241 : memref<128x128xf32, #tpu.memory_space<hbm>>) target_semaphore(%arg16 : memref<!tpu.dma_semaphore, #tpu.memory_space<semaphore_mem>>)
    %dma_wait3A_1246 = arith.constant 24 : i32
    %dma_wait3A_1247 = arith.constant 3 : i32
    %dma_wait3A_1248 = arith.constant 0 : i32
    %dma_wait3A_1249 = arith.constant 0 : i32
    %dma_wait3A_1250 = tpu.memref_slice %arg6[%dma_wait3A_1247, %dma_wait3A_1248, %dma_wait3A_1249] : memref<7x128x128xf32, #tpu.memory_space<vmem>> -> memref<1x128x128xf32, #tpu.memory_space<vmem>>
    %dma_wait3A_1251 = tpu.memref_squeeze %dma_wait3A_1250 : memref<1x128x128xf32, #tpu.memory_space<vmem>> -> memref<128x128xf32, #tpu.memory_space<vmem>>
    %dma_wait3A_1252 = arith.constant 0 : i32
    %dma_wait3A_1253 = tpu.memref_slice %arg5[%dma_wait3A_1246, %dma_wait3A_1252] : memref<26x128xi32, #tpu.memory_space<vmem>> -> memref<1x128xi32, #tpu.memory_space<vmem>>
    %dma_wait3A_1254 = tpu.memref_squeeze %dma_wait3A_1253 : memref<1x128xi32, #tpu.memory_space<vmem>> -> memref<128xi32, #tpu.memory_space<vmem>>
    %dma_wait3A_1255 = arith.constant 0 : i32
    %dma_wait3A_1256 = arith.constant 0 : i32
    %dma_wait3A_1257 = tpu.memref_slice %arg2[%dma_wait3A_1255, %dma_wait3A_1256] : memref<100000x128xf32, #tpu.memory_space<hbm>> -> memref<100000x128xf32, #tpu.memory_space<hbm>>
    tpu.wait_indirect_dma semaphore(%arg10 : memref<!tpu.dma_semaphore, #tpu.memory_space<semaphore_mem>>) src(%dma_wait3A_1257 : memref<100000x128xf32, #tpu.memory_space<hbm>>) dst(%dma_wait3A_1251 : memref<128x128xf32, #tpu.memory_space<vmem>>)
    %add3A_1258 = arith.constant 3072 : i32
    %add3A_1259 = arith.addi %mul3A_2, %add3A_1258 : i32
    %dma_start3A_1260 = arith.constant 3 : i32
    %dma_start3A_1261 = arith.constant 0 : i32
    %dma_start3A_1262 = arith.constant 0 : i32
    %dma_start3A_1263 = tpu.memref_slice %arg6[%dma_start3A_1260, %dma_start3A_1261, %dma_start3A_1262] : memref<7x128x128xf32, #tpu.memory_space<vmem>> -> memref<1x128x128xf32, #tpu.memory_space<vmem>>
    %dma_start3A_1264 = tpu.memref_squeeze %dma_start3A_1263 : memref<1x128x128xf32, #tpu.memory_space<vmem>> -> memref<128x128xf32, #tpu.memory_space<vmem>>
    %dma_start3A_1265 = arith.constant 0 : i32
    %dma_start3A_1266 = tpu.memref_slice %arg4[%add3A_1259, %dma_start3A_1265] : memref<106496x128xf32, #tpu.memory_space<hbm>> -> memref<128x128xf32, #tpu.memory_space<hbm>>
    %dma_start3A_1267 = arith.constant 0 : i32
    %dma_start3A_1268 = tpu.memref_slice %arg4[%add3A_1259, %dma_start3A_1267] : memref<106496x128xf32, #tpu.memory_space<hbm>> -> memref<128x128xf32, #tpu.memory_space<hbm>>
    %dma_start3A_1269 = arith.constant 0 : i32
    %dma_start3A_1270 = arith.constant 0 : i32
    %dma_start3A_1271 = tpu.memref_slice %arg6[%dma_start3A_1260, %dma_start3A_1269, %dma_start3A_1270] : memref<7x128x128xf32, #tpu.memory_space<vmem>> -> memref<1x128x128xf32, #tpu.memory_space<vmem>>
    %dma_start3A_1272 = tpu.memref_squeeze %dma_start3A_1271 : memref<1x128x128xf32, #tpu.memory_space<vmem>> -> memref<128x128xf32, #tpu.memory_space<vmem>>
    tpu.enqueue_dma source(%dma_start3A_1272 : memref<128x128xf32, #tpu.memory_space<vmem>>) target(%dma_start3A_1268 : memref<128x128xf32, #tpu.memory_space<hbm>>) target_semaphore(%arg17 : memref<!tpu.dma_semaphore, #tpu.memory_space<semaphore_mem>>)
    %dma_wait3A_1273 = arith.constant 25 : i32
    %dma_wait3A_1274 = arith.constant 4 : i32
    %dma_wait3A_1275 = arith.constant 0 : i32
    %dma_wait3A_1276 = arith.constant 0 : i32
    %dma_wait3A_1277 = tpu.memref_slice %arg6[%dma_wait3A_1274, %dma_wait3A_1275, %dma_wait3A_1276] : memref<7x128x128xf32, #tpu.memory_space<vmem>> -> memref<1x128x128xf32, #tpu.memory_space<vmem>>
    %dma_wait3A_1278 = tpu.memref_squeeze %dma_wait3A_1277 : memref<1x128x128xf32, #tpu.memory_space<vmem>> -> memref<128x128xf32, #tpu.memory_space<vmem>>
    %dma_wait3A_1279 = arith.constant 0 : i32
    %dma_wait3A_1280 = tpu.memref_slice %arg5[%dma_wait3A_1273, %dma_wait3A_1279] : memref<26x128xi32, #tpu.memory_space<vmem>> -> memref<1x128xi32, #tpu.memory_space<vmem>>
    %dma_wait3A_1281 = tpu.memref_squeeze %dma_wait3A_1280 : memref<1x128xi32, #tpu.memory_space<vmem>> -> memref<128xi32, #tpu.memory_space<vmem>>
    %dma_wait3A_1282 = arith.constant 0 : i32
    %dma_wait3A_1283 = arith.constant 0 : i32
    %dma_wait3A_1284 = tpu.memref_slice %arg2[%dma_wait3A_1282, %dma_wait3A_1283] : memref<100000x128xf32, #tpu.memory_space<hbm>> -> memref<100000x128xf32, #tpu.memory_space<hbm>>
    tpu.wait_indirect_dma semaphore(%arg11 : memref<!tpu.dma_semaphore, #tpu.memory_space<semaphore_mem>>) src(%dma_wait3A_1284 : memref<100000x128xf32, #tpu.memory_space<hbm>>) dst(%dma_wait3A_1278 : memref<128x128xf32, #tpu.memory_space<vmem>>)
    %add3A_1285 = arith.constant 3200 : i32
    %add3A_1286 = arith.addi %mul3A_2, %add3A_1285 : i32
    %dma_start3A_1287 = arith.constant 4 : i32
    %dma_start3A_1288 = arith.constant 0 : i32
    %dma_start3A_1289 = arith.constant 0 : i32
    %dma_start3A_1290 = tpu.memref_slice %arg6[%dma_start3A_1287, %dma_start3A_1288, %dma_start3A_1289] : memref<7x128x128xf32, #tpu.memory_space<vmem>> -> memref<1x128x128xf32, #tpu.memory_space<vmem>>
    %dma_start3A_1291 = tpu.memref_squeeze %dma_start3A_1290 : memref<1x128x128xf32, #tpu.memory_space<vmem>> -> memref<128x128xf32, #tpu.memory_space<vmem>>
    %dma_start3A_1292 = arith.constant 0 : i32
    %dma_start3A_1293 = tpu.memref_slice %arg4[%add3A_1286, %dma_start3A_1292] : memref<106496x128xf32, #tpu.memory_space<hbm>> -> memref<128x128xf32, #tpu.memory_space<hbm>>
    %dma_start3A_1294 = arith.constant 0 : i32
    %dma_start3A_1295 = tpu.memref_slice %arg4[%add3A_1286, %dma_start3A_1294] : memref<106496x128xf32, #tpu.memory_space<hbm>> -> memref<128x128xf32, #tpu.memory_space<hbm>>
    %dma_start3A_1296 = arith.constant 0 : i32
    %dma_start3A_1297 = arith.constant 0 : i32
    %dma_start3A_1298 = tpu.memref_slice %arg6[%dma_start3A_1287, %dma_start3A_1296, %dma_start3A_1297] : memref<7x128x128xf32, #tpu.memory_space<vmem>> -> memref<1x128x128xf32, #tpu.memory_space<vmem>>
    %dma_start3A_1299 = tpu.memref_squeeze %dma_start3A_1298 : memref<1x128x128xf32, #tpu.memory_space<vmem>> -> memref<128x128xf32, #tpu.memory_space<vmem>>
    tpu.enqueue_dma source(%dma_start3A_1299 : memref<128x128xf32, #tpu.memory_space<vmem>>) target(%dma_start3A_1295 : memref<128x128xf32, #tpu.memory_space<hbm>>) target_semaphore(%arg18 : memref<!tpu.dma_semaphore, #tpu.memory_space<semaphore_mem>>)
    %add3A_1300 = arith.constant 2432 : i32
    %add3A_1301 = arith.addi %mul3A_2, %add3A_1300 : i32
    %dma_wait3A_1302 = arith.constant 5 : i32
    %dma_wait3A_1303 = arith.constant 0 : i32
    %dma_wait3A_1304 = arith.constant 0 : i32
    %dma_wait3A_1305 = tpu.memref_slice %arg6[%dma_wait3A_1302, %dma_wait3A_1303, %dma_wait3A_1304] : memref<7x128x128xf32, #tpu.memory_space<vmem>> -> memref<1x128x128xf32, #tpu.memory_space<vmem>>
    %dma_wait3A_1306 = tpu.memref_squeeze %dma_wait3A_1305 : memref<1x128x128xf32, #tpu.memory_space<vmem>> -> memref<128x128xf32, #tpu.memory_space<vmem>>
    %dma_wait3A_1307 = arith.constant 0 : i32
    %dma_wait3A_1308 = tpu.memref_slice %arg4[%add3A_1301, %dma_wait3A_1307] : memref<106496x128xf32, #tpu.memory_space<hbm>> -> memref<128x128xf32, #tpu.memory_space<hbm>>
    %dma_wait3A_1309 = arith.constant 0 : i32
    %dma_wait3A_1310 = tpu.memref_slice %arg4[%add3A_1301, %dma_wait3A_1309] : memref<106496x128xf32, #tpu.memory_space<hbm>> -> memref<128x128xf32, #tpu.memory_space<hbm>>
    %dma_wait3A_1311 = arith.constant 0 : i32
    %dma_wait3A_1312 = arith.constant 0 : i32
    %dma_wait3A_1313 = tpu.memref_slice %arg6[%dma_wait3A_1302, %dma_wait3A_1311, %dma_wait3A_1312] : memref<7x128x128xf32, #tpu.memory_space<vmem>> -> memref<1x128x128xf32, #tpu.memory_space<vmem>>
    %dma_wait3A_1314 = tpu.memref_squeeze %dma_wait3A_1313 : memref<1x128x128xf32, #tpu.memory_space<vmem>> -> memref<128x128xf32, #tpu.memory_space<vmem>>
    tpu.wait_dma2 semaphore(%arg19 : memref<!tpu.dma_semaphore, #tpu.memory_space<semaphore_mem>>) src(%dma_wait3A_1314 : memref<128x128xf32, #tpu.memory_space<vmem>>) dst(%dma_wait3A_1310 : memref<128x128xf32, #tpu.memory_space<hbm>>)
    %add3A_1315 = arith.constant 2560 : i32
    %add3A_1316 = arith.addi %mul3A_2, %add3A_1315 : i32
    %dma_wait3A_1317 = arith.constant 6 : i32
    %dma_wait3A_1318 = arith.constant 0 : i32
    %dma_wait3A_1319 = arith.constant 0 : i32
    %dma_wait3A_1320 = tpu.memref_slice %arg6[%dma_wait3A_1317, %dma_wait3A_1318, %dma_wait3A_1319] : memref<7x128x128xf32, #tpu.memory_space<vmem>> -> memref<1x128x128xf32, #tpu.memory_space<vmem>>
    %dma_wait3A_1321 = tpu.memref_squeeze %dma_wait3A_1320 : memref<1x128x128xf32, #tpu.memory_space<vmem>> -> memref<128x128xf32, #tpu.memory_space<vmem>>
    %dma_wait3A_1322 = arith.constant 0 : i32
    %dma_wait3A_1323 = tpu.memref_slice %arg4[%add3A_1316, %dma_wait3A_1322] : memref<106496x128xf32, #tpu.memory_space<hbm>> -> memref<128x128xf32, #tpu.memory_space<hbm>>
    %dma_wait3A_1324 = arith.constant 0 : i32
    %dma_wait3A_1325 = tpu.memref_slice %arg4[%add3A_1316, %dma_wait3A_1324] : memref<106496x128xf32, #tpu.memory_space<hbm>> -> memref<128x128xf32, #tpu.memory_space<hbm>>
    %dma_wait3A_1326 = arith.constant 0 : i32
    %dma_wait3A_1327 = arith.constant 0 : i32
    %dma_wait3A_1328 = tpu.memref_slice %arg6[%dma_wait3A_1317, %dma_wait3A_1326, %dma_wait3A_1327] : memref<7x128x128xf32, #tpu.memory_space<vmem>> -> memref<1x128x128xf32, #tpu.memory_space<vmem>>
    %dma_wait3A_1329 = tpu.memref_squeeze %dma_wait3A_1328 : memref<1x128x128xf32, #tpu.memory_space<vmem>> -> memref<128x128xf32, #tpu.memory_space<vmem>>
    tpu.wait_dma2 semaphore(%arg20 : memref<!tpu.dma_semaphore, #tpu.memory_space<semaphore_mem>>) src(%dma_wait3A_1329 : memref<128x128xf32, #tpu.memory_space<vmem>>) dst(%dma_wait3A_1325 : memref<128x128xf32, #tpu.memory_space<hbm>>)
    %add3A_1330 = arith.constant 2688 : i32
    %add3A_1331 = arith.addi %mul3A_2, %add3A_1330 : i32
    %dma_wait3A_1332 = arith.constant 0 : i32
    %dma_wait3A_1333 = arith.constant 0 : i32
    %dma_wait3A_1334 = arith.constant 0 : i32
    %dma_wait3A_1335 = tpu.memref_slice %arg6[%dma_wait3A_1332, %dma_wait3A_1333, %dma_wait3A_1334] : memref<7x128x128xf32, #tpu.memory_space<vmem>> -> memref<1x128x128xf32, #tpu.memory_space<vmem>>
    %dma_wait3A_1336 = tpu.memref_squeeze %dma_wait3A_1335 : memref<1x128x128xf32, #tpu.memory_space<vmem>> -> memref<128x128xf32, #tpu.memory_space<vmem>>
    %dma_wait3A_1337 = arith.constant 0 : i32
    %dma_wait3A_1338 = tpu.memref_slice %arg4[%add3A_1331, %dma_wait3A_1337] : memref<106496x128xf32, #tpu.memory_space<hbm>> -> memref<128x128xf32, #tpu.memory_space<hbm>>
    %dma_wait3A_1339 = arith.constant 0 : i32
    %dma_wait3A_1340 = tpu.memref_slice %arg4[%add3A_1331, %dma_wait3A_1339] : memref<106496x128xf32, #tpu.memory_space<hbm>> -> memref<128x128xf32, #tpu.memory_space<hbm>>
    %dma_wait3A_1341 = arith.constant 0 : i32
    %dma_wait3A_1342 = arith.constant 0 : i32
    %dma_wait3A_1343 = tpu.memref_slice %arg6[%dma_wait3A_1332, %dma_wait3A_1341, %dma_wait3A_1342] : memref<7x128x128xf32, #tpu.memory_space<vmem>> -> memref<1x128x128xf32, #tpu.memory_space<vmem>>
    %dma_wait3A_1344 = tpu.memref_squeeze %dma_wait3A_1343 : memref<1x128x128xf32, #tpu.memory_space<vmem>> -> memref<128x128xf32, #tpu.memory_space<vmem>>
    tpu.wait_dma2 semaphore(%arg14 : memref<!tpu.dma_semaphore, #tpu.memory_space<semaphore_mem>>) src(%dma_wait3A_1344 : memref<128x128xf32, #tpu.memory_space<vmem>>) dst(%dma_wait3A_1340 : memref<128x128xf32, #tpu.memory_space<hbm>>)
    %add3A_1345 = arith.constant 2816 : i32
    %add3A_1346 = arith.addi %mul3A_2, %add3A_1345 : i32
    %dma_wait3A_1347 = arith.constant 1 : i32
    %dma_wait3A_1348 = arith.constant 0 : i32
    %dma_wait3A_1349 = arith.constant 0 : i32
    %dma_wait3A_1350 = tpu.memref_slice %arg6[%dma_wait3A_1347, %dma_wait3A_1348, %dma_wait3A_1349] : memref<7x128x128xf32, #tpu.memory_space<vmem>> -> memref<1x128x128xf32, #tpu.memory_space<vmem>>
    %dma_wait3A_1351 = tpu.memref_squeeze %dma_wait3A_1350 : memref<1x128x128xf32, #tpu.memory_space<vmem>> -> memref<128x128xf32, #tpu.memory_space<vmem>>
    %dma_wait3A_1352 = arith.constant 0 : i32
    %dma_wait3A_1353 = tpu.memref_slice %arg4[%add3A_1346, %dma_wait3A_1352] : memref<106496x128xf32, #tpu.memory_space<hbm>> -> memref<128x128xf32, #tpu.memory_space<hbm>>
    %dma_wait3A_1354 = arith.constant 0 : i32
    %dma_wait3A_1355 = tpu.memref_slice %arg4[%add3A_1346, %dma_wait3A_1354] : memref<106496x128xf32, #tpu.memory_space<hbm>> -> memref<128x128xf32, #tpu.memory_space<hbm>>
    %dma_wait3A_1356 = arith.constant 0 : i32
    %dma_wait3A_1357 = arith.constant 0 : i32
    %dma_wait3A_1358 = tpu.memref_slice %arg6[%dma_wait3A_1347, %dma_wait3A_1356, %dma_wait3A_1357] : memref<7x128x128xf32, #tpu.memory_space<vmem>> -> memref<1x128x128xf32, #tpu.memory_space<vmem>>
    %dma_wait3A_1359 = tpu.memref_squeeze %dma_wait3A_1358 : memref<1x128x128xf32, #tpu.memory_space<vmem>> -> memref<128x128xf32, #tpu.memory_space<vmem>>
    tpu.wait_dma2 semaphore(%arg15 : memref<!tpu.dma_semaphore, #tpu.memory_space<semaphore_mem>>) src(%dma_wait3A_1359 : memref<128x128xf32, #tpu.memory_space<vmem>>) dst(%dma_wait3A_1355 : memref<128x128xf32, #tpu.memory_space<hbm>>)
    %add3A_1360 = arith.constant 2944 : i32
    %add3A_1361 = arith.addi %mul3A_2, %add3A_1360 : i32
    %dma_wait3A_1362 = arith.constant 2 : i32
    %dma_wait3A_1363 = arith.constant 0 : i32
    %dma_wait3A_1364 = arith.constant 0 : i32
    %dma_wait3A_1365 = tpu.memref_slice %arg6[%dma_wait3A_1362, %dma_wait3A_1363, %dma_wait3A_1364] : memref<7x128x128xf32, #tpu.memory_space<vmem>> -> memref<1x128x128xf32, #tpu.memory_space<vmem>>
    %dma_wait3A_1366 = tpu.memref_squeeze %dma_wait3A_1365 : memref<1x128x128xf32, #tpu.memory_space<vmem>> -> memref<128x128xf32, #tpu.memory_space<vmem>>
    %dma_wait3A_1367 = arith.constant 0 : i32
    %dma_wait3A_1368 = tpu.memref_slice %arg4[%add3A_1361, %dma_wait3A_1367] : memref<106496x128xf32, #tpu.memory_space<hbm>> -> memref<128x128xf32, #tpu.memory_space<hbm>>
    %dma_wait3A_1369 = arith.constant 0 : i32
    %dma_wait3A_1370 = tpu.memref_slice %arg4[%add3A_1361, %dma_wait3A_1369] : memref<106496x128xf32, #tpu.memory_space<hbm>> -> memref<128x128xf32, #tpu.memory_space<hbm>>
    %dma_wait3A_1371 = arith.constant 0 : i32
    %dma_wait3A_1372 = arith.constant 0 : i32
    %dma_wait3A_1373 = tpu.memref_slice %arg6[%dma_wait3A_1362, %dma_wait3A_1371, %dma_wait3A_1372] : memref<7x128x128xf32, #tpu.memory_space<vmem>> -> memref<1x128x128xf32, #tpu.memory_space<vmem>>
    %dma_wait3A_1374 = tpu.memref_squeeze %dma_wait3A_1373 : memref<1x128x128xf32, #tpu.memory_space<vmem>> -> memref<128x128xf32, #tpu.memory_space<vmem>>
    tpu.wait_dma2 semaphore(%arg16 : memref<!tpu.dma_semaphore, #tpu.memory_space<semaphore_mem>>) src(%dma_wait3A_1374 : memref<128x128xf32, #tpu.memory_space<vmem>>) dst(%dma_wait3A_1370 : memref<128x128xf32, #tpu.memory_space<hbm>>)
    %add3A_1375 = arith.constant 3072 : i32
    %add3A_1376 = arith.addi %mul3A_2, %add3A_1375 : i32
    %dma_wait3A_1377 = arith.constant 3 : i32
    %dma_wait3A_1378 = arith.constant 0 : i32
    %dma_wait3A_1379 = arith.constant 0 : i32
    %dma_wait3A_1380 = tpu.memref_slice %arg6[%dma_wait3A_1377, %dma_wait3A_1378, %dma_wait3A_1379] : memref<7x128x128xf32, #tpu.memory_space<vmem>> -> memref<1x128x128xf32, #tpu.memory_space<vmem>>
    %dma_wait3A_1381 = tpu.memref_squeeze %dma_wait3A_1380 : memref<1x128x128xf32, #tpu.memory_space<vmem>> -> memref<128x128xf32, #tpu.memory_space<vmem>>
    %dma_wait3A_1382 = arith.constant 0 : i32
    %dma_wait3A_1383 = tpu.memref_slice %arg4[%add3A_1376, %dma_wait3A_1382] : memref<106496x128xf32, #tpu.memory_space<hbm>> -> memref<128x128xf32, #tpu.memory_space<hbm>>
    %dma_wait3A_1384 = arith.constant 0 : i32
    %dma_wait3A_1385 = tpu.memref_slice %arg4[%add3A_1376, %dma_wait3A_1384] : memref<106496x128xf32, #tpu.memory_space<hbm>> -> memref<128x128xf32, #tpu.memory_space<hbm>>
    %dma_wait3A_1386 = arith.constant 0 : i32
    %dma_wait3A_1387 = arith.constant 0 : i32
    %dma_wait3A_1388 = tpu.memref_slice %arg6[%dma_wait3A_1377, %dma_wait3A_1386, %dma_wait3A_1387] : memref<7x128x128xf32, #tpu.memory_space<vmem>> -> memref<1x128x128xf32, #tpu.memory_space<vmem>>
    %dma_wait3A_1389 = tpu.memref_squeeze %dma_wait3A_1388 : memref<1x128x128xf32, #tpu.memory_space<vmem>> -> memref<128x128xf32, #tpu.memory_space<vmem>>
    tpu.wait_dma2 semaphore(%arg17 : memref<!tpu.dma_semaphore, #tpu.memory_space<semaphore_mem>>) src(%dma_wait3A_1389 : memref<128x128xf32, #tpu.memory_space<vmem>>) dst(%dma_wait3A_1385 : memref<128x128xf32, #tpu.memory_space<hbm>>)
    %add3A_1390 = arith.constant 3200 : i32
    %add3A_1391 = arith.addi %mul3A_2, %add3A_1390 : i32
    %dma_wait3A_1392 = arith.constant 4 : i32
    %dma_wait3A_1393 = arith.constant 0 : i32
    %dma_wait3A_1394 = arith.constant 0 : i32
    %dma_wait3A_1395 = tpu.memref_slice %arg6[%dma_wait3A_1392, %dma_wait3A_1393, %dma_wait3A_1394] : memref<7x128x128xf32, #tpu.memory_space<vmem>> -> memref<1x128x128xf32, #tpu.memory_space<vmem>>
    %dma_wait3A_1396 = tpu.memref_squeeze %dma_wait3A_1395 : memref<1x128x128xf32, #tpu.memory_space<vmem>> -> memref<128x128xf32, #tpu.memory_space<vmem>>
    %dma_wait3A_1397 = arith.constant 0 : i32
    %dma_wait3A_1398 = tpu.memref_slice %arg4[%add3A_1391, %dma_wait3A_1397] : memref<106496x128xf32, #tpu.memory_space<hbm>> -> memref<128x128xf32, #tpu.memory_space<hbm>>
    %dma_wait3A_1399 = arith.constant 0 : i32
    %dma_wait3A_1400 = tpu.memref_slice %arg4[%add3A_1391, %dma_wait3A_1399] : memref<106496x128xf32, #tpu.memory_space<hbm>> -> memref<128x128xf32, #tpu.memory_space<hbm>>
    %dma_wait3A_1401 = arith.constant 0 : i32
    %dma_wait3A_1402 = arith.constant 0 : i32
    %dma_wait3A_1403 = tpu.memref_slice %arg6[%dma_wait3A_1392, %dma_wait3A_1401, %dma_wait3A_1402] : memref<7x128x128xf32, #tpu.memory_space<vmem>> -> memref<1x128x128xf32, #tpu.memory_space<vmem>>
    %dma_wait3A_1404 = tpu.memref_squeeze %dma_wait3A_1403 : memref<1x128x128xf32, #tpu.memory_space<vmem>> -> memref<128x128xf32, #tpu.memory_space<vmem>>
    tpu.wait_dma2 semaphore(%arg18 : memref<!tpu.dma_semaphore, #tpu.memory_space<semaphore_mem>>) src(%dma_wait3A_1404 : memref<128x128xf32, #tpu.memory_space<vmem>>) dst(%dma_wait3A_1400 : memref<128x128xf32, #tpu.memory_space<hbm>>)
    return
  }
}

</mosaic_0001>

<sc_bundles>
// kernel: _sc_gather.3.cloned.1.call-start
scs
__scs_entry_jumppad:
0x0: {  	(pc) =	sbr.rel $0x88, $3  }
0x1: {  	(tag) =	ssettag $0x0;
	lr =	simm.s32 $0x1  }
0x2: {  	[smem:$0x3F9F] =	sst lr;
	_ =	strace $0xD0000000  }
0x3: {  	_ = 	snop  }
0x4: {  	_ = 	snop  }
0x5: {  	_ = 	snop  }
0x6: {  	_ = 	snop  }
0x7: {  	_ = 	snop  }
__scs_overlays_trampoline_lowered:
0x8: {  	[smem:$0x3FAE] =	sst s0  }
0x9: {  	[smem:$0x3FAF] =	sst s1  }
0xa: {  	[smem:$0x3FB0] =	sst s2  }
0xb: {  	[smem:$0x3FB1] =	sst s3  }
0xc: {  	[smem:$0x3FB2] =	sst s4  }
0xd: {  	[smem:$0x3FB3] =	sst s5  }
0xe: {  	[smem:$0x3FB4] =	sst s6  }
0xf: {  	[smem:$0x3FB5] =	sst s7  }
0x10: {  	[smem:$0x3FB6] =	sst s8  }
0x11: {  	[smem:$0x3FB7] =	sst s9;
	s0 =	simm.s32 @!p0 $0x0  }
0x12: {  	s1 =	sld [smem:$0x3F9D];
	s0 =	simm.s32 @p0 $0x1  }
0x13: {  	[smem:$0x3FB8] =	sst s0;
	s0 =	simm.s32 @!p1 $0x0  }
0x14: {  	s2 =	sld [smem:$0x3F9C];
	s0 =	simm.s32 @p1 $0x1  }
0x15: {  	[smem:$0x3FB9] =	sst s0;
	s0 =	simm.s32 @!p2 $0x0  }
0x16: {  	s3 =	sld [smem:$0x3FDB];
	s0 =	simm.s32 @p2 $0x1  }
0x17: {  	s4 =	simm.s32 $0x1BF5;
	[smem:$0x3FBB] =	sst s0  }
0x18: {  	s0 =	sld [smem:$0x3F9E];
	_ =	swait.ge [sflag:s4], $0x0  }
0x19: {  	s7 =	sld [smem:$0x3F9F]  }
0x1a: {  	s8 =	sadd.s32 $0xFFFFE003, lr  }
0x1b: {  	s9 =	sadd.s32 $0xFFFFFEF7, lr;
	s5 =	simm.s32 $0xFFFFFFFF;
	p2 =	slt.u32 s8, $0xFFFFF086  }
0x1c: {  	p1 =	slt.u32 s9, $0xF7A;
	s5 =	simm.s32 @!p2 $0x0  }
0x1d: {  	s5 =	simm.s32 @p1 $0x1;
	p0 =	seq.s32 s7, s2  }
0x1e: {  	s7 =	smul.u32 @!p0 $0xF7A, s2;
	p2 =	seq.s32 @!p0 s5, $0x0  }
0x1f: {  	s9 =	smul.u32 $0xF7A, s1;
	s8 =	simm.s32 @!p0 $0x1BF5;
	p2 =	por !p2, p0  }
0x20: {  	[sflag:s8] =	ssyncset.s32 @!p0 $0xFFFFF086;
	s6 =	sadd.s32 @!p0 s3, s7;
	s7 =	simm.s32 @!p0 $0x108  }
0x21: {  	s3 =	sadd.s32 s3, s9;
	s6 =	sadd.s32 @!p0 $0x88, s6;
	s7 =	simm.s32 @p2 $0x1082  }
0x22: {  	[simem:s7], [sflag:s8] =	dma.local @!p0 [hbm:s6], $0xF7A  }
0x23: {  	s9 =	sor.u32 $0xD0000000, s2;
	s6 =	simm.s32 $0x108;
	_ =	swait.ge @!p0 [sflag:s8], $0x0  }
0x24: {  	s3 =	sadd.s32 $0x88, s3;
	s6 =	simm.s32 @!p1 $0x1082;
	[sflag:s4] =	ssyncset.s32 $0xFFFFF086  }
0x25: {  	[simem:s6], [sflag:s4] =	dma.local [hbm:s3], $0xF7A  }
0x26: {  	[smem:$0x3F9F] =	sst s1;
	(tag) =	ssettag s2;
	_ =	strace s9  }
0x27: {  	s1 =	sld [smem:$0x3FAF]  }
0x28: {  	s2 =	sld [smem:$0x3FB0]  }
0x29: {  	s4 =	sld [smem:$0x3FB2]  }
0x2a: {  	p0 =	seq.s32 s5, $0x0;
	s5 =	sld [smem:$0x3FB3]  }
0x2b: {  	s6 =	sld [smem:$0x3FB4]  }
0x2c: {  	s7 =	sld [smem:$0x3FB5]  }
0x2d: {  	s3 =	simm.s32 $0x108;
	s8 =	sld [smem:$0x3FB6]  }
0x2e: {  	s3 =	simm.s32 @!p0 $0x1082;
	s9 =	sld [smem:$0x3FB7]  }
0x2f: {  	lr =	sadd.s32 s0, s3;
	s0 =	sld [smem:$0x3FAE]  }
0x30: {  	s3 =	sld [smem:$0x3FB1]  }
0x31: {  	[smem:$0x3FBA] =	sst s10  }
0x32: {  	s10 =	sld [smem:$0x3FB8];
	_ =	sdelay $0x3  }
0x33: {  	p0 =	seq.s32 s10, $0x1;
	s10 =	sld [smem:$0x3FBA];
	_ =	sdelay $0x3  }
0x34: {  	[smem:$0x3FBA] =	sst s10  }
0x35: {  	s10 =	sld [smem:$0x3FB9];
	_ =	sdelay $0x3  }
0x36: {  	p1 =	seq.s32 s10, $0x1;
	s10 =	sld [smem:$0x3FBA];
	_ =	sdelay $0x3  }
0x37: {  	[smem:$0x3FBA] =	sst s10  }
0x38: {  	s10 =	sld [smem:$0x3FBB]  }
0x39: {  	_ = 	snop;
	(pc) =	sbr.ind lr, $3  }
0x3a: {  	_ = 	snop  }
0x3b: {  	_ = 	snop  }
0x3c: {  	p2 =	seq.s32 s10, $0x1;
	s10 =	sld [smem:$0x3FBA]  }
0x3d: {  	_ =	shalt  }
0x3e: {  	_ =	shalt  }
0x3f: {  	_ =	shalt  }
0x40: {  	_ =	shalt  }
0x41: {  	_ =	shalt  }
0x42: {  	_ =	shalt  }
0x43: {  	_ =	shalt  }
0x44: {  	_ =	shalt  }
0x45: {  	_ =	shalt  }
0x46: {  	_ =	shalt  }
0x47: {  	_ =	shalt  }
0x48: {  	_ =	shalt  }
0x49: {  	_ =	shalt  }
0x4a: {  	_ =	shalt  }
0x4b: {  	_ =	shalt  }
0x4c: {  	_ =	shalt  }
0x4d: {  	_ =	shalt  }
0x4e: {  	_ =	shalt  }
0x4f: {  	_ =	shalt  }
0x50: {  	_ =	shalt  }
0x51: {  	_ =	shalt  }
0x52: {  	_ =	shalt  }
0x53: {  	_ =	shalt  }
0x54: {  	_ =	shalt  }
0x55: {  	_ =	shalt  }
0x56: {  	_ =	shalt  }
0x57: {  	_ =	shalt  }
0x58: {  	_ =	shalt  }
0x59: {  	_ =	shalt  }
0x5a: {  	_ =	shalt  }
0x5b: {  	_ =	shalt  }
0x5c: {  	_ =	shalt  }
0x5d: {  	_ =	shalt  }
0x5e: {  	_ =	shalt  }
0x5f: {  	_ =	shalt  }
0x60: {  	_ =	shalt  }
0x61: {  	_ =	shalt  }
0x62: {  	_ =	shalt  }
0x63: {  	_ =	shalt  }
0x64: {  	_ =	shalt  }
0x65: {  	_ =	shalt  }
0x66: {  	_ =	shalt  }
0x67: {  	_ =	shalt  }
0x68: {  	_ =	shalt  }
0x69: {  	_ =	shalt  }
0x6a: {  	_ =	shalt  }
0x6b: {  	_ =	shalt  }
0x6c: {  	_ =	shalt  }
0x6d: {  	_ =	shalt  }
0x6e: {  	_ =	shalt  }
0x6f: {  	_ =	shalt  }
0x70: {  	_ =	shalt  }
0x71: {  	_ =	shalt  }
0x72: {  	_ =	shalt  }
0x73: {  	_ =	shalt  }
0x74: {  	_ =	shalt  }
0x75: {  	_ =	shalt  }
0x76: {  	_ =	shalt  }
0x77: {  	_ =	shalt  }
0x78: {  	_ =	shalt  }
0x79: {  	_ =	shalt  }
0x7a: {  	_ =	shalt  }
0x7b: {  	_ =	shalt  }
0x7c: {  	_ =	shalt  }
0x7d: {  	_ =	shalt  }
0x7e: {  	_ =	shalt  }
0x7f: {  	_ =	shalt  }
0x80: {  	_ =	shalt  }
0x81: {  	_ =	shalt  }
0x82: {  	_ =	shalt  }
0x83: {  	_ =	shalt  }
0x84: {  	_ =	shalt  }
0x85: {  	_ =	shalt  }
0x86: {  	_ =	shalt  }
0x87: {  	_ =	shalt  }
.Lfunc_end0:
.L_simem_size_0:
called_computation_lowered:
.L_overlay_start_0:
0x88: {  	s2 =	sld [smem:$0x3FD9]  }
0x89: {  	s3 =	sld [smem:$0x3FFE];
	_ =	sdelay $0x1  }
0x8a: {  	s1 =	srdreg.scid  }
0x8b: {  	s0 =	sand.u32 $0x1, s1  }
0x8c: {  	s17 =	sshll.u32 s0, $0xA;
	s2 =	sadd.s32 s3, s2  }
0x8d: {  	s2 =	sadd.s32 s2, s17  }
0x8e: {  	[smem:$0x3FC6] =	sst s2  }
0x8f: {  	_ = 	snop  }
0x90: {  	s2 =	sld [smem:$0x3FC9]  }
0x91: {  	s18 =	sld [smem:$0x3FD0];
	(tm) =	ssettm $0x1  }
0x92: {  	s4 =	sld [smem:$0x3FFB];
	_ =	sdelay $0x3  }
0x93: {  	_ =	strace s4  }
0x94: {  	s4 =	sld [smem:$0x3FFC];
	_ =	sdelay $0x3  }
0x95: {  	_ =	strace s4  }
0x96: {  	s4 =	sld [smem:$0x3FFD];
	_ =	sdelay $0x3  }
0x97: {  	_ =	strace s4  }
0x98: {  	_ =	strace $0x8FFFFFFF  }
0x99: {  	s19 =	sld [smem:$0x3FDB];
	_ =	sdelay $0x1  }
0x9a: {  	s5 =	simm.s32 $_scs_section_size  }
0x9b: {  	s6 =	simm.s32 $_size__tile_overlayer_lowered;
	s7 =	simm.s32 $_tile_overlayer_lowered  }
0x9c: {  	s22 =	simm.s32 $0x1BFF;
	s21 =	sshll.u32 s7, $0x1;
	s4 =	sadd.s32 s5, s19  }
0x9d: {  	s8 =	simm.s32 $0x0;
	s20 =	sshll.u32 s6, $0x1;
	s6 =	sadd.s32 s21, s4  }
0x9e: {  	[timem:s8], [sflag:s22] =	dma.local [hbm:s6], s20  }
0x9f: {  	_ =	swait.ge [sflag:s22], s20  }
0xa0: {  	s5 =	ssub.s32 $0x0, s20;
	[sflag:s22] =	ssyncset.done $0x0  }
0xa1: {  	[sflag:s22] =	ssyncadd.s32 s5;
	_ =	sdelay $0x1  }
0xa2: {  	s23 =	simm.s32 $0x1B8B  }
0xa3: {  	_ =	swait.ge [sflag:s23], $0x1  }
0xa4: {  	[sflag:s23] =	ssyncset.done $0x0  }
0xa5: {  	s25 =	simm.s32 $0x1B8E;
	s24 =	sld [smem:$0x3FFE];
	[sflag:s23] =	ssyncadd.s32 $0xFFFFFFFF  }
0xa6: {  	s26 =	simm.s32 $execute0_lowered;
	[smem:$0x3FD2] =	sst s25  }
0xa7: {  	s6 =	sshll.u32 s26, $0x1;
	_ =	strace $0x80000046;
	[dreg:$0x1] =	wrdreg $0xFFFFFFFF  }
0xa8: {  	s28 =	simm.s32 $_size_execute0_lowered;
	s4 =	sadd.s32 s4, s6;
	[dreg:$0x0] =	wrdreg $0x0  }
0xa9: {  	s6 =	sshll.u32 s28, $0x1;
	[dreg:$0x2] =	wrdreg s4  }
0xaa: {  	[dreg:$0x3] =	wrdreg s6  }
0xab: {  	[dreg:$0x4] =	wrdreg $0xC0  }
0xac: {  	_ =	task [dreg:s8], $0x5FFFF  }
0xad: {  	[dreg:$0x1] =	wrdreg $0xFFFFFFFF  }
0xae: {  	[dreg:$0x0] =	wrdreg $0x60  }
0xaf: {  	[dreg:$0x2] =	wrdreg s2  }
0xb0: {  	[dreg:$0x3] =	wrdreg s24  }
0xb1: {  	[dreg:$0x4] =	wrdreg s18  }
0xb2: {  	[dreg:$0x5] =	wrdreg $0x9  }
0xb3: {  	_ =	task.clear_ibuf [dreg:s8], $0x6FFFF;
	_ =	strace $0x90000046  }
0xb4: {  	s29 =	simm.s32 $0x9;
	_ =	strace $0x80000048  }
0xb5: {  	_ =	swait.ge [sflag:s29], $0x1  }
0xb6: {  	[sflag:s29] =	ssyncadd.s32 $0xFFFFFFFF  }
0xb7: {  	_ =	strace $0x90000048  }
0xb8: {  	_ =	sfence  }
0xb9: {  	s30 =	sld [smem:$0x0];
	_ =	sdelay $0x2  }
0xba: {  	s31 =	sshll.u32 s1, $0xD;
	s1 =	sshrl.u32 s1, $0x2  }
0xbb: {  	s3 =	sand.u32 $0x4000, s31;
	s1 =	sadd.s32 s1, s30  }
0xbc: {  	s0 =	sor.u32 s3, s0;
	s1 =	sshll.u32 s1, $0x11  }
0xbd: {  	s0 =	sor.u32 s1, s0  }
0xbe: {  	s0 =	sadd.s32 $0x8F2B, s0  }
0xbf: {  	[sflag:s0] =	ssyncadd.remote.s32 $0x1  }
0xc0: {  	_ =	sfence.sel $0xFFFF  }
0xc1: {  	[dreg:$0x0] =	wrdreg $0xFFFFFFFF;
	(pc) =	sbr.abs _section_cstart, $3  }
0xc2: {  	[dreg:$0x1] =	wrdreg $0xFFFFFFFF  }
0xc3: {  	_ =	task.clear_ibuf [dreg:s8], $0x2FFFF;
	_ =	strace $0x9FFFFFFF  }
0xc4: {  	(tm) =	ssettm $0x7FFFFFFF  }
0xc5: {  	_ =	shalt  }
tec
execute0_lowered:
.L_overlay_start_1:
0x0: {  	(tag) =	ssettag $0x1  }
0x1: {  	s0 =	srdreg.scid;
	s26 =	stileid.u32  }
0x2: {  	s0 =	sand.u32 $0x1, s0;
	s2 =	sshll.u32 s26, $0x1  }
0x3: {  	s3 =	rddreg [dreg:$0x0];
	s5 =	sor.u32 s0, s2  }
0x4: {  	s1 =	rddreg [dreg:$0x1];
	s2 =	simm.s32 $0x0;
	s6 =	smul.u32 $0xD000, s5  }
0x5: {  	[smem:$0x7FF] =	sst s2;
	s7 =	sshll.u32 s5, $0x9;
	s5 =	smul.u32 $0x68000, s5  }
0x6: {  	s4 =	rddreg [dreg:$0x2];
	_ =	strace $0x80000047;
	s1 =	sadd.s32 s7, s1  }
0x7: {  	s1 =	sadd.s32 $0x400, s1;
	s30 =	sadd.s32 s4, s6;
	s5 =	sshrl.u32 s5, $0x3  }
0x8: {  	[dreg:$0x4] =	wrdreg s1;
	s25 =	sadd.s32 $0x800, s30;
	s4 =	sadd.s32 s4, s5  }
0x9: {  	[dreg:$0x5] =	wrdreg s25;
	s6 =	sadd.s32 $0x1000, s4  }
0xa: {  	s7 =	sadd.s32 $0x1800, s4;
	[dreg:$0x6] =	wrdreg s6  }
0xb: {  	s8 =	sadd.s32 $0x2000, s4;
	[dreg:$0x7] =	wrdreg s7  }
0xc: {  	s9 =	sadd.s32 $0x2800, s4;
	[dreg:$0x8] =	wrdreg s8  }
0xd: {  	s10 =	sadd.s32 $0x3000, s4;
	[dreg:$0x9] =	wrdreg s9  }
0xe: {  	s11 =	sadd.s32 $0x3800, s4;
	[dreg:$0xa] =	wrdreg s10  }
0xf: {  	s12 =	sadd.s32 $0x4000, s4;
	[dreg:$0xb] =	wrdreg s11  }
0x10: {  	s13 =	sadd.s32 $0x4800, s4;
	[dreg:$0xc] =	wrdreg s12  }
0x11: {  	s14 =	sadd.s32 $0x5000, s4;
	[dreg:$0xd] =	wrdreg s13  }
0x12: {  	s15 =	sadd.s32 $0x5800, s4;
	[dreg:$0xe] =	wrdreg s14  }
0x13: {  	s16 =	sadd.s32 $0x6000, s4;
	[dreg:$0xf] =	wrdreg s15  }
0x14: {  	s17 =	sadd.s32 $0x6800, s4;
	[dreg:$0x10] =	wrdreg s16  }
0x15: {  	s18 =	sadd.s32 $0x7000, s4;
	[dreg:$0x11] =	wrdreg s17  }
0x16: {  	s19 =	sadd.s32 $0x7800, s4;
	[dreg:$0x12] =	wrdreg s18  }
0x17: {  	s20 =	sadd.s32 $0x8000, s4;
	[dreg:$0x13] =	wrdreg s19  }
0x18: {  	s21 =	sadd.s32 $0x8800, s4;
	[dreg:$0x14] =	wrdreg s20  }
0x19: {  	s22 =	sadd.s32 $0x9000, s4;
	[dreg:$0x15] =	wrdreg s21  }
0x1a: {  	s23 =	sadd.s32 $0x9800, s4;
	[dreg:$0x16] =	wrdreg s22  }
0x1b: {  	s24 =	sadd.s32 $0xA000, s4;
	[dreg:$0x17] =	wrdreg s23  }
0x1c: {  	s31 =	simm.s32 $0xF;
	s25 =	sadd.s32 $0xA800, s4;
	[dreg:$0x18] =	wrdreg s24  }
0x1d: {  	p0 =	por $0x0, $0x0;
	s5 =	sadd.s32 $0xB000, s4;
	[dreg:$0x19] =	wrdreg s25  }
0x1e: {  	s29 =	simm.s32 $0xC00;
	[dreg:$0x1a] =	wrdreg s5;
	s6 =	sadd.s32 $0xB800, s4  }
0x1f: {  	s28 =	simm.s32 $0xC80;
	s7 =	sadd.s32 $0xC000, s4;
	[dreg:$0x1b] =	wrdreg s6  }
0x20: {  	s0 =	ssub.s32 $0x2, s0;
	s9 =	sadd.s32 $0xC800, s4;
	[dreg:$0x1c] =	wrdreg s7  }
0x21: {  	s8 =	sshrl.u32 s0, $0x1;
	s10 =	simm.s32 $0x100;
	[dreg:$0x1d] =	wrdreg s9  }
0x22: {  	s11 =	simm.s32 $0x180;
	s12 =	simm.s32 $0x200;
	[dreg:$0x1e] =	wrdreg s10  }
0x23: {  	s13 =	simm.s32 $0x280;
	s14 =	simm.s32 $0x300;
	[dreg:$0x1f] =	wrdreg s11  }
0x24: {  	s15 =	simm.s32 $0x380;
	s16 =	simm.s32 $0x400;
	[smem:$0x7EB] =	sst s12  }
0x25: {  	s5 =	simm.s32 $0xD000;
	s17 =	simm.s32 $0x480;
	[smem:$0x7EC] =	sst s13  }
0x26: {  	s4 =	simm.s32 $0x11000;
	s18 =	simm.s32 $0x500;
	[smem:$0x7ED] =	sst s14  }
0x27: {  	s22 =	simm.s32 $0x15000;
	s19 =	simm.s32 $0x580;
	[smem:$0x7EE] =	sst s15  }
0x28: {  	s20 =	simm.s32 $0x19000;
	s21 =	simm.s32 $0x600;
	[smem:$0x7EF] =	sst s16  }
0x29: {  	s23 =	simm.s32 $0x680;
	s24 =	simm.s32 $0x700;
	[smem:$0x7F0] =	sst s17  }
0x2a: {  	s25 =	simm.s32 $0x780;
	s0 =	ssub.s32 s0, s8;
	[smem:$0x7F1] =	sst s18  }
0x2b: {  	s10 =	simm.s32 $0x80;
	s8 =	simm.s32 $0x1000;
	[smem:$0x7F2] =	sst s19  }
0x2c: {  	s7 =	simm.s32 $0x5000;
	s6 =	simm.s32 $0x9000;
	[smem:$0x7F3] =	sst s21  }
0x2d: {  	s19 =	simm.s32 $0x1;
	s17 =	simm.s32 $0x2;
	[smem:$0x7F4] =	sst s23  }
0x2e: {  	s15 =	simm.s32 $0x3;
	[smem:$0x7F5] =	sst s24;
	s9 =	simm.s32 $0x8  }
0x2f: {  	[smem:$0x7F6] =	sst s25;
	s11 =	simm.s32 $0x800;
	s16 =	simm.s32 $0x4  }
0x30: {  	s12 =	simm.s32 $0x880;
	s13 =	simm.s32 $0x900;
	[smem:$0x7F7] =	sst s11  }
0x31: {  	s18 =	simm.s32 $0x5;
	s14 =	simm.s32 $0x980;
	[smem:$0x7F8] =	sst s12  }
0x32: {  	s21 =	simm.s32 $0xA00;
	s1 =	smax.u32 s0, $0x1;
	[smem:$0x7F9] =	sst s13  }
0x33: {  	s25 =	simm.s32 $0x6;
	[smem:$0x7FA] =	sst s14;
	p1 =	sne.s32 s1, $0x1  }
.Ltmp0:
0x34: {  	s23 =	simm.s32 $0xA80;
	[smem:$0x7FB] =	sst s21;
	(pc) =	sbr.rel @!p1 .LBB2_1-.Ltmp0, $4  }
0x35: {  	s24 =	simm.s32 $0xB00;
	s11 =	simm.s32 $0x9;
	[smem:$0x7FC] =	sst s23  }
0x36: {  	s12 =	simm.s32 $0xA;
	s13 =	simm.s32 $0xB;
	[smem:$0x7FD] =	sst s24  }
0x37: {  	s24 =	simm.s32 $0x7;
	s14 =	simm.s32 $0xC;
	s23 =	simm.s32 $0xD  }
0x38: {  	s21 =	simm.s32 $0xE;
	s0 =	rddreg [dreg:$0x4];
	s1 =	sadd.s32 $0xFFFFFFFF, s1  }
0x39: {  	[tilespmem:s2], [sflag:$0xF] =	stream.linear.gather [hbm4b:s0+s2], $0xD00, $0x38;
	[tilespmem:$0x1D000] =	vst v63  }
0x3a: {  	_ =	swait.ge [sflag:s31], $0xD00  }
0x3b: {  	[sflag:s31] =	ssyncset.done $0x0  }
0x3c: {  	[sflag:s31] =	ssyncadd.s32 $0xFFFFF300  }
0x3d: {  	[tilespmem:s8], [sflag:$0x1] =	stream.indirect.gather [hbm4b:s3+s10], $0x80, s2, s10, $0xb8;
	[tilespmem:$0x1D000] =	vst v63  }
0x3e: {  	s0 =	rddreg [dreg:$0x1e]  }
0x3f: {  	[tilespmem:s7], [sflag:$0x2] =	stream.indirect.gather [hbm4b:s3+s10], $0x80, s10, s10, $0xb8;
	[tilespmem:$0x1D000] =	vst v63  }
0x40: {  	s26 =	smov.u32 s1;
	s1 =	rddreg [dreg:$0x1f]  }
0x41: {  	[tilespmem:s6], [sflag:$0x3] =	stream.indirect.gather [hbm4b:s3+s10], $0x80, s0, s10, $0xb8;
	[tilespmem:$0x1D000] =	vst v63  }
0x42: {  	s0 =	sld [smem:$0x7EB]  }
0x43: {  	[tilespmem:s5], [sflag:$0x4] =	stream.indirect.gather [hbm4b:s3+s10], $0x80, s1, s10, $0xb8;
	[tilespmem:$0x1D000] =	vst v63  }
0x44: {  	s1 =	sld [smem:$0x7EC]  }
0x45: {  	[tilespmem:s4], [sflag:$0x5] =	stream.indirect.gather [hbm4b:s3+s10], $0x80, s0, s10, $0xb8;
	[tilespmem:$0x1D000] =	vst v63  }
0x46: {  	s0 =	sld [smem:$0x7ED]  }
0x47: {  	[tilespmem:s22], [sflag:$0x6] =	stream.indirect.gather [hbm4b:s3+s10], $0x80, s1, s10, $0xb8;
	[tilespmem:$0x1D000] =	vst v63  }
0x48: {  	_ = 	snop  }
0x49: {  	[tilespmem:s20], [sflag:$0x7] =	stream.indirect.gather [hbm4b:s3+s10], $0x80, s0, s10, $0xb8;
	[tilespmem:$0x1D000] =	vst v63  }
0x4a: {  	_ =	swait.ge [sflag:s19], $0x4000  }
0x4b: {  	[sflag:s19] =	ssyncset.done $0x0  }
0x4c: {  	[sflag:s19] =	ssyncadd.s32 $0xFFFFC000  }
0x4d: {  	[hbm4b:s30+s2] =	stream.linear.scatter [tilespmem:s8], [sflag:$0x8], $0x4000, $0x38;
	[tilespmem:$0x1D000] =	vst v63  }
0x4e: {  	_ =	swait.ge [sflag:s17], $0x4000  }
0x4f: {  	[sflag:s17] =	ssyncset.done $0x0  }
0x50: {  	s1 =	rddreg [dreg:$0x5];
	[sflag:s17] =	ssyncadd.s32 $0xFFFFC000  }
0x51: {  	[hbm4b:s1+s2] =	stream.linear.scatter [tilespmem:s7], [sflag:$0x9], $0x4000, $0x38;
	[tilespmem:$0x1D000] =	vst v63  }
0x52: {  	_ =	swait.ge [sflag:s15], $0x4000  }
0x53: {  	[sflag:s15] =	ssyncset.done $0x0  }
0x54: {  	s1 =	rddreg [dreg:$0x6];
	[sflag:s15] =	ssyncadd.s32 $0xFFFFC000  }
0x55: {  	[hbm4b:s1+s2] =	stream.linear.scatter [tilespmem:s6], [sflag:$0xA], $0x4000, $0x38;
	[tilespmem:$0x1D000] =	vst v63  }
0x56: {  	_ =	swait.ge [sflag:s9], $0x4000  }
0x57: {  	s1 =	sld [smem:$0x7EE]  }
0x58: {  	[sflag:s9] =	ssyncset.done $0x0  }
0x59: {  	[sflag:s9] =	ssyncadd.s32 $0xFFFFC000  }
0x5a: {  	[tilespmem:s8], [sflag:$0x1] =	stream.indirect.gather [hbm4b:s3+s10], $0x80, s1, s10, $0xb8;
	[tilespmem:$0x1D000] =	vst v63  }
0x5b: {  	_ =	swait.ge [sflag:s16], $0x4000  }
0x5c: {  	[sflag:s16] =	ssyncset.done $0x0  }
0x5d: {  	s1 =	rddreg [dreg:$0x7];
	[sflag:s16] =	ssyncadd.s32 $0xFFFFC000  }
0x5e: {  	[hbm4b:s1+s2] =	stream.linear.scatter [tilespmem:s5], [sflag:$0xB], $0x4000, $0x38;
	[tilespmem:$0x1D000] =	vst v63  }
0x5f: {  	_ =	swait.ge [sflag:s11], $0x4000  }
0x60: {  	s1 =	sld [smem:$0x7EF]  }
0x61: {  	[sflag:s11] =	ssyncset.done $0x0  }
0x62: {  	[sflag:s11] =	ssyncadd.s32 $0xFFFFC000  }
0x63: {  	[tilespmem:s7], [sflag:$0x2] =	stream.indirect.gather [hbm4b:s3+s10], $0x80, s1, s10, $0xb8;
	[tilespmem:$0x1D000] =	vst v63  }
0x64: {  	_ =	swait.ge [sflag:s18], $0x4000  }
0x65: {  	[sflag:s18] =	ssyncset.done $0x0  }
0x66: {  	s1 =	rddreg [dreg:$0x8];
	[sflag:s18] =	ssyncadd.s32 $0xFFFFC000  }
0x67: {  	[hbm4b:s1+s2] =	stream.linear.scatter [tilespmem:s4], [sflag:$0xC], $0x4000, $0x38;
	[tilespmem:$0x1D000] =	vst v63  }
0x68: {  	_ =	swait.ge [sflag:s12], $0x4000  }
0x69: {  	s1 =	sld [smem:$0x7F0]  }
0x6a: {  	[sflag:s12] =	ssyncset.done $0x0  }
0x6b: {  	[sflag:s12] =	ssyncadd.s32 $0xFFFFC000  }
0x6c: {  	[tilespmem:s6], [sflag:$0x3] =	stream.indirect.gather [hbm4b:s3+s10], $0x80, s1, s10, $0xb8;
	[tilespmem:$0x1D000] =	vst v63  }
0x6d: {  	_ =	swait.ge [sflag:s25], $0x4000  }
0x6e: {  	[sflag:s25] =	ssyncset.done $0x0  }
0x6f: {  	s1 =	rddreg [dreg:$0x9];
	[sflag:s25] =	ssyncadd.s32 $0xFFFFC000  }
0x70: {  	[hbm4b:s1+s2] =	stream.linear.scatter [tilespmem:s22], [sflag:$0xD], $0x4000, $0x38;
	[tilespmem:$0x1D000] =	vst v63  }
0x71: {  	_ =	swait.ge [sflag:s13], $0x4000  }
0x72: {  	s1 =	sld [smem:$0x7F1]  }
0x73: {  	[sflag:s13] =	ssyncset.done $0x0  }
0x74: {  	[sflag:s13] =	ssyncadd.s32 $0xFFFFC000  }
0x75: {  	[tilespmem:s5], [sflag:$0x4] =	stream.indirect.gather [hbm4b:s3+s10], $0x80, s1, s10, $0xb8;
	[tilespmem:$0x1D000] =	vst v63  }
0x76: {  	_ =	swait.ge [sflag:s24], $0x4000  }
0x77: {  	[sflag:s24] =	ssyncset.done $0x0  }
0x78: {  	s1 =	rddreg [dreg:$0xa];
	[sflag:s24] =	ssyncadd.s32 $0xFFFFC000  }
0x79: {  	[hbm4b:s1+s2] =	stream.linear.scatter [tilespmem:s20], [sflag:$0xE], $0x4000, $0x38;
	[tilespmem:$0x1D000] =	vst v63  }
0x7a: {  	_ =	swait.ge [sflag:s14], $0x4000  }
0x7b: {  	s1 =	sld [smem:$0x7F2]  }
0x7c: {  	[sflag:s14] =	ssyncset.done $0x0  }
0x7d: {  	[sflag:s14] =	ssyncadd.s32 $0xFFFFC000  }
0x7e: {  	[tilespmem:s4], [sflag:$0x5] =	stream.indirect.gather [hbm4b:s3+s10], $0x80, s1, s10, $0xb8;
	[tilespmem:$0x1D000] =	vst v63  }
0x7f: {  	_ =	swait.ge [sflag:s19], $0x4000  }
0x80: {  	[sflag:s19] =	ssyncset.done $0x0  }
0x81: {  	s1 =	rddreg [dreg:$0xb];
	[sflag:s19] =	ssyncadd.s32 $0xFFFFC000  }
0x82: {  	[hbm4b:s1+s2] =	stream.linear.scatter [tilespmem:s8], [sflag:$0x8], $0x4000, $0x38;
	[tilespmem:$0x1D000] =	vst v63  }
0x83: {  	_ =	swait.ge [sflag:s23], $0x4000  }
0x84: {  	s1 =	sld [smem:$0x7F3]  }
0x85: {  	[sflag:s23] =	ssyncset.done $0x0  }
0x86: {  	[sflag:s23] =	ssyncadd.s32 $0xFFFFC000  }
0x87: {  	[tilespmem:s22], [sflag:$0x6] =	stream.indirect.gather [hbm4b:s3+s10], $0x80, s1, s10, $0xb8;
	[tilespmem:$0x1D000] =	vst v63  }
0x88: {  	_ =	swait.ge [sflag:s17], $0x4000  }
0x89: {  	[sflag:s17] =	ssyncset.done $0x0  }
0x8a: {  	s1 =	rddreg [dreg:$0xc];
	[sflag:s17] =	ssyncadd.s32 $0xFFFFC000  }
0x8b: {  	[hbm4b:s1+s2] =	stream.linear.scatter [tilespmem:s7], [sflag:$0x9], $0x4000, $0x38;
	[tilespmem:$0x1D000] =	vst v63  }
0x8c: {  	_ =	swait.ge [sflag:s21], $0x4000  }
0x8d: {  	s1 =	sld [smem:$0x7F4]  }
0x8e: {  	[sflag:s21] =	ssyncset.done $0x0  }
0x8f: {  	[sflag:s21] =	ssyncadd.s32 $0xFFFFC000  }
0x90: {  	[tilespmem:s20], [sflag:$0x7] =	stream.indirect.gather [hbm4b:s3+s10], $0x80, s1, s10, $0xb8;
	[tilespmem:$0x1D000] =	vst v63  }
0x91: {  	_ =	swait.ge [sflag:s15], $0x4000  }
0x92: {  	[sflag:s15] =	ssyncset.done $0x0  }
0x93: {  	s1 =	rddreg [dreg:$0xd];
	[sflag:s15] =	ssyncadd.s32 $0xFFFFC000  }
0x94: {  	[hbm4b:s1+s2] =	stream.linear.scatter [tilespmem:s6], [sflag:$0xA], $0x4000, $0x38;
	[tilespmem:$0x1D000] =	vst v63  }
0x95: {  	_ =	swait.ge [sflag:s9], $0x4000  }
0x96: {  	s1 =	sld [smem:$0x7F5]  }
0x97: {  	[sflag:s9] =	ssyncset.done $0x0  }
0x98: {  	[sflag:s9] =	ssyncadd.s32 $0xFFFFC000  }
0x99: {  	[tilespmem:s8], [sflag:$0x1] =	stream.indirect.gather [hbm4b:s3+s10], $0x80, s1, s10, $0xb8;
	[tilespmem:$0x1D000] =	vst v63  }
0x9a: {  	_ =	swait.ge [sflag:s16], $0x4000  }
0x9b: {  	[sflag:s16] =	ssyncset.done $0x0  }
0x9c: {  	s1 =	rddreg [dreg:$0xe];
	[sflag:s16] =	ssyncadd.s32 $0xFFFFC000  }
0x9d: {  	[hbm4b:s1+s2] =	stream.linear.scatter [tilespmem:s5], [sflag:$0xB], $0x4000, $0x38;
	[tilespmem:$0x1D000] =	vst v63  }
0x9e: {  	_ =	swait.ge [sflag:s11], $0x4000  }
0x9f: {  	s1 =	sld [smem:$0x7F6]  }
0xa0: {  	[sflag:s11] =	ssyncset.done $0x0  }
0xa1: {  	[sflag:s11] =	ssyncadd.s32 $0xFFFFC000  }
0xa2: {  	[tilespmem:s7], [sflag:$0x2] =	stream.indirect.gather [hbm4b:s3+s10], $0x80, s1, s10, $0xb8;
	[tilespmem:$0x1D000] =	vst v63  }
0xa3: {  	_ =	swait.ge [sflag:s18], $0x4000  }
0xa4: {  	[sflag:s18] =	ssyncset.done $0x0  }
0xa5: {  	s1 =	rddreg [dreg:$0xf];
	[sflag:s18] =	ssyncadd.s32 $0xFFFFC000  }
0xa6: {  	[hbm4b:s1+s2] =	stream.linear.scatter [tilespmem:s4], [sflag:$0xC], $0x4000, $0x38;
	[tilespmem:$0x1D000] =	vst v63  }
0xa7: {  	_ =	swait.ge [sflag:s12], $0x4000  }
0xa8: {  	s1 =	sld [smem:$0x7F7]  }
0xa9: {  	[sflag:s12] =	ssyncset.done $0x0  }
0xaa: {  	[sflag:s12] =	ssyncadd.s32 $0xFFFFC000  }
0xab: {  	[tilespmem:s6], [sflag:$0x3] =	stream.indirect.gather [hbm4b:s3+s10], $0x80, s1, s10, $0xb8;
	[tilespmem:$0x1D000] =	vst v63  }
0xac: {  	_ =	swait.ge [sflag:s25], $0x4000  }
0xad: {  	[sflag:s25] =	ssyncset.done $0x0  }
0xae: {  	s1 =	rddreg [dreg:$0x10];
	[sflag:s25] =	ssyncadd.s32 $0xFFFFC000  }
0xaf: {  	[hbm4b:s1+s2] =	stream.linear.scatter [tilespmem:s22], [sflag:$0xD], $0x4000, $0x38;
	[tilespmem:$0x1D000] =	vst v63  }
0xb0: {  	_ =	swait.ge [sflag:s13], $0x4000  }
0xb1: {  	s1 =	sld [smem:$0x7F8]  }
0xb2: {  	[sflag:s13] =	ssyncset.done $0x0  }
0xb3: {  	[sflag:s13] =	ssyncadd.s32 $0xFFFFC000  }
0xb4: {  	[tilespmem:s5], [sflag:$0x4] =	stream.indirect.gather [hbm4b:s3+s10], $0x80, s1, s10, $0xb8;
	[tilespmem:$0x1D000] =	vst v63  }
0xb5: {  	_ =	swait.ge [sflag:s24], $0x4000  }
0xb6: {  	[sflag:s24] =	ssyncset.done $0x0  }
0xb7: {  	s1 =	rddreg [dreg:$0x11];
	[sflag:s24] =	ssyncadd.s32 $0xFFFFC000  }
0xb8: {  	[hbm4b:s1+s2] =	stream.linear.scatter [tilespmem:s20], [sflag:$0xE], $0x4000, $0x38;
	[tilespmem:$0x1D000] =	vst v63  }
0xb9: {  	_ =	swait.ge [sflag:s14], $0x4000  }
0xba: {  	s1 =	sld [smem:$0x7F9]  }
0xbb: {  	[sflag:s14] =	ssyncset.done $0x0  }
0xbc: {  	[sflag:s14] =	ssyncadd.s32 $0xFFFFC000  }
0xbd: {  	[tilespmem:s4], [sflag:$0x5] =	stream.indirect.gather [hbm4b:s3+s10], $0x80, s1, s10, $0xb8;
	[tilespmem:$0x1D000] =	vst v63  }
0xbe: {  	_ =	swait.ge [sflag:s19], $0x4000  }
0xbf: {  	[sflag:s19] =	ssyncset.done $0x0  }
0xc0: {  	s1 =	rddreg [dreg:$0x12];
	[sflag:s19] =	ssyncadd.s32 $0xFFFFC000  }
0xc1: {  	[hbm4b:s1+s2] =	stream.linear.scatter [tilespmem:s8], [sflag:$0x8], $0x4000, $0x38;
	[tilespmem:$0x1D000] =	vst v63  }
0xc2: {  	_ =	swait.ge [sflag:s23], $0x4000  }
0xc3: {  	s1 =	sld [smem:$0x7FA]  }
0xc4: {  	[sflag:s23] =	ssyncset.done $0x0  }
0xc5: {  	[sflag:s23] =	ssyncadd.s32 $0xFFFFC000  }
0xc6: {  	[tilespmem:s22], [sflag:$0x6] =	stream.indirect.gather [hbm4b:s3+s10], $0x80, s1, s10, $0xb8;
	[tilespmem:$0x1D000] =	vst v63  }
0xc7: {  	_ =	swait.ge [sflag:s17], $0x4000  }
0xc8: {  	[sflag:s17] =	ssyncset.done $0x0  }
0xc9: {  	s1 =	rddreg [dreg:$0x13];
	[sflag:s17] =	ssyncadd.s32 $0xFFFFC000  }
0xca: {  	[hbm4b:s1+s2] =	stream.linear.scatter [tilespmem:s7], [sflag:$0x9], $0x4000, $0x38;
	[tilespmem:$0x1D000] =	vst v63  }
0xcb: {  	_ =	swait.ge [sflag:s21], $0x4000  }
0xcc: {  	s1 =	sld [smem:$0x7FB]  }
0xcd: {  	[sflag:s21] =	ssyncset.done $0x0  }
0xce: {  	[sflag:s21] =	ssyncadd.s32 $0xFFFFC000  }
0xcf: {  	[tilespmem:s20], [sflag:$0x7] =	stream.indirect.gather [hbm4b:s3+s10], $0x80, s1, s10, $0xb8;
	[tilespmem:$0x1D000] =	vst v63  }
0xd0: {  	_ =	swait.ge [sflag:s15], $0x4000  }
0xd1: {  	[sflag:s15] =	ssyncset.done $0x0  }
0xd2: {  	s1 =	rddreg [dreg:$0x14];
	[sflag:s15] =	ssyncadd.s32 $0xFFFFC000  }
0xd3: {  	[hbm4b:s1+s2] =	stream.linear.scatter [tilespmem:s6], [sflag:$0xA], $0x4000, $0x38;
	[tilespmem:$0x1D000] =	vst v63  }
0xd4: {  	_ =	swait.ge [sflag:s9], $0x4000  }
0xd5: {  	s1 =	sld [smem:$0x7FC]  }
0xd6: {  	[sflag:s9] =	ssyncset.done $0x0  }
0xd7: {  	[sflag:s9] =	ssyncadd.s32 $0xFFFFC000  }
0xd8: {  	[tilespmem:s8], [sflag:$0x1] =	stream.indirect.gather [hbm4b:s3+s10], $0x80, s1, s10, $0xb8;
	[tilespmem:$0x1D000] =	vst v63  }
0xd9: {  	_ =	swait.ge [sflag:s16], $0x4000  }
0xda: {  	[sflag:s16] =	ssyncset.done $0x0  }
0xdb: {  	s1 =	rddreg [dreg:$0x15];
	[sflag:s16] =	ssyncadd.s32 $0xFFFFC000  }
0xdc: {  	[hbm4b:s1+s2] =	stream.linear.scatter [tilespmem:s5], [sflag:$0xB], $0x4000, $0x38;
	[tilespmem:$0x1D000] =	vst v63  }
0xdd: {  	_ =	swait.ge [sflag:s11], $0x4000  }
0xde: {  	s1 =	sld [smem:$0x7FD]  }
0xdf: {  	[sflag:s11] =	ssyncset.done $0x0  }
0xe0: {  	[sflag:s11] =	ssyncadd.s32 $0xFFFFC000  }
0xe1: {  	[tilespmem:s7], [sflag:$0x2] =	stream.indirect.gather [hbm4b:s3+s10], $0x80, s1, s10, $0xb8;
	[tilespmem:$0x1D000] =	vst v63  }
0xe2: {  	_ =	swait.ge [sflag:s18], $0x4000  }
0xe3: {  	[sflag:s18] =	ssyncset.done $0x0  }
0xe4: {  	s1 =	rddreg [dreg:$0x16];
	[sflag:s18] =	ssyncadd.s32 $0xFFFFC000  }
0xe5: {  	[hbm4b:s1+s2] =	stream.linear.scatter [tilespmem:s4], [sflag:$0xC], $0x4000, $0x38;
	[tilespmem:$0x1D000] =	vst v63  }
0xe6: {  	_ =	swait.ge [sflag:s12], $0x4000  }
0xe7: {  	[sflag:s12] =	ssyncset.done $0x0  }
0xe8: {  	s1 =	simm.s32 $0xB80;
	[sflag:s12] =	ssyncadd.s32 $0xFFFFC000  }
0xe9: {  	[tilespmem:s6], [sflag:$0x3] =	stream.indirect.gather [hbm4b:s3+s10], $0x80, s1, s10, $0xb8;
	[tilespmem:$0x1D000] =	vst v63  }
0xea: {  	_ =	swait.ge [sflag:s25], $0x4000  }
0xeb: {  	[sflag:s25] =	ssyncset.done $0x0  }
0xec: {  	s1 =	rddreg [dreg:$0x17];
	[sflag:s25] =	ssyncadd.s32 $0xFFFFC000  }
0xed: {  	[hbm4b:s1+s2] =	stream.linear.scatter [tilespmem:s22], [sflag:$0xD], $0x4000, $0x38;
	[tilespmem:$0x1D000] =	vst v63  }
0xee: {  	_ =	swait.ge [sflag:s13], $0x4000  }
0xef: {  	[sflag:s13] =	ssyncset.done $0x0  }
0xf0: {  	[sflag:s13] =	ssyncadd.s32 $0xFFFFC000  }
0xf1: {  	[tilespmem:s5], [sflag:$0x4] =	stream.indirect.gather [hbm4b:s3+s10], $0x80, s29, s10, $0xb8;
	[tilespmem:$0x1D000] =	vst v63  }
0xf2: {  	_ =	swait.ge [sflag:s24], $0x4000  }
0xf3: {  	[sflag:s24] =	ssyncset.done $0x0  }
0xf4: {  	s1 =	rddreg [dreg:$0x18];
	[sflag:s24] =	ssyncadd.s32 $0xFFFFC000  }
0xf5: {  	[hbm4b:s1+s2] =	stream.linear.scatter [tilespmem:s20], [sflag:$0xE], $0x4000, $0x38;
	[tilespmem:$0x1D000] =	vst v63  }
0xf6: {  	_ =	swait.ge [sflag:s14], $0x4000  }
0xf7: {  	[sflag:s14] =	ssyncset.done $0x0  }
0xf8: {  	[sflag:s14] =	ssyncadd.s32 $0xFFFFC000  }
0xf9: {  	[tilespmem:s4], [sflag:$0x5] =	stream.indirect.gather [hbm4b:s3+s10], $0x80, s28, s10, $0xb8;
	[tilespmem:$0x1D000] =	vst v63  }
0xfa: {  	_ =	swait.ge [sflag:s19], $0x4000  }
0xfb: {  	[sflag:s19] =	ssyncset.done $0x0  }
0xfc: {  	s1 =	rddreg [dreg:$0x19];
	[sflag:s19] =	ssyncadd.s32 $0xFFFFC000  }
0xfd: {  	[hbm4b:s1+s2] =	stream.linear.scatter [tilespmem:s8], [sflag:$0x8], $0x4000, $0x38;
	[tilespmem:$0x1D000] =	vst v63  }
0xfe: {  	_ =	swait.ge [sflag:s17], $0x4000  }
0xff: {  	[sflag:s17] =	ssyncset.done $0x0  }
0x100: {  	s1 =	rddreg [dreg:$0x1a];
	[sflag:s17] =	ssyncadd.s32 $0xFFFFC000  }
0x101: {  	[hbm4b:s1+s2] =	stream.linear.scatter [tilespmem:s7], [sflag:$0x9], $0x4000, $0x38;
	[tilespmem:$0x1D000] =	vst v63  }
0x102: {  	_ =	swait.ge [sflag:s15], $0x4000  }
0x103: {  	[sflag:s15] =	ssyncset.done $0x0  }
0x104: {  	s1 =	rddreg [dreg:$0x1b];
	[sflag:s15] =	ssyncadd.s32 $0xFFFFC000  }
0x105: {  	[hbm4b:s1+s2] =	stream.linear.scatter [tilespmem:s6], [sflag:$0xA], $0x4000, $0x38;
	[tilespmem:$0x1D000] =	vst v63  }
0x106: {  	_ =	swait.ge [sflag:s16], $0x4000  }
0x107: {  	[sflag:s16] =	ssyncset.done $0x0  }
0x108: {  	s1 =	rddreg [dreg:$0x1c];
	[sflag:s16] =	ssyncadd.s32 $0xFFFFC000  }
0x109: {  	[hbm4b:s1+s2] =	stream.linear.scatter [tilespmem:s5], [sflag:$0xB], $0x4000, $0x38;
	[tilespmem:$0x1D000] =	vst v63  }
0x10a: {  	_ =	swait.ge [sflag:s18], $0x4000  }
0x10b: {  	[sflag:s18] =	ssyncset.done $0x0  }
0x10c: {  	s1 =	rddreg [dreg:$0x1d];
	[sflag:s18] =	ssyncadd.s32 $0xFFFFC000  }
0x10d: {  	[hbm4b:s1+s2] =	stream.linear.scatter [tilespmem:s4], [sflag:$0xC], $0x4000, $0x38;
	[tilespmem:$0x1D000] =	vst v63  }
0x10e: {  	_ =	swait.ge [sflag:s23], $0x4000  }
0x10f: {  	[sflag:s23] =	ssyncset.done $0x0  }
0x110: {  	[sflag:s23] =	ssyncadd.s32 $0xFFFFC000  }
0x111: {  	_ =	swait.ge [sflag:s21], $0x4000  }
0x112: {  	[sflag:s21] =	ssyncset.done $0x0  }
0x113: {  	[sflag:s21] =	ssyncadd.s32 $0xFFFFC000  }
0x114: {  	_ =	swait.ge [sflag:s9], $0x4000  }
0x115: {  	[sflag:s9] =	ssyncset.done $0x0  }
0x116: {  	[sflag:s9] =	ssyncadd.s32 $0xFFFFC000  }
0x117: {  	_ =	swait.ge [sflag:s11], $0x4000  }
0x118: {  	[sflag:s11] =	ssyncset.done $0x0  }
0x119: {  	[sflag:s11] =	ssyncadd.s32 $0xFFFFC000  }
0x11a: {  	_ =	swait.ge [sflag:s12], $0x4000  }
0x11b: {  	[sflag:s12] =	ssyncset.done $0x0  }
0x11c: {  	p1 =	sne.s32 s26, $0x1;
	[sflag:s12] =	ssyncadd.s32 $0xFFFFC000  }
.Ltmp1:
0x11d: {  	_ =	swait.ge [sflag:s13], $0x4000;
	(pc) =	sbr.rel @!p1 .LBB2_3-.Ltmp1, $4  }
0x11e: {  	[sflag:s13] =	ssyncset.done $0x0  }
0x11f: {  	[sflag:s13] =	ssyncadd.s32 $0xFFFFC000  }
0x120: {  	p0 =	por $0x1, $0x1;
	_ =	swait.ge [sflag:s14], $0x4000  }
0x121: {  	s1 =	sadd.s32 $0xFFFFFFFF, s26;
	s0 =	rddreg [dreg:$0x4];
	[sflag:s14] =	ssyncset.done $0x0  }
.LBB2_4:
0x122: {  	[sflag:s14] =	ssyncadd.s32 $0xFFFFC000  }
0x123: {  	[tilespmem:s2], [sflag:$0xF] =	stream.linear.gather [hbm4b:s0+s2], $0xD00, $0x38;
	[tilespmem:$0x1D000] =	vst v63  }
0x124: {  	_ =	swait.ge [sflag:s31], $0xD00  }
0x125: {  	[sflag:s31] =	ssyncset.done $0x0  }
0x126: {  	[sflag:s31] =	ssyncadd.s32 $0xFFFFF300  }
0x127: {  	[tilespmem:s8], [sflag:$0x1] =	stream.indirect.gather [hbm4b:s3+s10], $0x80, s2, s10, $0xb8;
	[tilespmem:$0x1D000] =	vst v63  }
0x128: {  	s0 =	rddreg [dreg:$0x1e]  }
0x129: {  	[tilespmem:s7], [sflag:$0x2] =	stream.indirect.gather [hbm4b:s3+s10], $0x80, s10, s10, $0xb8;
	[tilespmem:$0x1D000] =	vst v63  }
0x12a: {  	s26 =	rddreg [dreg:$0x1f]  }
0x12b: {  	[tilespmem:s6], [sflag:$0x3] =	stream.indirect.gather [hbm4b:s3+s10], $0x80, s0, s10, $0xb8;
	[tilespmem:$0x1D000] =	vst v63  }
0x12c: {  	s0 =	sld [smem:$0x7EB]  }
0x12d: {  	[tilespmem:s5], [sflag:$0x4] =	stream.indirect.gather [hbm4b:s3+s10], $0x80, s26, s10, $0xb8;
	[tilespmem:$0x1D000] =	vst v63  }
0x12e: {  	s26 =	sld [smem:$0x7EC]  }
0x12f: {  	[tilespmem:s4], [sflag:$0x5] =	stream.indirect.gather [hbm4b:s3+s10], $0x80, s0, s10, $0xb8;
	[tilespmem:$0x1D000] =	vst v63  }
0x130: {  	s0 =	sld [smem:$0x7ED]  }
0x131: {  	[tilespmem:s22], [sflag:$0x6] =	stream.indirect.gather [hbm4b:s3+s10], $0x80, s26, s10, $0xb8;
	[tilespmem:$0x1D000] =	vst v63  }
0x132: {  	_ = 	snop  }
0x133: {  	[tilespmem:s20], [sflag:$0x7] =	stream.indirect.gather [hbm4b:s3+s10], $0x80, s0, s10, $0xb8;
	[tilespmem:$0x1D000] =	vst v63  }
0x134: {  	_ =	swait.ge [sflag:s19], $0x4000  }
0x135: {  	[sflag:s19] =	ssyncset.done $0x0  }
0x136: {  	[sflag:s19] =	ssyncadd.s32 $0xFFFFC000  }
0x137: {  	[hbm4b:s30+s2] =	stream.linear.scatter [tilespmem:s8], [sflag:$0x8], $0x4000, $0x38;
	[tilespmem:$0x1D000] =	vst v63  }
0x138: {  	_ =	swait.ge [sflag:s17], $0x4000  }
0x139: {  	[sflag:s17] =	ssyncset.done $0x0  }
0x13a: {  	s26 =	rddreg [dreg:$0x5];
	[sflag:s17] =	ssyncadd.s32 $0xFFFFC000  }
0x13b: {  	[hbm4b:s26+s2] =	stream.linear.scatter [tilespmem:s7], [sflag:$0x9], $0x4000, $0x38;
	[tilespmem:$0x1D000] =	vst v63  }
0x13c: {  	_ =	swait.ge [sflag:s15], $0x4000  }
0x13d: {  	[sflag:s15] =	ssyncset.done $0x0  }
0x13e: {  	s26 =	rddreg [dreg:$0x6];
	[sflag:s15] =	ssyncadd.s32 $0xFFFFC000  }
0x13f: {  	[hbm4b:s26+s2] =	stream.linear.scatter [tilespmem:s6], [sflag:$0xA], $0x4000, $0x38;
	[tilespmem:$0x1D000] =	vst v63  }
0x140: {  	_ =	swait.ge [sflag:s9], $0x4000  }
0x141: {  	s26 =	sld [smem:$0x7EE]  }
0x142: {  	[sflag:s9] =	ssyncset.done $0x0  }
0x143: {  	[sflag:s9] =	ssyncadd.s32 $0xFFFFC000  }
0x144: {  	[tilespmem:s8], [sflag:$0x1] =	stream.indirect.gather [hbm4b:s3+s10], $0x80, s26, s10, $0xb8;
	[tilespmem:$0x1D000] =	vst v63  }
0x145: {  	_ =	swait.ge [sflag:s16], $0x4000  }
0x146: {  	[sflag:s16] =	ssyncset.done $0x0  }
0x147: {  	s26 =	rddreg [dreg:$0x7];
	[sflag:s16] =	ssyncadd.s32 $0xFFFFC000  }
0x148: {  	[hbm4b:s26+s2] =	stream.linear.scatter [tilespmem:s5], [sflag:$0xB], $0x4000, $0x38;
	[tilespmem:$0x1D000] =	vst v63  }
0x149: {  	_ =	swait.ge [sflag:s11], $0x4000  }
0x14a: {  	s26 =	sld [smem:$0x7EF]  }
0x14b: {  	[sflag:s11] =	ssyncset.done $0x0  }
0x14c: {  	[sflag:s11] =	ssyncadd.s32 $0xFFFFC000  }
0x14d: {  	[tilespmem:s7], [sflag:$0x2] =	stream.indirect.gather [hbm4b:s3+s10], $0x80, s26, s10, $0xb8;
	[tilespmem:$0x1D000] =	vst v63  }
0x14e: {  	_ =	swait.ge [sflag:s18], $0x4000  }
0x14f: {  	[sflag:s18] =	ssyncset.done $0x0  }
0x150: {  	s26 =	rddreg [dreg:$0x8];
	[sflag:s18] =	ssyncadd.s32 $0xFFFFC000  }
0x151: {  	[hbm4b:s26+s2] =	stream.linear.scatter [tilespmem:s4], [sflag:$0xC], $0x4000, $0x38;
	[tilespmem:$0x1D000] =	vst v63  }
0x152: {  	_ =	swait.ge [sflag:s12], $0x4000  }
0x153: {  	s26 =	sld [smem:$0x7F0]  }
0x154: {  	[sflag:s12] =	ssyncset.done $0x0  }
0x155: {  	[sflag:s12] =	ssyncadd.s32 $0xFFFFC000  }
0x156: {  	[tilespmem:s6], [sflag:$0x3] =	stream.indirect.gather [hbm4b:s3+s10], $0x80, s26, s10, $0xb8;
	[tilespmem:$0x1D000] =	vst v63  }
0x157: {  	_ =	swait.ge [sflag:s25], $0x4000  }
0x158: {  	[sflag:s25] =	ssyncset.done $0x0  }
0x159: {  	s26 =	rddreg [dreg:$0x9];
	[sflag:s25] =	ssyncadd.s32 $0xFFFFC000  }
0x15a: {  	[hbm4b:s26+s2] =	stream.linear.scatter [tilespmem:s22], [sflag:$0xD], $0x4000, $0x38;
	[tilespmem:$0x1D000] =	vst v63  }
0x15b: {  	_ =	swait.ge [sflag:s13], $0x4000  }
0x15c: {  	s26 =	sld [smem:$0x7F1]  }
0x15d: {  	[sflag:s13] =	ssyncset.done $0x0  }
0x15e: {  	[sflag:s13] =	ssyncadd.s32 $0xFFFFC000  }
0x15f: {  	[tilespmem:s5], [sflag:$0x4] =	stream.indirect.gather [hbm4b:s3+s10], $0x80, s26, s10, $0xb8;
	[tilespmem:$0x1D000] =	vst v63  }
0x160: {  	_ =	swait.ge [sflag:s24], $0x4000  }
0x161: {  	[sflag:s24] =	ssyncset.done $0x0  }
0x162: {  	s26 =	rddreg [dreg:$0xa];
	[sflag:s24] =	ssyncadd.s32 $0xFFFFC000  }
0x163: {  	[hbm4b:s26+s2] =	stream.linear.scatter [tilespmem:s20], [sflag:$0xE], $0x4000, $0x38;
	[tilespmem:$0x1D000] =	vst v63  }
0x164: {  	_ =	swait.ge [sflag:s14], $0x4000  }
0x165: {  	s26 =	sld [smem:$0x7F2]  }
0x166: {  	[sflag:s14] =	ssyncset.done $0x0  }
0x167: {  	[sflag:s14] =	ssyncadd.s32 $0xFFFFC000  }
0x168: {  	[tilespmem:s4], [sflag:$0x5] =	stream.indirect.gather [hbm4b:s3+s10], $0x80, s26, s10, $0xb8;
	[tilespmem:$0x1D000] =	vst v63  }
0x169: {  	_ =	swait.ge [sflag:s19], $0x4000  }
0x16a: {  	[sflag:s19] =	ssyncset.done $0x0  }
0x16b: {  	s26 =	rddreg [dreg:$0xb];
	[sflag:s19] =	ssyncadd.s32 $0xFFFFC000  }
0x16c: {  	[hbm4b:s26+s2] =	stream.linear.scatter [tilespmem:s8], [sflag:$0x8], $0x4000, $0x38;
	[tilespmem:$0x1D000] =	vst v63  }
0x16d: {  	_ =	swait.ge [sflag:s23], $0x4000  }
0x16e: {  	s26 =	sld [smem:$0x7F3]  }
0x16f: {  	[sflag:s23] =	ssyncset.done $0x0  }
0x170: {  	[sflag:s23] =	ssyncadd.s32 $0xFFFFC000  }
0x171: {  	[tilespmem:s22], [sflag:$0x6] =	stream.indirect.gather [hbm4b:s3+s10], $0x80, s26, s10, $0xb8;
	[tilespmem:$0x1D000] =	vst v63  }
0x172: {  	_ =	swait.ge [sflag:s17], $0x4000  }
0x173: {  	[sflag:s17] =	ssyncset.done $0x0  }
0x174: {  	s26 =	rddreg [dreg:$0xc];
	[sflag:s17] =	ssyncadd.s32 $0xFFFFC000  }
0x175: {  	[hbm4b:s26+s2] =	stream.linear.scatter [tilespmem:s7], [sflag:$0x9], $0x4000, $0x38;
	[tilespmem:$0x1D000] =	vst v63  }
0x176: {  	_ =	swait.ge [sflag:s21], $0x4000  }
0x177: {  	s26 =	sld [smem:$0x7F4]  }
0x178: {  	[sflag:s21] =	ssyncset.done $0x0  }
0x179: {  	[sflag:s21] =	ssyncadd.s32 $0xFFFFC000  }
0x17a: {  	[tilespmem:s20], [sflag:$0x7] =	stream.indirect.gather [hbm4b:s3+s10], $0x80, s26, s10, $0xb8;
	[tilespmem:$0x1D000] =	vst v63  }
0x17b: {  	_ =	swait.ge [sflag:s15], $0x4000  }
0x17c: {  	[sflag:s15] =	ssyncset.done $0x0  }
0x17d: {  	s26 =	rddreg [dreg:$0xd];
	[sflag:s15] =	ssyncadd.s32 $0xFFFFC000  }
0x17e: {  	[hbm4b:s26+s2] =	stream.linear.scatter [tilespmem:s6], [sflag:$0xA], $0x4000, $0x38;
	[tilespmem:$0x1D000] =	vst v63  }
0x17f: {  	_ =	swait.ge [sflag:s9], $0x4000  }
0x180: {  	s26 =	sld [smem:$0x7F5]  }
0x181: {  	[sflag:s9] =	ssyncset.done $0x0  }
0x182: {  	[sflag:s9] =	ssyncadd.s32 $0xFFFFC000  }
0x183: {  	[tilespmem:s8], [sflag:$0x1] =	stream.indirect.gather [hbm4b:s3+s10], $0x80, s26, s10, $0xb8;
	[tilespmem:$0x1D000] =	vst v63  }
0x184: {  	_ =	swait.ge [sflag:s16], $0x4000  }
0x185: {  	[sflag:s16] =	ssyncset.done $0x0  }
0x186: {  	s26 =	rddreg [dreg:$0xe];
	[sflag:s16] =	ssyncadd.s32 $0xFFFFC000  }
0x187: {  	[hbm4b:s26+s2] =	stream.linear.scatter [tilespmem:s5], [sflag:$0xB], $0x4000, $0x38;
	[tilespmem:$0x1D000] =	vst v63  }
0x188: {  	_ =	swait.ge [sflag:s11], $0x4000  }
0x189: {  	s26 =	sld [smem:$0x7F6]  }
0x18a: {  	[sflag:s11] =	ssyncset.done $0x0  }
0x18b: {  	[sflag:s11] =	ssyncadd.s32 $0xFFFFC000  }
0x18c: {  	[tilespmem:s7], [sflag:$0x2] =	stream.indirect.gather [hbm4b:s3+s10], $0x80, s26, s10, $0xb8;
	[tilespmem:$0x1D000] =	vst v63  }
0x18d: {  	_ =	swait.ge [sflag:s18], $0x4000  }
0x18e: {  	[sflag:s18] =	ssyncset.done $0x0  }
0x18f: {  	s26 =	rddreg [dreg:$0xf];
	[sflag:s18] =	ssyncadd.s32 $0xFFFFC000  }
0x190: {  	[hbm4b:s26+s2] =	stream.linear.scatter [tilespmem:s4], [sflag:$0xC], $0x4000, $0x38;
	[tilespmem:$0x1D000] =	vst v63  }
0x191: {  	_ =	swait.ge [sflag:s12], $0x4000  }
0x192: {  	s26 =	sld [smem:$0x7F7]  }
0x193: {  	[sflag:s12] =	ssyncset.done $0x0  }
0x194: {  	[sflag:s12] =	ssyncadd.s32 $0xFFFFC000  }
0x195: {  	[tilespmem:s6], [sflag:$0x3] =	stream.indirect.gather [hbm4b:s3+s10], $0x80, s26, s10, $0xb8;
	[tilespmem:$0x1D000] =	vst v63  }
0x196: {  	_ =	swait.ge [sflag:s25], $0x4000  }
0x197: {  	[sflag:s25] =	ssyncset.done $0x0  }
0x198: {  	s26 =	rddreg [dreg:$0x10];
	[sflag:s25] =	ssyncadd.s32 $0xFFFFC000  }
0x199: {  	[hbm4b:s26+s2] =	stream.linear.scatter [tilespmem:s22], [sflag:$0xD], $0x4000, $0x38;
	[tilespmem:$0x1D000] =	vst v63  }
0x19a: {  	_ =	swait.ge [sflag:s13], $0x4000  }
0x19b: {  	s26 =	sld [smem:$0x7F8]  }
0x19c: {  	[sflag:s13] =	ssyncset.done $0x0  }
0x19d: {  	[sflag:s13] =	ssyncadd.s32 $0xFFFFC000  }
0x19e: {  	[tilespmem:s5], [sflag:$0x4] =	stream.indirect.gather [hbm4b:s3+s10], $0x80, s26, s10, $0xb8;
	[tilespmem:$0x1D000] =	vst v63  }
0x19f: {  	_ =	swait.ge [sflag:s24], $0x4000  }
0x1a0: {  	[sflag:s24] =	ssyncset.done $0x0  }
0x1a1: {  	s26 =	rddreg [dreg:$0x11];
	[sflag:s24] =	ssyncadd.s32 $0xFFFFC000  }
0x1a2: {  	[hbm4b:s26+s2] =	stream.linear.scatter [tilespmem:s20], [sflag:$0xE], $0x4000, $0x38;
	[tilespmem:$0x1D000] =	vst v63  }
0x1a3: {  	_ =	swait.ge [sflag:s14], $0x4000  }
0x1a4: {  	s26 =	sld [smem:$0x7F9]  }
0x1a5: {  	[sflag:s14] =	ssyncset.done $0x0  }
0x1a6: {  	[sflag:s14] =	ssyncadd.s32 $0xFFFFC000  }
0x1a7: {  	[tilespmem:s4], [sflag:$0x5] =	stream.indirect.gather [hbm4b:s3+s10], $0x80, s26, s10, $0xb8;
	[tilespmem:$0x1D000] =	vst v63  }
0x1a8: {  	_ =	swait.ge [sflag:s19], $0x4000  }
0x1a9: {  	[sflag:s19] =	ssyncset.done $0x0  }
0x1aa: {  	s26 =	rddreg [dreg:$0x12];
	[sflag:s19] =	ssyncadd.s32 $0xFFFFC000  }
0x1ab: {  	[hbm4b:s26+s2] =	stream.linear.scatter [tilespmem:s8], [sflag:$0x8], $0x4000, $0x38;
	[tilespmem:$0x1D000] =	vst v63  }
0x1ac: {  	_ =	swait.ge [sflag:s23], $0x4000  }
0x1ad: {  	s26 =	sld [smem:$0x7FA]  }
0x1ae: {  	[sflag:s23] =	ssyncset.done $0x0  }
0x1af: {  	[sflag:s23] =	ssyncadd.s32 $0xFFFFC000  }
0x1b0: {  	[tilespmem:s22], [sflag:$0x6] =	stream.indirect.gather [hbm4b:s3+s10], $0x80, s26, s10, $0xb8;
	[tilespmem:$0x1D000] =	vst v63  }
0x1b1: {  	_ =	swait.ge [sflag:s17], $0x4000  }
0x1b2: {  	[sflag:s17] =	ssyncset.done $0x0  }
0x1b3: {  	s26 =	rddreg [dreg:$0x13];
	[sflag:s17] =	ssyncadd.s32 $0xFFFFC000  }
0x1b4: {  	[hbm4b:s26+s2] =	stream.linear.scatter [tilespmem:s7], [sflag:$0x9], $0x4000, $0x38;
	[tilespmem:$0x1D000] =	vst v63  }
0x1b5: {  	_ =	swait.ge [sflag:s21], $0x4000  }
0x1b6: {  	s26 =	sld [smem:$0x7FB]  }
0x1b7: {  	[sflag:s21] =	ssyncset.done $0x0  }
0x1b8: {  	[sflag:s21] =	ssyncadd.s32 $0xFFFFC000  }
0x1b9: {  	[tilespmem:s20], [sflag:$0x7] =	stream.indirect.gather [hbm4b:s3+s10], $0x80, s26, s10, $0xb8;
	[tilespmem:$0x1D000] =	vst v63  }
0x1ba: {  	_ =	swait.ge [sflag:s15], $0x4000  }
0x1bb: {  	[sflag:s15] =	ssyncset.done $0x0  }
0x1bc: {  	s26 =	rddreg [dreg:$0x14];
	[sflag:s15] =	ssyncadd.s32 $0xFFFFC000  }
0x1bd: {  	[hbm4b:s26+s2] =	stream.linear.scatter [tilespmem:s6], [sflag:$0xA], $0x4000, $0x38;
	[tilespmem:$0x1D000] =	vst v63  }
0x1be: {  	_ =	swait.ge [sflag:s9], $0x4000  }
0x1bf: {  	s26 =	sld [smem:$0x7FC]  }
0x1c0: {  	[sflag:s9] =	ssyncset.done $0x0  }
0x1c1: {  	[sflag:s9] =	ssyncadd.s32 $0xFFFFC000  }
0x1c2: {  	[tilespmem:s8], [sflag:$0x1] =	stream.indirect.gather [hbm4b:s3+s10], $0x80, s26, s10, $0xb8;
	[tilespmem:$0x1D000] =	vst v63  }
0x1c3: {  	_ =	swait.ge [sflag:s16], $0x4000  }
0x1c4: {  	[sflag:s16] =	ssyncset.done $0x0  }
0x1c5: {  	s26 =	rddreg [dreg:$0x15];
	[sflag:s16] =	ssyncadd.s32 $0xFFFFC000  }
0x1c6: {  	[hbm4b:s26+s2] =	stream.linear.scatter [tilespmem:s5], [sflag:$0xB], $0x4000, $0x38;
	[tilespmem:$0x1D000] =	vst v63  }
0x1c7: {  	_ =	swait.ge [sflag:s11], $0x4000  }
0x1c8: {  	s26 =	sld [smem:$0x7FD]  }
0x1c9: {  	[sflag:s11] =	ssyncset.done $0x0  }
0x1ca: {  	[sflag:s11] =	ssyncadd.s32 $0xFFFFC000  }
0x1cb: {  	[tilespmem:s7], [sflag:$0x2] =	stream.indirect.gather [hbm4b:s3+s10], $0x80, s26, s10, $0xb8;
	[tilespmem:$0x1D000] =	vst v63  }
0x1cc: {  	_ =	swait.ge [sflag:s18], $0x4000  }
0x1cd: {  	[sflag:s18] =	ssyncset.done $0x0  }
0x1ce: {  	s26 =	rddreg [dreg:$0x16];
	[sflag:s18] =	ssyncadd.s32 $0xFFFFC000  }
0x1cf: {  	[hbm4b:s26+s2] =	stream.linear.scatter [tilespmem:s4], [sflag:$0xC], $0x4000, $0x38;
	[tilespmem:$0x1D000] =	vst v63  }
0x1d0: {  	_ =	swait.ge [sflag:s12], $0x4000  }
0x1d1: {  	[sflag:s12] =	ssyncset.done $0x0  }
0x1d2: {  	s26 =	simm.s32 $0xB80;
	[sflag:s12] =	ssyncadd.s32 $0xFFFFC000  }
0x1d3: {  	[tilespmem:s6], [sflag:$0x3] =	stream.indirect.gather [hbm4b:s3+s10], $0x80, s26, s10, $0xb8;
	[tilespmem:$0x1D000] =	vst v63  }
0x1d4: {  	_ =	swait.ge [sflag:s25], $0x4000  }
0x1d5: {  	[sflag:s25] =	ssyncset.done $0x0  }
0x1d6: {  	s26 =	rddreg [dreg:$0x17];
	[sflag:s25] =	ssyncadd.s32 $0xFFFFC000  }
0x1d7: {  	[hbm4b:s26+s2] =	stream.linear.scatter [tilespmem:s22], [sflag:$0xD], $0x4000, $0x38;
	[tilespmem:$0x1D000] =	vst v63  }
0x1d8: {  	_ =	swait.ge [sflag:s13], $0x4000  }
0x1d9: {  	[sflag:s13] =	ssyncset.done $0x0  }
0x1da: {  	[sflag:s13] =	ssyncadd.s32 $0xFFFFC000  }
0x1db: {  	[tilespmem:s5], [sflag:$0x4] =	stream.indirect.gather [hbm4b:s3+s10], $0x80, s29, s10, $0xb8;
	[tilespmem:$0x1D000] =	vst v63  }
0x1dc: {  	_ =	swait.ge [sflag:s24], $0x4000  }
0x1dd: {  	[sflag:s24] =	ssyncset.done $0x0  }
0x1de: {  	s26 =	rddreg [dreg:$0x18];
	[sflag:s24] =	ssyncadd.s32 $0xFFFFC000  }
0x1df: {  	[hbm4b:s26+s2] =	stream.linear.scatter [tilespmem:s20], [sflag:$0xE], $0x4000, $0x38;
	[tilespmem:$0x1D000] =	vst v63  }
0x1e0: {  	_ =	swait.ge [sflag:s14], $0x4000  }
0x1e1: {  	[sflag:s14] =	ssyncset.done $0x0  }
0x1e2: {  	[sflag:s14] =	ssyncadd.s32 $0xFFFFC000  }
0x1e3: {  	[tilespmem:s4], [sflag:$0x5] =	stream.indirect.gather [hbm4b:s3+s10], $0x80, s28, s10, $0xb8;
	[tilespmem:$0x1D000] =	vst v63  }
0x1e4: {  	_ =	swait.ge [sflag:s19], $0x4000  }
0x1e5: {  	[sflag:s19] =	ssyncset.done $0x0  }
0x1e6: {  	s26 =	rddreg [dreg:$0x19];
	[sflag:s19] =	ssyncadd.s32 $0xFFFFC000  }
0x1e7: {  	[hbm4b:s26+s2] =	stream.linear.scatter [tilespmem:s8], [sflag:$0x8], $0x4000, $0x38;
	[tilespmem:$0x1D000] =	vst v63  }
0x1e8: {  	_ =	swait.ge [sflag:s17], $0x4000  }
0x1e9: {  	[sflag:s17] =	ssyncset.done $0x0  }
0x1ea: {  	s26 =	rddreg [dreg:$0x1a];
	[sflag:s17] =	ssyncadd.s32 $0xFFFFC000  }
0x1eb: {  	[hbm4b:s26+s2] =	stream.linear.scatter [tilespmem:s7], [sflag:$0x9], $0x4000, $0x38;
	[tilespmem:$0x1D000] =	vst v63  }
0x1ec: {  	_ =	swait.ge [sflag:s15], $0x4000  }
0x1ed: {  	[sflag:s15] =	ssyncset.done $0x0  }
0x1ee: {  	s26 =	rddreg [dreg:$0x1b];
	[sflag:s15] =	ssyncadd.s32 $0xFFFFC000  }
0x1ef: {  	[hbm4b:s26+s2] =	stream.linear.scatter [tilespmem:s6], [sflag:$0xA], $0x4000, $0x38;
	[tilespmem:$0x1D000] =	vst v63  }
0x1f0: {  	_ =	swait.ge [sflag:s16], $0x4000  }
0x1f1: {  	[sflag:s16] =	ssyncset.done $0x0  }
0x1f2: {  	s26 =	rddreg [dreg:$0x1c];
	[sflag:s16] =	ssyncadd.s32 $0xFFFFC000  }
0x1f3: {  	[hbm4b:s26+s2] =	stream.linear.scatter [tilespmem:s5], [sflag:$0xB], $0x4000, $0x38;
	[tilespmem:$0x1D000] =	vst v63  }
0x1f4: {  	_ =	swait.ge [sflag:s18], $0x4000  }
0x1f5: {  	[sflag:s18] =	ssyncset.done $0x0  }
0x1f6: {  	s26 =	rddreg [dreg:$0x1d];
	[sflag:s18] =	ssyncadd.s32 $0xFFFFC000  }
0x1f7: {  	[hbm4b:s26+s2] =	stream.linear.scatter [tilespmem:s4], [sflag:$0xC], $0x4000, $0x38;
	[tilespmem:$0x1D000] =	vst v63  }
0x1f8: {  	_ =	swait.ge [sflag:s23], $0x4000  }
0x1f9: {  	[sflag:s23] =	ssyncset.done $0x0  }
0x1fa: {  	[sflag:s23] =	ssyncadd.s32 $0xFFFFC000  }
0x1fb: {  	_ =	swait.ge [sflag:s21], $0x4000  }
0x1fc: {  	[sflag:s21] =	ssyncset.done $0x0  }
0x1fd: {  	[sflag:s21] =	ssyncadd.s32 $0xFFFFC000  }
0x1fe: {  	_ =	swait.ge [sflag:s9], $0x4000  }
0x1ff: {  	[sflag:s9] =	ssyncset.done $0x0  }
0x200: {  	[sflag:s9] =	ssyncadd.s32 $0xFFFFC000  }
0x201: {  	_ =	swait.ge [sflag:s11], $0x4000  }
0x202: {  	[sflag:s11] =	ssyncset.done $0x0  }
0x203: {  	[sflag:s11] =	ssyncadd.s32 $0xFFFFC000  }
0x204: {  	_ =	swait.ge [sflag:s12], $0x4000  }
0x205: {  	[sflag:s12] =	ssyncset.done $0x0  }
0x206: {  	p1 =	sne.s32 s1, $0x1;
	[sflag:s12] =	ssyncadd.s32 $0xFFFFC000  }
.Ltmp2:
0x207: {  	_ =	swait.ge [sflag:s13], $0x4000;
	(pc) =	sbr.rel @p1 .LBB2_4-.Ltmp2, $4  }
0x208: {  	[sflag:s13] =	ssyncset.done $0x0  }
0x209: {  	[sflag:s13] =	ssyncadd.s32 $0xFFFFC000  }
0x20a: {  	_ =	swait.ge [sflag:s14], $0x4000  }
0x20b: {  	s1 =	sadd.s32 $0xFFFFFFFF, s1;
	s0 =	rddreg [dreg:$0x4];
	[sflag:s14] =	ssyncset.done $0x0  }
0x20c: {  	s28 =	simm.s32 $0xB80;
	s29 =	simm.s32 $0xC00;
	s26 =	stileid.u32  }
.LBB2_6:
0x20d: {  	[sflag:s14] =	ssyncadd.s32 @p0 $0xFFFFC000  }
0x20e: {  	[tilespmem:s2], [sflag:$0xF] =	stream.linear.gather [hbm4b:s0+s2], $0xD00, $0x38;
	[tilespmem:$0x1D000] =	vst v63  }
0x20f: {  	_ =	swait.ge [sflag:s31], $0xD00  }
0x210: {  	[sflag:s31] =	ssyncset.done $0x0  }
0x211: {  	[sflag:s31] =	ssyncadd.s32 $0xFFFFF300  }
0x212: {  	[tilespmem:s8], [sflag:$0x1] =	stream.indirect.gather [hbm4b:s3+s10], $0x80, s2, s10, $0xb8;
	[tilespmem:$0x1D000] =	vst v63  }
0x213: {  	s1 =	rddreg [dreg:$0x1f]  }
0x214: {  	[tilespmem:s7], [sflag:$0x2] =	stream.indirect.gather [hbm4b:s3+s10], $0x80, s10, s10, $0xb8;
	[tilespmem:$0x1D000] =	vst v63  }
0x215: {  	s31 =	rddreg [dreg:$0x1e]  }
0x216: {  	[tilespmem:s6], [sflag:$0x3] =	stream.indirect.gather [hbm4b:s3+s10], $0x80, s31, s10, $0xb8;
	[tilespmem:$0x1D000] =	vst v63  }
0x217: {  	s31 =	sld [smem:$0x7EB]  }
0x218: {  	[tilespmem:s5], [sflag:$0x4] =	stream.indirect.gather [hbm4b:s3+s10], $0x80, s1, s10, $0xb8;
	[tilespmem:$0x1D000] =	vst v63  }
0x219: {  	s1 =	sld [smem:$0x7EC]  }
0x21a: {  	[tilespmem:s4], [sflag:$0x5] =	stream.indirect.gather [hbm4b:s3+s10], $0x80, s31, s10, $0xb8;
	[tilespmem:$0x1D000] =	vst v63  }
0x21b: {  	s31 =	sld [smem:$0x7ED]  }
0x21c: {  	[tilespmem:s22], [sflag:$0x6] =	stream.indirect.gather [hbm4b:s3+s10], $0x80, s1, s10, $0xb8;
	[tilespmem:$0x1D000] =	vst v63  }
0x21d: {  	_ = 	snop  }
0x21e: {  	[tilespmem:s20], [sflag:$0x7] =	stream.indirect.gather [hbm4b:s3+s10], $0x80, s31, s10, $0xb8;
	[tilespmem:$0x1D000] =	vst v63  }
0x21f: {  	_ =	swait.ge [sflag:s19], $0x4000  }
0x220: {  	[sflag:s19] =	ssyncset.done $0x0  }
0x221: {  	[sflag:s19] =	ssyncadd.s32 $0xFFFFC000  }
0x222: {  	[hbm4b:s30+s2] =	stream.linear.scatter [tilespmem:s8], [sflag:$0x8], $0x4000, $0x38;
	[tilespmem:$0x1D000] =	vst v63  }
0x223: {  	_ =	swait.ge [sflag:s17], $0x4000  }
0x224: {  	[sflag:s17] =	ssyncset.done $0x0  }
0x225: {  	s31 =	rddreg [dreg:$0x5];
	[sflag:s17] =	ssyncadd.s32 $0xFFFFC000  }
0x226: {  	[hbm4b:s31+s2] =	stream.linear.scatter [tilespmem:s7], [sflag:$0x9], $0x4000, $0x38;
	[tilespmem:$0x1D000] =	vst v63  }
0x227: {  	_ =	swait.ge [sflag:s15], $0x4000  }
0x228: {  	[sflag:s15] =	ssyncset.done $0x0  }
0x229: {  	s1 =	rddreg [dreg:$0x6];
	[sflag:s15] =	ssyncadd.s32 $0xFFFFC000  }
0x22a: {  	[hbm4b:s1+s2] =	stream.linear.scatter [tilespmem:s6], [sflag:$0xA], $0x4000, $0x38;
	[tilespmem:$0x1D000] =	vst v63  }
0x22b: {  	_ =	swait.ge [sflag:s9], $0x4000  }
0x22c: {  	s30 =	sld [smem:$0x7EE]  }
0x22d: {  	[sflag:s9] =	ssyncset.done $0x0  }
0x22e: {  	[sflag:s9] =	ssyncadd.s32 $0xFFFFC000  }
0x22f: {  	[tilespmem:s8], [sflag:$0x1] =	stream.indirect.gather [hbm4b:s3+s10], $0x80, s30, s10, $0xb8;
	[tilespmem:$0x1D000] =	vst v63  }
0x230: {  	_ =	swait.ge [sflag:s16], $0x4000  }
0x231: {  	[sflag:s16] =	ssyncset.done $0x0  }
0x232: {  	s31 =	rddreg [dreg:$0x7];
	[sflag:s16] =	ssyncadd.s32 $0xFFFFC000  }
0x233: {  	[hbm4b:s31+s2] =	stream.linear.scatter [tilespmem:s5], [sflag:$0xB], $0x4000, $0x38;
	[tilespmem:$0x1D000] =	vst v63  }
0x234: {  	_ =	swait.ge [sflag:s11], $0x4000  }
0x235: {  	s1 =	sld [smem:$0x7EF]  }
0x236: {  	[sflag:s11] =	ssyncset.done $0x0  }
0x237: {  	[sflag:s11] =	ssyncadd.s32 $0xFFFFC000  }
0x238: {  	[tilespmem:s7], [sflag:$0x2] =	stream.indirect.gather [hbm4b:s3+s10], $0x80, s1, s10, $0xb8;
	[tilespmem:$0x1D000] =	vst v63  }
0x239: {  	_ =	swait.ge [sflag:s18], $0x4000  }
0x23a: {  	[sflag:s18] =	ssyncset.done $0x0  }
0x23b: {  	s30 =	rddreg [dreg:$0x8];
	[sflag:s18] =	ssyncadd.s32 $0xFFFFC000  }
0x23c: {  	[hbm4b:s30+s2] =	stream.linear.scatter [tilespmem:s4], [sflag:$0xC], $0x4000, $0x38;
	[tilespmem:$0x1D000] =	vst v63  }
0x23d: {  	_ =	swait.ge [sflag:s12], $0x4000  }
0x23e: {  	s31 =	sld [smem:$0x7F0]  }
0x23f: {  	[sflag:s12] =	ssyncset.done $0x0  }
0x240: {  	[sflag:s12] =	ssyncadd.s32 $0xFFFFC000  }
0x241: {  	[tilespmem:s6], [sflag:$0x3] =	stream.indirect.gather [hbm4b:s3+s10], $0x80, s31, s10, $0xb8;
	[tilespmem:$0x1D000] =	vst v63  }
0x242: {  	_ =	swait.ge [sflag:s25], $0x4000  }
0x243: {  	[sflag:s25] =	ssyncset.done $0x0  }
0x244: {  	s1 =	rddreg [dreg:$0x9];
	[sflag:s25] =	ssyncadd.s32 $0xFFFFC000  }
0x245: {  	[hbm4b:s1+s2] =	stream.linear.scatter [tilespmem:s22], [sflag:$0xD], $0x4000, $0x38;
	[tilespmem:$0x1D000] =	vst v63  }
0x246: {  	_ =	swait.ge [sflag:s13], $0x4000  }
0x247: {  	s30 =	sld [smem:$0x7F1]  }
0x248: {  	[sflag:s13] =	ssyncset.done $0x0  }
0x249: {  	[sflag:s13] =	ssyncadd.s32 $0xFFFFC000  }
0x24a: {  	[tilespmem:s5], [sflag:$0x4] =	stream.indirect.gather [hbm4b:s3+s10], $0x80, s30, s10, $0xb8;
	[tilespmem:$0x1D000] =	vst v63  }
0x24b: {  	_ =	swait.ge [sflag:s24], $0x4000  }
0x24c: {  	[sflag:s24] =	ssyncset.done $0x0  }
0x24d: {  	s31 =	rddreg [dreg:$0xa];
	[sflag:s24] =	ssyncadd.s32 $0xFFFFC000  }
0x24e: {  	[hbm4b:s31+s2] =	stream.linear.scatter [tilespmem:s20], [sflag:$0xE], $0x4000, $0x38;
	[tilespmem:$0x1D000] =	vst v63  }
0x24f: {  	_ =	swait.ge [sflag:s14], $0x4000  }
0x250: {  	s1 =	sld [smem:$0x7F2]  }
0x251: {  	[sflag:s14] =	ssyncset.done $0x0  }
0x252: {  	[sflag:s14] =	ssyncadd.s32 $0xFFFFC000  }
0x253: {  	[tilespmem:s4], [sflag:$0x5] =	stream.indirect.gather [hbm4b:s3+s10], $0x80, s1, s10, $0xb8;
	[tilespmem:$0x1D000] =	vst v63  }
0x254: {  	_ =	swait.ge [sflag:s19], $0x4000  }
0x255: {  	[sflag:s19] =	ssyncset.done $0x0  }
0x256: {  	s30 =	rddreg [dreg:$0xb];
	[sflag:s19] =	ssyncadd.s32 $0xFFFFC000  }
0x257: {  	[hbm4b:s30+s2] =	stream.linear.scatter [tilespmem:s8], [sflag:$0x8], $0x4000, $0x38;
	[tilespmem:$0x1D000] =	vst v63  }
0x258: {  	_ =	swait.ge [sflag:s23], $0x4000  }
0x259: {  	s31 =	sld [smem:$0x7F3]  }
0x25a: {  	[sflag:s23] =	ssyncset.done $0x0  }
0x25b: {  	[sflag:s23] =	ssyncadd.s32 $0xFFFFC000  }
0x25c: {  	[tilespmem:s22], [sflag:$0x6] =	stream.indirect.gather [hbm4b:s3+s10], $0x80, s31, s10, $0xb8;
	[tilespmem:$0x1D000] =	vst v63  }
0x25d: {  	_ =	swait.ge [sflag:s17], $0x4000  }
0x25e: {  	[sflag:s17] =	ssyncset.done $0x0  }
0x25f: {  	s1 =	rddreg [dreg:$0xc];
	[sflag:s17] =	ssyncadd.s32 $0xFFFFC000  }
0x260: {  	[hbm4b:s1+s2] =	stream.linear.scatter [tilespmem:s7], [sflag:$0x9], $0x4000, $0x38;
	[tilespmem:$0x1D000] =	vst v63  }
0x261: {  	_ =	swait.ge [sflag:s21], $0x4000  }
0x262: {  	s30 =	sld [smem:$0x7F4]  }
0x263: {  	[sflag:s21] =	ssyncset.done $0x0  }
0x264: {  	[sflag:s21] =	ssyncadd.s32 $0xFFFFC000  }
0x265: {  	[tilespmem:s20], [sflag:$0x7] =	stream.indirect.gather [hbm4b:s3+s10], $0x80, s30, s10, $0xb8;
	[tilespmem:$0x1D000] =	vst v63  }
0x266: {  	_ =	swait.ge [sflag:s15], $0x4000  }
0x267: {  	[sflag:s15] =	ssyncset.done $0x0  }
0x268: {  	s31 =	rddreg [dreg:$0xd];
	[sflag:s15] =	ssyncadd.s32 $0xFFFFC000  }
0x269: {  	[hbm4b:s31+s2] =	stream.linear.scatter [tilespmem:s6], [sflag:$0xA], $0x4000, $0x38;
	[tilespmem:$0x1D000] =	vst v63  }
0x26a: {  	_ =	swait.ge [sflag:s9], $0x4000  }
0x26b: {  	s1 =	sld [smem:$0x7F5]  }
0x26c: {  	[sflag:s9] =	ssyncset.done $0x0  }
0x26d: {  	[sflag:s9] =	ssyncadd.s32 $0xFFFFC000  }
0x26e: {  	[tilespmem:s8], [sflag:$0x1] =	stream.indirect.gather [hbm4b:s3+s10], $0x80, s1, s10, $0xb8;
	[tilespmem:$0x1D000] =	vst v63  }
0x26f: {  	_ =	swait.ge [sflag:s16], $0x4000  }
0x270: {  	[sflag:s16] =	ssyncset.done $0x0  }
0x271: {  	s30 =	rddreg [dreg:$0xe];
	[sflag:s16] =	ssyncadd.s32 $0xFFFFC000  }
0x272: {  	[hbm4b:s30+s2] =	stream.linear.scatter [tilespmem:s5], [sflag:$0xB], $0x4000, $0x38;
	[tilespmem:$0x1D000] =	vst v63  }
0x273: {  	_ =	swait.ge [sflag:s11], $0x4000  }
0x274: {  	s31 =	sld [smem:$0x7F6]  }
0x275: {  	[sflag:s11] =	ssyncset.done $0x0  }
0x276: {  	[sflag:s11] =	ssyncadd.s32 $0xFFFFC000  }
0x277: {  	[tilespmem:s7], [sflag:$0x2] =	stream.indirect.gather [hbm4b:s3+s10], $0x80, s31, s10, $0xb8;
	[tilespmem:$0x1D000] =	vst v63  }
0x278: {  	_ =	swait.ge [sflag:s18], $0x4000  }
0x279: {  	[sflag:s18] =	ssyncset.done $0x0  }
0x27a: {  	s1 =	rddreg [dreg:$0xf];
	[sflag:s18] =	ssyncadd.s32 $0xFFFFC000  }
0x27b: {  	[hbm4b:s1+s2] =	stream.linear.scatter [tilespmem:s4], [sflag:$0xC], $0x4000, $0x38;
	[tilespmem:$0x1D000] =	vst v63  }
0x27c: {  	_ =	swait.ge [sflag:s12], $0x4000  }
0x27d: {  	s30 =	sld [smem:$0x7F7]  }
0x27e: {  	[sflag:s12] =	ssyncset.done $0x0  }
0x27f: {  	[sflag:s12] =	ssyncadd.s32 $0xFFFFC000  }
0x280: {  	[tilespmem:s6], [sflag:$0x3] =	stream.indirect.gather [hbm4b:s3+s10], $0x80, s30, s10, $0xb8;
	[tilespmem:$0x1D000] =	vst v63  }
0x281: {  	_ =	swait.ge [sflag:s25], $0x4000  }
0x282: {  	[sflag:s25] =	ssyncset.done $0x0  }
0x283: {  	s31 =	rddreg [dreg:$0x10];
	[sflag:s25] =	ssyncadd.s32 $0xFFFFC000  }
0x284: {  	[hbm4b:s31+s2] =	stream.linear.scatter [tilespmem:s22], [sflag:$0xD], $0x4000, $0x38;
	[tilespmem:$0x1D000] =	vst v63  }
0x285: {  	_ =	swait.ge [sflag:s13], $0x4000  }
0x286: {  	s1 =	sld [smem:$0x7F8]  }
0x287: {  	[sflag:s13] =	ssyncset.done $0x0  }
0x288: {  	[sflag:s13] =	ssyncadd.s32 $0xFFFFC000  }
0x289: {  	[tilespmem:s5], [sflag:$0x4] =	stream.indirect.gather [hbm4b:s3+s10], $0x80, s1, s10, $0xb8;
	[tilespmem:$0x1D000] =	vst v63  }
0x28a: {  	_ =	swait.ge [sflag:s24], $0x4000  }
0x28b: {  	[sflag:s24] =	ssyncset.done $0x0  }
0x28c: {  	s30 =	rddreg [dreg:$0x11];
	[sflag:s24] =	ssyncadd.s32 $0xFFFFC000  }
0x28d: {  	[hbm4b:s30+s2] =	stream.linear.scatter [tilespmem:s20], [sflag:$0xE], $0x4000, $0x38;
	[tilespmem:$0x1D000] =	vst v63  }
0x28e: {  	_ =	swait.ge [sflag:s14], $0x4000  }
0x28f: {  	s31 =	sld [smem:$0x7F9]  }
0x290: {  	[sflag:s14] =	ssyncset.done $0x0  }
0x291: {  	[sflag:s14] =	ssyncadd.s32 $0xFFFFC000  }
0x292: {  	[tilespmem:s4], [sflag:$0x5] =	stream.indirect.gather [hbm4b:s3+s10], $0x80, s31, s10, $0xb8;
	[tilespmem:$0x1D000] =	vst v63  }
0x293: {  	_ =	swait.ge [sflag:s19], $0x4000  }
0x294: {  	[sflag:s19] =	ssyncset.done $0x0  }
0x295: {  	s1 =	rddreg [dreg:$0x12];
	[sflag:s19] =	ssyncadd.s32 $0xFFFFC000  }
0x296: {  	[hbm4b:s1+s2] =	stream.linear.scatter [tilespmem:s8], [sflag:$0x8], $0x4000, $0x38;
	[tilespmem:$0x1D000] =	vst v63  }
0x297: {  	_ =	swait.ge [sflag:s23], $0x4000  }
0x298: {  	s30 =	sld [smem:$0x7FA]  }
0x299: {  	[sflag:s23] =	ssyncset.done $0x0  }
0x29a: {  	[sflag:s23] =	ssyncadd.s32 $0xFFFFC000  }
0x29b: {  	[tilespmem:s22], [sflag:$0x6] =	stream.indirect.gather [hbm4b:s3+s10], $0x80, s30, s10, $0xb8;
	[tilespmem:$0x1D000] =	vst v63  }
0x29c: {  	_ =	swait.ge [sflag:s17], $0x4000  }
0x29d: {  	[sflag:s17] =	ssyncset.done $0x0  }
0x29e: {  	s31 =	rddreg [dreg:$0x13];
	[sflag:s17] =	ssyncadd.s32 $0xFFFFC000  }
0x29f: {  	[hbm4b:s31+s2] =	stream.linear.scatter [tilespmem:s7], [sflag:$0x9], $0x4000, $0x38;
	[tilespmem:$0x1D000] =	vst v63  }
0x2a0: {  	_ =	swait.ge [sflag:s21], $0x4000  }
0x2a1: {  	s1 =	sld [smem:$0x7FB]  }
0x2a2: {  	[sflag:s21] =	ssyncset.done $0x0  }
0x2a3: {  	[sflag:s21] =	ssyncadd.s32 $0xFFFFC000  }
0x2a4: {  	[tilespmem:s20], [sflag:$0x7] =	stream.indirect.gather [hbm4b:s3+s10], $0x80, s1, s10, $0xb8;
	[tilespmem:$0x1D000] =	vst v63  }
0x2a5: {  	_ =	swait.ge [sflag:s15], $0x4000  }
0x2a6: {  	[sflag:s15] =	ssyncset.done $0x0  }
0x2a7: {  	s30 =	rddreg [dreg:$0x14];
	[sflag:s15] =	ssyncadd.s32 $0xFFFFC000  }
0x2a8: {  	[hbm4b:s30+s2] =	stream.linear.scatter [tilespmem:s6], [sflag:$0xA], $0x4000, $0x38;
	[tilespmem:$0x1D000] =	vst v63  }
0x2a9: {  	_ =	swait.ge [sflag:s9], $0x4000  }
0x2aa: {  	s31 =	sld [smem:$0x7FC]  }
0x2ab: {  	[sflag:s9] =	ssyncset.done $0x0  }
0x2ac: {  	[sflag:s9] =	ssyncadd.s32 $0xFFFFC000  }
0x2ad: {  	[tilespmem:s8], [sflag:$0x1] =	stream.indirect.gather [hbm4b:s3+s10], $0x80, s31, s10, $0xb8;
	[tilespmem:$0x1D000] =	vst v63  }
0x2ae: {  	_ =	swait.ge [sflag:s16], $0x4000  }
0x2af: {  	[sflag:s16] =	ssyncset.done $0x0  }
0x2b0: {  	s1 =	rddreg [dreg:$0x15];
	[sflag:s16] =	ssyncadd.s32 $0xFFFFC000  }
0x2b1: {  	[hbm4b:s1+s2] =	stream.linear.scatter [tilespmem:s5], [sflag:$0xB], $0x4000, $0x38;
	[tilespmem:$0x1D000] =	vst v63  }
0x2b2: {  	_ =	swait.ge [sflag:s11], $0x4000  }
0x2b3: {  	s30 =	sld [smem:$0x7FD]  }
0x2b4: {  	[sflag:s11] =	ssyncset.done $0x0  }
0x2b5: {  	[sflag:s11] =	ssyncadd.s32 $0xFFFFC000  }
0x2b6: {  	[tilespmem:s7], [sflag:$0x2] =	stream.indirect.gather [hbm4b:s3+s10], $0x80, s30, s10, $0xb8;
	[tilespmem:$0x1D000] =	vst v63  }
0x2b7: {  	_ =	swait.ge [sflag:s18], $0x4000  }
0x2b8: {  	[sflag:s18] =	ssyncset.done $0x0  }
0x2b9: {  	s31 =	rddreg [dreg:$0x16];
	[sflag:s18] =	ssyncadd.s32 $0xFFFFC000  }
0x2ba: {  	[hbm4b:s31+s2] =	stream.linear.scatter [tilespmem:s4], [sflag:$0xC], $0x4000, $0x38;
	[tilespmem:$0x1D000] =	vst v63  }
0x2bb: {  	_ =	swait.ge [sflag:s12], $0x4000  }
0x2bc: {  	[sflag:s12] =	ssyncset.done $0x0  }
0x2bd: {  	[sflag:s12] =	ssyncadd.s32 $0xFFFFC000  }
0x2be: {  	[tilespmem:s6], [sflag:$0x3] =	stream.indirect.gather [hbm4b:s3+s10], $0x80, s28, s10, $0xb8;
	[tilespmem:$0x1D000] =	vst v63  }
0x2bf: {  	_ =	swait.ge [sflag:s25], $0x4000  }
0x2c0: {  	[sflag:s25] =	ssyncset.done $0x0  }
0x2c1: {  	s1 =	rddreg [dreg:$0x17];
	[sflag:s25] =	ssyncadd.s32 $0xFFFFC000  }
0x2c2: {  	[hbm4b:s1+s2] =	stream.linear.scatter [tilespmem:s22], [sflag:$0xD], $0x4000, $0x38;
	[tilespmem:$0x1D000] =	vst v63  }
0x2c3: {  	_ =	swait.ge [sflag:s13], $0x4000  }
0x2c4: {  	[sflag:s13] =	ssyncset.done $0x0  }
0x2c5: {  	[sflag:s13] =	ssyncadd.s32 $0xFFFFC000  }
0x2c6: {  	[tilespmem:s5], [sflag:$0x4] =	stream.indirect.gather [hbm4b:s3+s10], $0x80, s29, s10, $0xb8;
	[tilespmem:$0x1D000] =	vst v63  }
0x2c7: {  	_ =	swait.ge [sflag:s24], $0x4000  }
0x2c8: {  	[sflag:s24] =	ssyncset.done $0x0  }
0x2c9: {  	s22 =	rddreg [dreg:$0x18];
	[sflag:s24] =	ssyncadd.s32 $0xFFFFC000  }
0x2ca: {  	[hbm4b:s22+s2] =	stream.linear.scatter [tilespmem:s20], [sflag:$0xE], $0x4000, $0x38;
	[tilespmem:$0x1D000] =	vst v63  }
0x2cb: {  	_ =	swait.ge [sflag:s14], $0x4000  }
0x2cc: {  	[sflag:s14] =	ssyncset.done $0x0  }
0x2cd: {  	s24 =	simm.s32 $0xC80;
	[sflag:s14] =	ssyncadd.s32 $0xFFFFC000  }
0x2ce: {  	[tilespmem:s4], [sflag:$0x5] =	stream.indirect.gather [hbm4b:s3+s10], $0x80, s24, s10, $0xb8;
	[tilespmem:$0x1D000] =	vst v63  }
0x2cf: {  	_ =	swait.ge [sflag:s19], $0x4000  }
0x2d0: {  	[sflag:s19] =	ssyncset.done $0x0  }
0x2d1: {  	s25 =	rddreg [dreg:$0x19];
	[sflag:s19] =	ssyncadd.s32 $0xFFFFC000  }
0x2d2: {  	[hbm4b:s25+s2] =	stream.linear.scatter [tilespmem:s8], [sflag:$0x8], $0x4000, $0x38;
	[tilespmem:$0x1D000] =	vst v63  }
0x2d3: {  	_ =	swait.ge [sflag:s17], $0x4000  }
0x2d4: {  	[sflag:s17] =	ssyncset.done $0x0  }
0x2d5: {  	s28 =	rddreg [dreg:$0x1a];
	[sflag:s17] =	ssyncadd.s32 $0xFFFFC000  }
0x2d6: {  	[hbm4b:s28+s2] =	stream.linear.scatter [tilespmem:s7], [sflag:$0x9], $0x4000, $0x38;
	[tilespmem:$0x1D000] =	vst v63  }
0x2d7: {  	_ =	swait.ge [sflag:s15], $0x4000  }
0x2d8: {  	[sflag:s15] =	ssyncset.done $0x0  }
0x2d9: {  	s29 =	rddreg [dreg:$0x1b];
	[sflag:s15] =	ssyncadd.s32 $0xFFFFC000  }
0x2da: {  	[hbm4b:s29+s2] =	stream.linear.scatter [tilespmem:s6], [sflag:$0xA], $0x4000, $0x38;
	[tilespmem:$0x1D000] =	vst v63  }
0x2db: {  	_ =	swait.ge [sflag:s16], $0x4000  }
0x2dc: {  	[sflag:s16] =	ssyncset.done $0x0  }
0x2dd: {  	s30 =	rddreg [dreg:$0x1c];
	[sflag:s16] =	ssyncadd.s32 $0xFFFFC000  }
0x2de: {  	[hbm4b:s30+s2] =	stream.linear.scatter [tilespmem:s5], [sflag:$0xB], $0x4000, $0x38;
	[tilespmem:$0x1D000] =	vst v63  }
0x2df: {  	_ =	swait.ge [sflag:s18], $0x4000  }
0x2e0: {  	[sflag:s18] =	ssyncset.done $0x0  }
0x2e1: {  	s31 =	rddreg [dreg:$0x1d];
	[sflag:s18] =	ssyncadd.s32 $0xFFFFC000  }
0x2e2: {  	[hbm4b:s31+s2] =	stream.linear.scatter [tilespmem:s4], [sflag:$0xC], $0x4000, $0x38;
	[tilespmem:$0x1D000] =	vst v63  }
0x2e3: {  	_ =	swait.ge [sflag:s23], $0x4000  }
0x2e4: {  	[sflag:s23] =	ssyncset.done $0x0  }
0x2e5: {  	[sflag:s23] =	ssyncadd.s32 $0xFFFFC000  }
0x2e6: {  	_ =	swait.ge [sflag:s21], $0x4000  }
0x2e7: {  	[sflag:s21] =	ssyncset.done $0x0  }
0x2e8: {  	[sflag:s21] =	ssyncadd.s32 $0xFFFFC000  }
0x2e9: {  	_ =	swait.ge [sflag:s9], $0x4000  }
0x2ea: {  	[sflag:s9] =	ssyncset.done $0x0  }
0x2eb: {  	[sflag:s9] =	ssyncadd.s32 $0xFFFFC000  }
0x2ec: {  	_ =	swait.ge [sflag:s11], $0x4000  }
0x2ed: {  	[sflag:s11] =	ssyncset.done $0x0  }
0x2ee: {  	[sflag:s11] =	ssyncadd.s32 $0xFFFFC000  }
0x2ef: {  	_ =	swait.ge [sflag:s12], $0x4000  }
0x2f0: {  	[sflag:s12] =	ssyncset.done $0x0  }
0x2f1: {  	[sflag:s12] =	ssyncadd.s32 $0xFFFFC000  }
0x2f2: {  	_ =	swait.ge [sflag:s13], $0x4000  }
0x2f3: {  	[sflag:s13] =	ssyncset.done $0x0  }
0x2f4: {  	[sflag:s13] =	ssyncadd.s32 $0xFFFFC000  }
0x2f5: {  	_ =	swait.ge [sflag:s14], $0x4000  }
0x2f6: {  	[sflag:s14] =	ssyncset.done $0x0  }
0x2f7: {  	[sflag:s14] =	ssyncadd.s32 $0xFFFFC000  }
0x2f8: {  	_ =	sfence.sel $0x180000  }
0x2f9: {  	[bflag:$0x0] =	sbarrier.arrive $0xFFFF  }
0x2fa: {  	_ =	strace $0x90000047  }
0x2fb: {  	[bflag:$0x2] =	sbarrier.arrive $0xFFFF  }
0x2fc: {  	p0 =	sne.s32 s26, $0x0;
	s0 =	rddreg [dreg:$0x3]  }
0x2fd: {  	s0 =	sadd.s32 @!p0 $0x100000, s0  }
0x2fe: {  	[sflag:s0] =	ssyncadd.tile.s32 @!p0 $0x1;
	_ =	shalt  }
.LBB2_1:
.Ltmp3:
0x2ff: {  	(pc) =	sbr.rel .LBB2_6-.Ltmp3, $2  }
0x300: {  	_ =	sdelay $0x2  }
0x301: {  	s28 =	simm.s32 $0xB80;
	s29 =	simm.s32 $0xC00  }
.LBB2_3:
.Ltmp4:
0x302: {  	(pc) =	sbr.rel .LBB2_6-.Ltmp4, $2  }
0x303: {  	_ =	sdelay $0x2  }
0x304: {  	s28 =	simm.s32 $0xB80;
	s29 =	simm.s32 $0xC00;
	s26 =	stileid.u32  }
.Lfunc_end2:
_tile_overlayer_lowered:
.L_overlay_start_2:
0x305: {  	(tag) =	ssettag $0x2  }
0x306: {  	s0 =	rddreg [dreg:$0x0];
	s2 =	stileid.u32  }
0x307: {  	s1 =	rddreg [dreg:$0x1];
	p0 =	sne.s32 s2, $0x0  }
0x308: {  	s3 =	rddreg [dreg:$0x2];
	[bflag:$0x3] =	sbarrier.arrive $0xFFFF;
	s2 =	simm.s32 @!p0 $0x1C0F  }
0x309: {  	[timem:s3], [sflag:s2] =	dma.local @!p0 [hbm:s0], s1  }
0x30a: {  	s0 =	simm.s32 @!p0 $0xF  }
0x30b: {  	_ =	swait.ge @!p0 [sflag:s0], s1  }
0x30c: {  	s1 =	ssub.s32 @!p0 $0x0, s1;
	[sflag:s0] =	ssyncset.done @!p0 $0x0  }
0x30d: {  	[sflag:s0] =	ssyncadd.s32 @!p0 s1  }
0x30e: {  	[bflag:$0x3] =	sbarrier.arrive $0xFFFF  }
0x30f: {  	_ =	shalt  }

</sc_bundles>
